<compile_context>
chip_gen: v7x
topology: tpu7x:2x2x1
jax: 0.10.2.dev20260603
libtpu: 0.0.44.dev20260713+nightly
codegen_flags: <defaults>
</compile_context>

<pallas_src>
import functools

import jax
import jax.numpy as jnp
from jax import lax
from jax.experimental import pallas as pl
from jax.experimental.pallas import tpu as pltpu
import jax.experimental.pallas.tpu_sc as plsc

N = 10000
E = 320000
D = 128
H = 128
OUT = 128

NC = 2
NS = 16
NW = NC * NS
EPW = E // NW
C = 80
NCHUNK = (EPW + C - 1) // C
EPWP = NCHUNK * C
NROW = N + 8
RB = 40
NRB = N // RB
NB = 3


def _sc_segment_sum(W_edge, srcp, dstp):
    mesh = plsc.VectorSubcoreMesh(
        core_axis_name="c", subcore_axis_name="s",
        num_cores=NC, num_subcores=NS)

    @functools.partial(
        pl.kernel,
        mesh=mesh,
        out_type=jax.ShapeDtypeStruct((NC, N, H), jnp.float32),
        scratch_types=[
            pltpu.VMEM((NB, C), jnp.int32),
            pltpu.VMEM((NB, C), jnp.int32),
            pltpu.VMEM((C, H), jnp.float32),
            pltpu.VMEM((C, H), jnp.float32),
            pltpu.VMEM((C, H), jnp.float32),
            pltpu.VMEM_SHARED((NROW, H), jnp.float32),
            pltpu.SemaphoreType.DMA((NB,)),
            pltpu.SemaphoreType.DMA((NB,)),
            pltpu.SemaphoreType.DMA((NB,)),
        ],
    )
    def k(w_hbm, src_hbm, dst_hbm, out_hbm,
          src_v, dst_v, rows0, rows1, rows2, acc, semS, semD, semG):
        cid = lax.axis_index("c")
        sid = lax.axis_index("s")
        wid = sid * NC + cid
        rows = (rows0, rows1, rows2)

        def load_idx(i, b):
            base = wid * EPWP + i * C
            pltpu.async_copy(src_hbm.at[pl.ds(base, C)], src_v.at[b],
                             semS.at[b])
            pltpu.async_copy(dst_hbm.at[pl.ds(base, C)], dst_v.at[b],
                             semD.at[b])

        def wait_idx(i, b):
            base = wid * EPWP + i * C
            pltpu.make_async_copy(src_hbm.at[pl.ds(base, C)], src_v.at[b],
                                  semS.at[b]).wait()
            pltpu.make_async_copy(dst_hbm.at[pl.ds(base, C)], dst_v.at[b],
                                  semD.at[b]).wait()

        def gather(b):
            pltpu.async_copy(w_hbm.at[src_v.at[b]], rows[b], semG.at[b])

        def wait_gather(b):
            pltpu.make_async_copy(w_hbm.at[src_v.at[b]], rows[b],
                                  semG.at[b]).wait()

        def scat(b):
            pltpu.sync_copy(rows[b], acc.at[dst_v.at[b]], add=True)

        for b in range(NB):
            load_idx(b, b)

        def zero_row(r, carry):
            for g in range(H // 16):
                rows0[r, pl.ds(g * 16, 16)] = jnp.zeros((16,), jnp.float32)
            return carry
        lax.fori_loop(0, RB, zero_row, 0)
        for j in range((NRB + NS - 1) // NS):
            g = sid + j * NS
            @pl.when(g < NRB)
            def _():
                pltpu.sync_copy(rows0.at[pl.ds(0, RB)],
                                acc.at[pl.ds(g * RB, RB)])
        wait_idx(0, 0)
        gather(0)
        wait_idx(1, 1)
        gather(1)
        plsc.subcore_barrier()

        def half(i, b):
            wait_gather(b)
            scat(b)
            @pl.when(i + 2 < NCHUNK)
            def _():
                wait_idx(i + 2, (b + 2) % NB)
                gather((b + 2) % NB)
            @pl.when(i + 3 < NCHUNK)
            def _():
                load_idx(i + 3, b)

        def body(p, carry):
            half(3 * p, 0)
            half(3 * p + 1, 1)
            half(3 * p + 2, 2)
            return carry
        lax.fori_loop(0, NCHUNK // 3, body, 0)
        for r in range(NCHUNK - (NCHUNK // 3) * 3):
            half((NCHUNK // 3) * 3 + r, r)
        plsc.subcore_barrier()

        for j in range((NRB + NS - 1) // NS):
            g = sid + j * NS
            @pl.when(g < NRB)
            def _():
                pltpu.sync_copy(acc.at[pl.ds(g * RB, RB)],
                                out_hbm.at[cid, pl.ds(g * RB, RB)])

    return k(W_edge, srcp, dstp)


BN = 2000


def _tc_tail_kernel(s_ref, x_ref, wc1_ref, bc1_ref, wn_ref, bn_ref,
                    wc2_ref, bc2_ref, wf_ref, bf_ref, be_ref, out_ref):
    s = s_ref[0] + s_ref[1] + be_ref[...]
    t = s + jnp.dot(s, wc1_ref[...], preferred_element_type=jnp.float32) \
        + bc1_ref[...]
    h = jnp.dot(x_ref[...], wn_ref[...], preferred_element_type=jnp.float32) \
        + bn_ref[...]
    t = t + h + jnp.dot(h, wc2_ref[...], preferred_element_type=jnp.float32) \
        + bc2_ref[...]
    t = jnp.maximum(t, 0.0)
    out_ref[...] = jnp.dot(t, wf_ref[...],
                           preferred_element_type=jnp.float32) + bf_ref[...]


def _tc_tail(S2, x, W_cat1, b_cat1, W_node, b_node, W_cat2, b_cat2,
             W_final, b_final, b_edge):
    full = lambda shape: pl.BlockSpec(shape, lambda i: (0, 0))
    return pl.pallas_call(
        _tc_tail_kernel,
        grid=(N // BN,),
        in_specs=[
            pl.BlockSpec((NC, BN, H), lambda i: (0, i, 0)),
            pl.BlockSpec((BN, D), lambda i: (i, 0)),
            full((H, H)), full((1, H)),
            full((D, H)), full((1, H)),
            full((H, H)), full((1, H)),
            full((H, OUT)), full((1, OUT)),
            full((1, H)),
        ],
        out_specs=pl.BlockSpec((BN, OUT), lambda i: (i, 0)),
        out_shape=jax.ShapeDtypeStruct((N, OUT), jnp.float32),
    )(S2, x, W_cat1, b_cat1, W_node, b_node, W_cat2, b_cat2,
      W_final, b_final, b_edge)


def kernel(x, edge_index, W_edge, b_edge, W_node, b_node,
           W_cat1, b_cat1, W_cat2, b_cat2, W_final, b_final):
    pad = EPWP - EPW
    srcp = jnp.pad(edge_index[0].reshape(NW, EPW), ((0, 0), (0, pad)),
                   constant_values=0).reshape(NW * EPWP)
    padblk = jnp.broadcast_to(N + (jnp.arange(pad, dtype=jnp.int32) % 8),
                              (NW, pad))
    dstp = jnp.concatenate(
        [edge_index[1].reshape(NW, EPW), padblk], axis=1).reshape(NW * EPWP)
    S2 = _sc_segment_sum(W_edge, srcp, dstp)
    return _tc_tail(S2, x,
                    W_cat1, b_cat1.reshape(1, H),
                    W_node, b_node.reshape(1, H),
                    W_cat2, b_cat2.reshape(1, H),
                    W_final, b_final.reshape(1, OUT),
                    b_edge.reshape(1, H))

# --- scband reference (transcript-rebuilt; emitter-appended) ---
"""Pipeline reference for scband-linkx-9285719294274 (READ-ONLY COPY).

The authoritative reference and input builder live on the scoring server;
editing this copy changes nothing except your own understanding.
"""

import jax, jax.numpy as jnp
import numpy as np
import math

N = 10000   # num_nodes
E = 320000  # num_edges
D = 128     # in_channels
H = 128     # hidden_channels
OUT = 128   # out_channels


def _uniform(key, shape, bound):
    return jax.random.uniform(key, shape, dtype=jnp.float32, minval=-bound, maxval=bound)


def setup_inputs(seed: int = 0) -> dict:
    key = jax.random.key(seed)
    ks = jax.random.split(key, 12)
    x = jax.random.normal(ks[0], (N, D), dtype=jnp.float32)
    edge_index = jax.random.randint(ks[1], (2, E), 0, N, dtype=jnp.int32)
    # SparseLinear: weight [num_nodes, hidden], kaiming-uniform-ish init
    bw = 1.0 / math.sqrt(N)
    W_edge = _uniform(ks[2], (N, H), bw)
    b_edge = _uniform(ks[3], (H,), bw)
    bn = 1.0 / math.sqrt(D)
    W_node = _uniform(ks[4], (D, H), bn)
    b_node = _uniform(ks[5], (H,), bn)
    bh = 1.0 / math.sqrt(H)
    W_cat1 = _uniform(ks[6], (H, H), bh)
    b_cat1 = _uniform(ks[7], (H,), bh)
    W_cat2 = _uniform(ks[8], (H, H), bh)
    b_cat2 = _uniform(ks[9], (H,), bh)
    W_final = _uniform(ks[10], (H, OUT), bh)
    b_final = _uniform(ks[11], (OUT,), bh)
    return {
        "x": x, "edge_index": edge_index,
        "W_edge": W_edge, "b_edge": b_edge,
        "W_node": W_node, "b_node": b_node,
        "W_cat1": W_cat1, "b_cat1": b_cat1,
        "W_cat2": W_cat2, "b_cat2": b_cat2,
        "W_final": W_final, "b_final": b_final,
    }


def reference(x, edge_index, W_edge, b_edge, W_node, b_node,
              W_cat1, b_cat1, W_cat2, b_cat2, W_final, b_final):
    src = edge_index[0]
    dst = edge_index[1]
    # SparseLinear: gather weight rows by src node, scatter-add to dst node
    msgs = jnp.take(W_edge, src, axis=0)                # [E, H]
    out = jax.ops.segment_sum(msgs, dst, num_segments=N)  # [N, H]
    out = out + b_edge
    # num_edge_layers == 1 -> no edge_norm / edge_mlp
    out = out + (out @ W_cat1 + b_cat1)
    # node_mlp: single linear layer (num_node_layers=1, plain last layer)
    h = x @ W_node + b_node
    out = out + h
    out = out + (h @ W_cat2 + b_cat2)
    out = jax.nn.relu(out)
    # final_mlp: num_layers=1 -> single linear layer [H -> OUT]
    return out @ W_final + b_final

if __name__ == "__main__":
    import jax
    _d = setup_inputs()
    print(jax.jit(kernel)(*tuple(_d.values())))

</pallas_src>

<mosaic_0001>
#map = affine_map<(d0, d1) -> (0, 0)>
#map1 = affine_map<(d0, d1) -> (0)>
#map2 = affine_map<(d0, d1) -> (0, 0, 0)>
module attributes {stable_mosaic.version = 14 : i64} {
  func.func @k(%arg0: i32, %arg1: i32, %arg2: memref<10000x128xf32, #tpu.memory_space<hbm>>, %arg3: memref<320000xi32, #tpu.memory_space<hbm>>, %arg4: memref<320000xi32, #tpu.memory_space<hbm>>, %arg5: memref<2x10000x128xf32, #tpu.memory_space<hbm>>, %arg6: memref<3x80xi32, #tpu.memory_space<vmem>>, %arg7: memref<3x80xi32, #tpu.memory_space<vmem>>, %arg8: memref<80x128xf32, #tpu.memory_space<vmem>>, %arg9: memref<80x128xf32, #tpu.memory_space<vmem>>, %arg10: memref<80x128xf32, #tpu.memory_space<vmem>>, %arg11: memref<10008x128xf32, #tpu.memory_space<vmem_shared>>, %arg12: memref<3x!tpu.dma_semaphore, #tpu.memory_space<semaphore_mem>>, %arg13: memref<3x!tpu.dma_semaphore, #tpu.memory_space<semaphore_mem>>, %arg14: memref<3x!tpu.dma_semaphore, #tpu.memory_space<semaphore_mem>>) attributes {dimension_semantics = [#tpu.dimension_semantics<core_parallel>, #tpu.dimension_semantics<subcore_parallel>], iteration_bounds = array<i64: 2, 16>, scalar_prefetch = 0 : i64, scratch_operands = 9 : i64, tpu.core_type = #tpu.core_type<sc_vector_subcore>, window_params = [{transform_indices = #map}, {transform_indices = #map1}, {transform_indices = #map1}, {transform_indices = #map2}]} {
    %mul3A = arith.constant 2 : i32
    %mul3A_0 = arith.muli %arg1, %mul3A : i32
    %add3A = arith.addi %mul3A_0, %arg0 : i32
    %mul3A_1 = arith.constant 10000 : i32
    %mul3A_2 = arith.muli %add3A, %mul3A_1 : i32
    %add3A_3 = arith.constant 0 : i32
    %add3A_4 = arith.addi %mul3A_2, %add3A_3 : i32
    %dma_start3A = arith.constant 0 : i32
    %dma_start3A_5 = arith.constant 0 : i32
    %dma_start3A_6 = arith.constant 0 : i32
    %dma_start3A_7 = tpu.memref_slice %arg6[%dma_start3A, %dma_start3A_6] : memref<3x80xi32, #tpu.memory_space<vmem>> -> memref<1x80xi32, #tpu.memory_space<vmem>>
    %dma_start3A_8 = tpu.memref_squeeze %dma_start3A_7 : memref<1x80xi32, #tpu.memory_space<vmem>> -> memref<80xi32, #tpu.memory_space<vmem>>
    %dma_start3A_9 = tpu.memref_slice %arg3[%add3A_4] : memref<320000xi32, #tpu.memory_space<hbm>> -> memref<80xi32, #tpu.memory_space<hbm>>
    %dma_start3A_10 = tpu.memref_slice %arg12[%dma_start3A_5] : memref<3x!tpu.dma_semaphore, #tpu.memory_space<semaphore_mem>> -> memref<1x!tpu.dma_semaphore, #tpu.memory_space<semaphore_mem>>
    %dma_start3A_11 = tpu.memref_squeeze %dma_start3A_10 : memref<1x!tpu.dma_semaphore, #tpu.memory_space<semaphore_mem>> -> memref<!tpu.dma_semaphore, #tpu.memory_space<semaphore_mem>>
    %dma_start3A_12 = arith.constant 0 : i32
    %dma_start3A_13 = tpu.memref_slice %arg6[%dma_start3A, %dma_start3A_12] : memref<3x80xi32, #tpu.memory_space<vmem>> -> memref<1x80xi32, #tpu.memory_space<vmem>>
    %dma_start3A_14 = tpu.memref_squeeze %dma_start3A_13 : memref<1x80xi32, #tpu.memory_space<vmem>> -> memref<80xi32, #tpu.memory_space<vmem>>
    %dma_start3A_15 = tpu.memref_slice %arg3[%add3A_4] : memref<320000xi32, #tpu.memory_space<hbm>> -> memref<80xi32, #tpu.memory_space<hbm>>
    tpu.enqueue_dma source(%dma_start3A_15 : memref<80xi32, #tpu.memory_space<hbm>>) target(%dma_start3A_14 : memref<80xi32, #tpu.memory_space<vmem>>) target_semaphore(%dma_start3A_11 : memref<!tpu.dma_semaphore, #tpu.memory_space<semaphore_mem>>)
    %dma_start3A_16 = arith.constant 0 : i32
    %dma_start3A_17 = arith.constant 0 : i32
    %dma_start3A_18 = arith.constant 0 : i32
    %dma_start3A_19 = tpu.memref_slice %arg7[%dma_start3A_16, %dma_start3A_18] : memref<3x80xi32, #tpu.memory_space<vmem>> -> memref<1x80xi32, #tpu.memory_space<vmem>>
    %dma_start3A_20 = tpu.memref_squeeze %dma_start3A_19 : memref<1x80xi32, #tpu.memory_space<vmem>> -> memref<80xi32, #tpu.memory_space<vmem>>
    %dma_start3A_21 = tpu.memref_slice %arg4[%add3A_4] : memref<320000xi32, #tpu.memory_space<hbm>> -> memref<80xi32, #tpu.memory_space<hbm>>
    %dma_start3A_22 = tpu.memref_slice %arg13[%dma_start3A_17] : memref<3x!tpu.dma_semaphore, #tpu.memory_space<semaphore_mem>> -> memref<1x!tpu.dma_semaphore, #tpu.memory_space<semaphore_mem>>
    %dma_start3A_23 = tpu.memref_squeeze %dma_start3A_22 : memref<1x!tpu.dma_semaphore, #tpu.memory_space<semaphore_mem>> -> memref<!tpu.dma_semaphore, #tpu.memory_space<semaphore_mem>>
    %dma_start3A_24 = arith.constant 0 : i32
    %dma_start3A_25 = tpu.memref_slice %arg7[%dma_start3A_16, %dma_start3A_24] : memref<3x80xi32, #tpu.memory_space<vmem>> -> memref<1x80xi32, #tpu.memory_space<vmem>>
    %dma_start3A_26 = tpu.memref_squeeze %dma_start3A_25 : memref<1x80xi32, #tpu.memory_space<vmem>> -> memref<80xi32, #tpu.memory_space<vmem>>
    %dma_start3A_27 = tpu.memref_slice %arg4[%add3A_4] : memref<320000xi32, #tpu.memory_space<hbm>> -> memref<80xi32, #tpu.memory_space<hbm>>
    tpu.enqueue_dma source(%dma_start3A_27 : memref<80xi32, #tpu.memory_space<hbm>>) target(%dma_start3A_26 : memref<80xi32, #tpu.memory_space<vmem>>) target_semaphore(%dma_start3A_23 : memref<!tpu.dma_semaphore, #tpu.memory_space<semaphore_mem>>)
    %mul3A_28 = arith.constant 10000 : i32
    %mul3A_29 = arith.muli %add3A, %mul3A_28 : i32
    %add3A_30 = arith.constant 80 : i32
    %add3A_31 = arith.addi %mul3A_29, %add3A_30 : i32
    %dma_start3A_32 = arith.constant 1 : i32
    %dma_start3A_33 = arith.constant 1 : i32
    %dma_start3A_34 = arith.constant 0 : i32
    %dma_start3A_35 = tpu.memref_slice %arg6[%dma_start3A_32, %dma_start3A_34] : memref<3x80xi32, #tpu.memory_space<vmem>> -> memref<1x80xi32, #tpu.memory_space<vmem>>
    %dma_start3A_36 = tpu.memref_squeeze %dma_start3A_35 : memref<1x80xi32, #tpu.memory_space<vmem>> -> memref<80xi32, #tpu.memory_space<vmem>>
    %dma_start3A_37 = tpu.memref_slice %arg3[%add3A_31] : memref<320000xi32, #tpu.memory_space<hbm>> -> memref<80xi32, #tpu.memory_space<hbm>>
    %dma_start3A_38 = tpu.memref_slice %arg12[%dma_start3A_33] : memref<3x!tpu.dma_semaphore, #tpu.memory_space<semaphore_mem>> -> memref<1x!tpu.dma_semaphore, #tpu.memory_space<semaphore_mem>>
    %dma_start3A_39 = tpu.memref_squeeze %dma_start3A_38 : memref<1x!tpu.dma_semaphore, #tpu.memory_space<semaphore_mem>> -> memref<!tpu.dma_semaphore, #tpu.memory_space<semaphore_mem>>
    %dma_start3A_40 = arith.constant 0 : i32
    %dma_start3A_41 = tpu.memref_slice %arg6[%dma_start3A_32, %dma_start3A_40] : memref<3x80xi32, #tpu.memory_space<vmem>> -> memref<1x80xi32, #tpu.memory_space<vmem>>
    %dma_start3A_42 = tpu.memref_squeeze %dma_start3A_41 : memref<1x80xi32, #tpu.memory_space<vmem>> -> memref<80xi32, #tpu.memory_space<vmem>>
    %dma_start3A_43 = tpu.memref_slice %arg3[%add3A_31] : memref<320000xi32, #tpu.memory_space<hbm>> -> memref<80xi32, #tpu.memory_space<hbm>>
    tpu.enqueue_dma source(%dma_start3A_43 : memref<80xi32, #tpu.memory_space<hbm>>) target(%dma_start3A_42 : memref<80xi32, #tpu.memory_space<vmem>>) target_semaphore(%dma_start3A_39 : memref<!tpu.dma_semaphore, #tpu.memory_space<semaphore_mem>>)
    %dma_start3A_44 = arith.constant 1 : i32
    %dma_start3A_45 = arith.constant 1 : i32
    %dma_start3A_46 = arith.constant 0 : i32
    %dma_start3A_47 = tpu.memref_slice %arg7[%dma_start3A_44, %dma_start3A_46] : memref<3x80xi32, #tpu.memory_space<vmem>> -> memref<1x80xi32, #tpu.memory_space<vmem>>
    %dma_start3A_48 = tpu.memref_squeeze %dma_start3A_47 : memref<1x80xi32, #tpu.memory_space<vmem>> -> memref<80xi32, #tpu.memory_space<vmem>>
    %dma_start3A_49 = tpu.memref_slice %arg4[%add3A_31] : memref<320000xi32, #tpu.memory_space<hbm>> -> memref<80xi32, #tpu.memory_space<hbm>>
    %dma_start3A_50 = tpu.memref_slice %arg13[%dma_start3A_45] : memref<3x!tpu.dma_semaphore, #tpu.memory_space<semaphore_mem>> -> memref<1x!tpu.dma_semaphore, #tpu.memory_space<semaphore_mem>>
    %dma_start3A_51 = tpu.memref_squeeze %dma_start3A_50 : memref<1x!tpu.dma_semaphore, #tpu.memory_space<semaphore_mem>> -> memref<!tpu.dma_semaphore, #tpu.memory_space<semaphore_mem>>
    %dma_start3A_52 = arith.constant 0 : i32
    %dma_start3A_53 = tpu.memref_slice %arg7[%dma_start3A_44, %dma_start3A_52] : memref<3x80xi32, #tpu.memory_space<vmem>> -> memref<1x80xi32, #tpu.memory_space<vmem>>
    %dma_start3A_54 = tpu.memref_squeeze %dma_start3A_53 : memref<1x80xi32, #tpu.memory_space<vmem>> -> memref<80xi32, #tpu.memory_space<vmem>>
    %dma_start3A_55 = tpu.memref_slice %arg4[%add3A_31] : memref<320000xi32, #tpu.memory_space<hbm>> -> memref<80xi32, #tpu.memory_space<hbm>>
    tpu.enqueue_dma source(%dma_start3A_55 : memref<80xi32, #tpu.memory_space<hbm>>) target(%dma_start3A_54 : memref<80xi32, #tpu.memory_space<vmem>>) target_semaphore(%dma_start3A_51 : memref<!tpu.dma_semaphore, #tpu.memory_space<semaphore_mem>>)
    %mul3A_56 = arith.constant 10000 : i32
    %mul3A_57 = arith.muli %add3A, %mul3A_56 : i32
    %add3A_58 = arith.constant 160 : i32
    %add3A_59 = arith.addi %mul3A_57, %add3A_58 : i32
    %dma_start3A_60 = arith.constant 2 : i32
    %dma_start3A_61 = arith.constant 2 : i32
    %dma_start3A_62 = arith.constant 0 : i32
    %dma_start3A_63 = tpu.memref_slice %arg6[%dma_start3A_60, %dma_start3A_62] : memref<3x80xi32, #tpu.memory_space<vmem>> -> memref<1x80xi32, #tpu.memory_space<vmem>>
    %dma_start3A_64 = tpu.memref_squeeze %dma_start3A_63 : memref<1x80xi32, #tpu.memory_space<vmem>> -> memref<80xi32, #tpu.memory_space<vmem>>
    %dma_start3A_65 = tpu.memref_slice %arg3[%add3A_59] : memref<320000xi32, #tpu.memory_space<hbm>> -> memref<80xi32, #tpu.memory_space<hbm>>
    %dma_start3A_66 = tpu.memref_slice %arg12[%dma_start3A_61] : memref<3x!tpu.dma_semaphore, #tpu.memory_space<semaphore_mem>> -> memref<1x!tpu.dma_semaphore, #tpu.memory_space<semaphore_mem>>
    %dma_start3A_67 = tpu.memref_squeeze %dma_start3A_66 : memref<1x!tpu.dma_semaphore, #tpu.memory_space<semaphore_mem>> -> memref<!tpu.dma_semaphore, #tpu.memory_space<semaphore_mem>>
    %dma_start3A_68 = arith.constant 0 : i32
    %dma_start3A_69 = tpu.memref_slice %arg6[%dma_start3A_60, %dma_start3A_68] : memref<3x80xi32, #tpu.memory_space<vmem>> -> memref<1x80xi32, #tpu.memory_space<vmem>>
    %dma_start3A_70 = tpu.memref_squeeze %dma_start3A_69 : memref<1x80xi32, #tpu.memory_space<vmem>> -> memref<80xi32, #tpu.memory_space<vmem>>
    %dma_start3A_71 = tpu.memref_slice %arg3[%add3A_59] : memref<320000xi32, #tpu.memory_space<hbm>> -> memref<80xi32, #tpu.memory_space<hbm>>
    tpu.enqueue_dma source(%dma_start3A_71 : memref<80xi32, #tpu.memory_space<hbm>>) target(%dma_start3A_70 : memref<80xi32, #tpu.memory_space<vmem>>) target_semaphore(%dma_start3A_67 : memref<!tpu.dma_semaphore, #tpu.memory_space<semaphore_mem>>)
    %dma_start3A_72 = arith.constant 2 : i32
    %dma_start3A_73 = arith.constant 2 : i32
    %dma_start3A_74 = arith.constant 0 : i32
    %dma_start3A_75 = tpu.memref_slice %arg7[%dma_start3A_72, %dma_start3A_74] : memref<3x80xi32, #tpu.memory_space<vmem>> -> memref<1x80xi32, #tpu.memory_space<vmem>>
    %dma_start3A_76 = tpu.memref_squeeze %dma_start3A_75 : memref<1x80xi32, #tpu.memory_space<vmem>> -> memref<80xi32, #tpu.memory_space<vmem>>
    %dma_start3A_77 = tpu.memref_slice %arg4[%add3A_59] : memref<320000xi32, #tpu.memory_space<hbm>> -> memref<80xi32, #tpu.memory_space<hbm>>
    %dma_start3A_78 = tpu.memref_slice %arg13[%dma_start3A_73] : memref<3x!tpu.dma_semaphore, #tpu.memory_space<semaphore_mem>> -> memref<1x!tpu.dma_semaphore, #tpu.memory_space<semaphore_mem>>
    %dma_start3A_79 = tpu.memref_squeeze %dma_start3A_78 : memref<1x!tpu.dma_semaphore, #tpu.memory_space<semaphore_mem>> -> memref<!tpu.dma_semaphore, #tpu.memory_space<semaphore_mem>>
    %dma_start3A_80 = arith.constant 0 : i32
    %dma_start3A_81 = tpu.memref_slice %arg7[%dma_start3A_72, %dma_start3A_80] : memref<3x80xi32, #tpu.memory_space<vmem>> -> memref<1x80xi32, #tpu.memory_space<vmem>>
    %dma_start3A_82 = tpu.memref_squeeze %dma_start3A_81 : memref<1x80xi32, #tpu.memory_space<vmem>> -> memref<80xi32, #tpu.memory_space<vmem>>
    %dma_start3A_83 = tpu.memref_slice %arg4[%add3A_59] : memref<320000xi32, #tpu.memory_space<hbm>> -> memref<80xi32, #tpu.memory_space<hbm>>
    tpu.enqueue_dma source(%dma_start3A_83 : memref<80xi32, #tpu.memory_space<hbm>>) target(%dma_start3A_82 : memref<80xi32, #tpu.memory_space<vmem>>) target_semaphore(%dma_start3A_79 : memref<!tpu.dma_semaphore, #tpu.memory_space<semaphore_mem>>)
    %scan3A = arith.constant 0 : i32
    %scan3A_84 = arith.constant 0 : i32
    %scan3A_85 = arith.constant 40 : i32
    %scan3A_86 = arith.addi %scan3A_84, %scan3A_85 : i32
    %scan3A_87 = arith.constant 1 : i32
    scf.for %scan3A_413 = %scan3A_84 to %scan3A_86 step %scan3A_87  : i32 {
      %broadcast_in_dim3A = arith.constant 0.000000e+00 : f32
      %broadcast_in_dim3A_414 = vector.broadcast %broadcast_in_dim3A : f32 to vector<16xf32>
      %swap3A = arith.index_cast %scan3A_413 : i32 to index
      %swap3A_415 = arith.constant 0 : index
      %swap3A_416 = tpu.vector_load %arg8[%swap3A, %swap3A_415] {strides = array<i32>} : memref<80x128xf32, #tpu.memory_space<vmem>>, vector<1x16xf32>,
      %swap3A_417 = vector.shape_cast %swap3A_416 : vector<1x16xf32> to vector<16xf32>
      %swap3A_418 = vector.shape_cast %broadcast_in_dim3A_414 : vector<16xf32> to vector<1x16xf32>
      tpu.vector_store %arg8[%swap3A, %swap3A_415], %swap3A_418 {strides = array<i32>} : memref<80x128xf32, #tpu.memory_space<vmem>>, vector<1x16xf32>,
      %broadcast_in_dim3A_419 = arith.constant 0.000000e+00 : f32
      %broadcast_in_dim3A_420 = vector.broadcast %broadcast_in_dim3A_419 : f32 to vector<16xf32>
      %swap3A_421 = arith.index_cast %scan3A_413 : i32 to index
      %swap3A_422 = arith.constant 16 : index
      %swap3A_423 = tpu.vector_load %arg8[%swap3A_421, %swap3A_422] {strides = array<i32>} : memref<80x128xf32, #tpu.memory_space<vmem>>, vector<1x16xf32>,
      %swap3A_424 = vector.shape_cast %swap3A_423 : vector<1x16xf32> to vector<16xf32>
      %swap3A_425 = vector.shape_cast %broadcast_in_dim3A_420 : vector<16xf32> to vector<1x16xf32>
      tpu.vector_store %arg8[%swap3A_421, %swap3A_422], %swap3A_425 {strides = array<i32>} : memref<80x128xf32, #tpu.memory_space<vmem>>, vector<1x16xf32>,
      %broadcast_in_dim3A_426 = arith.constant 0.000000e+00 : f32
      %broadcast_in_dim3A_427 = vector.broadcast %broadcast_in_dim3A_426 : f32 to vector<16xf32>
      %swap3A_428 = arith.index_cast %scan3A_413 : i32 to index
      %swap3A_429 = arith.constant 32 : index
      %swap3A_430 = tpu.vector_load %arg8[%swap3A_428, %swap3A_429] {strides = array<i32>} : memref<80x128xf32, #tpu.memory_space<vmem>>, vector<1x16xf32>,
      %swap3A_431 = vector.shape_cast %swap3A_430 : vector<1x16xf32> to vector<16xf32>
      %swap3A_432 = vector.shape_cast %broadcast_in_dim3A_427 : vector<16xf32> to vector<1x16xf32>
      tpu.vector_store %arg8[%swap3A_428, %swap3A_429], %swap3A_432 {strides = array<i32>} : memref<80x128xf32, #tpu.memory_space<vmem>>, vector<1x16xf32>,
      %broadcast_in_dim3A_433 = arith.constant 0.000000e+00 : f32
      %broadcast_in_dim3A_434 = vector.broadcast %broadcast_in_dim3A_433 : f32 to vector<16xf32>
      %swap3A_435 = arith.index_cast %scan3A_413 : i32 to index
      %swap3A_436 = arith.constant 48 : index
      %swap3A_437 = tpu.vector_load %arg8[%swap3A_435, %swap3A_436] {strides = array<i32>} : memref<80x128xf32, #tpu.memory_space<vmem>>, vector<1x16xf32>,
      %swap3A_438 = vector.shape_cast %swap3A_437 : vector<1x16xf32> to vector<16xf32>
      %swap3A_439 = vector.shape_cast %broadcast_in_dim3A_434 : vector<16xf32> to vector<1x16xf32>
      tpu.vector_store %arg8[%swap3A_435, %swap3A_436], %swap3A_439 {strides = array<i32>} : memref<80x128xf32, #tpu.memory_space<vmem>>, vector<1x16xf32>,
      %broadcast_in_dim3A_440 = arith.constant 0.000000e+00 : f32
      %broadcast_in_dim3A_441 = vector.broadcast %broadcast_in_dim3A_440 : f32 to vector<16xf32>
      %swap3A_442 = arith.index_cast %scan3A_413 : i32 to index
      %swap3A_443 = arith.constant 64 : index
      %swap3A_444 = tpu.vector_load %arg8[%swap3A_442, %swap3A_443] {strides = array<i32>} : memref<80x128xf32, #tpu.memory_space<vmem>>, vector<1x16xf32>,
      %swap3A_445 = vector.shape_cast %swap3A_444 : vector<1x16xf32> to vector<16xf32>
      %swap3A_446 = vector.shape_cast %broadcast_in_dim3A_441 : vector<16xf32> to vector<1x16xf32>
      tpu.vector_store %arg8[%swap3A_442, %swap3A_443], %swap3A_446 {strides = array<i32>} : memref<80x128xf32, #tpu.memory_space<vmem>>, vector<1x16xf32>,
      %broadcast_in_dim3A_447 = arith.constant 0.000000e+00 : f32
      %broadcast_in_dim3A_448 = vector.broadcast %broadcast_in_dim3A_447 : f32 to vector<16xf32>
      %swap3A_449 = arith.index_cast %scan3A_413 : i32 to index
      %swap3A_450 = arith.constant 80 : index
      %swap3A_451 = tpu.vector_load %arg8[%swap3A_449, %swap3A_450] {strides = array<i32>} : memref<80x128xf32, #tpu.memory_space<vmem>>, vector<1x16xf32>,
      %swap3A_452 = vector.shape_cast %swap3A_451 : vector<1x16xf32> to vector<16xf32>
      %swap3A_453 = vector.shape_cast %broadcast_in_dim3A_448 : vector<16xf32> to vector<1x16xf32>
      tpu.vector_store %arg8[%swap3A_449, %swap3A_450], %swap3A_453 {strides = array<i32>} : memref<80x128xf32, #tpu.memory_space<vmem>>, vector<1x16xf32>,
      %broadcast_in_dim3A_454 = arith.constant 0.000000e+00 : f32
      %broadcast_in_dim3A_455 = vector.broadcast %broadcast_in_dim3A_454 : f32 to vector<16xf32>
      %swap3A_456 = arith.index_cast %scan3A_413 : i32 to index
      %swap3A_457 = arith.constant 96 : index
      %swap3A_458 = tpu.vector_load %arg8[%swap3A_456, %swap3A_457] {strides = array<i32>} : memref<80x128xf32, #tpu.memory_space<vmem>>, vector<1x16xf32>,
      %swap3A_459 = vector.shape_cast %swap3A_458 : vector<1x16xf32> to vector<16xf32>
      %swap3A_460 = vector.shape_cast %broadcast_in_dim3A_455 : vector<16xf32> to vector<1x16xf32>
      tpu.vector_store %arg8[%swap3A_456, %swap3A_457], %swap3A_460 {strides = array<i32>} : memref<80x128xf32, #tpu.memory_space<vmem>>, vector<1x16xf32>,
      %broadcast_in_dim3A_461 = arith.constant 0.000000e+00 : f32
      %broadcast_in_dim3A_462 = vector.broadcast %broadcast_in_dim3A_461 : f32 to vector<16xf32>
      %swap3A_463 = arith.index_cast %scan3A_413 : i32 to index
      %swap3A_464 = arith.constant 112 : index
      %swap3A_465 = tpu.vector_load %arg8[%swap3A_463, %swap3A_464] {strides = array<i32>} : memref<80x128xf32, #tpu.memory_space<vmem>>, vector<1x16xf32>,
      %swap3A_466 = vector.shape_cast %swap3A_465 : vector<1x16xf32> to vector<16xf32>
      %swap3A_467 = vector.shape_cast %broadcast_in_dim3A_462 : vector<16xf32> to vector<1x16xf32>
      tpu.vector_store %arg8[%swap3A_463, %swap3A_464], %swap3A_467 {strides = array<i32>} : memref<80x128xf32, #tpu.memory_space<vmem>>, vector<1x16xf32>,
    }
    %scan3A_88 = arith.constant 40 : i32
    %add3A_89 = arith.constant 0 : i32
    %add3A_90 = arith.addi %arg1, %add3A_89 : i32
    %lt3A = arith.constant 250 : i32
    %lt3A_91 = arith.cmpi slt, %add3A_90, %lt3A : i32
    %convert_element_type3A = arith.extui %lt3A_91 : i1 to i32
    %cond3A = arith.constant 0 : i32
    %cond3A_92 = arith.cmpi ne, %convert_element_type3A, %cond3A : i32
    scf.if %cond3A_92 {
      %mul3A_413 = arith.constant 40 : i32
      %mul3A_414 = arith.muli %add3A_90, %mul3A_413 : i32
      "tpu.region"() ({
        %run_scoped3A_415 = tpu.sem_alloc : memref<!tpu.dma_semaphore, #tpu.memory_space<semaphore_mem>>
        %dma_start3A_416 = arith.constant 0 : i32
        %dma_start3A_417 = arith.constant 0 : i32
        %dma_start3A_418 = tpu.memref_slice %arg8[%dma_start3A_416, %dma_start3A_417] : memref<80x128xf32, #tpu.memory_space<vmem>> -> memref<40x128xf32, #tpu.memory_space<vmem>>
        %dma_start3A_419 = arith.constant 0 : i32
        %dma_start3A_420 = tpu.memref_slice %arg11[%mul3A_414, %dma_start3A_419] : memref<10008x128xf32, #tpu.memory_space<vmem_shared>> -> memref<40x128xf32, #tpu.memory_space<vmem_shared>>
        %dma_start3A_421 = arith.constant 0 : i32
        %dma_start3A_422 = tpu.memref_slice %arg11[%mul3A_414, %dma_start3A_421] : memref<10008x128xf32, #tpu.memory_space<vmem_shared>> -> memref<40x128xf32, #tpu.memory_space<vmem_shared>>
        %dma_start3A_423 = arith.constant 0 : i32
        %dma_start3A_424 = arith.constant 0 : i32
        %dma_start3A_425 = tpu.memref_slice %arg8[%dma_start3A_423, %dma_start3A_424] : memref<80x128xf32, #tpu.memory_space<vmem>> -> memref<40x128xf32, #tpu.memory_space<vmem>>
        tpu.enqueue_dma source(%dma_start3A_425 : memref<40x128xf32, #tpu.memory_space<vmem>>) target(%dma_start3A_422 : memref<40x128xf32, #tpu.memory_space<vmem_shared>>) target_semaphore(%run_scoped3A_415 : memref<!tpu.dma_semaphore, #tpu.memory_space<semaphore_mem>>)
        %dma_wait3A_426 = arith.constant 0 : i32
        %dma_wait3A_427 = arith.constant 0 : i32
        %dma_wait3A_428 = tpu.memref_slice %arg8[%dma_wait3A_426, %dma_wait3A_427] : memref<80x128xf32, #tpu.memory_space<vmem>> -> memref<40x128xf32, #tpu.memory_space<vmem>>
        %dma_wait3A_429 = arith.constant 0 : i32
        %dma_wait3A_430 = tpu.memref_slice %arg11[%mul3A_414, %dma_wait3A_429] : memref<10008x128xf32, #tpu.memory_space<vmem_shared>> -> memref<40x128xf32, #tpu.memory_space<vmem_shared>>
        %dma_wait3A_431 = arith.constant 0 : i32
        %dma_wait3A_432 = tpu.memref_slice %arg11[%mul3A_414, %dma_wait3A_431] : memref<10008x128xf32, #tpu.memory_space<vmem_shared>> -> memref<40x128xf32, #tpu.memory_space<vmem_shared>>
        %dma_wait3A_433 = arith.constant 0 : i32
        %dma_wait3A_434 = arith.constant 0 : i32
        %dma_wait3A_435 = tpu.memref_slice %arg8[%dma_wait3A_433, %dma_wait3A_434] : memref<80x128xf32, #tpu.memory_space<vmem>> -> memref<40x128xf32, #tpu.memory_space<vmem>>
        tpu.wait_dma2 semaphore(%run_scoped3A_415 : memref<!tpu.dma_semaphore, #tpu.memory_space<semaphore_mem>>) src(%dma_wait3A_435 : memref<40x128xf32, #tpu.memory_space<vmem>>) dst(%dma_wait3A_432 : memref<40x128xf32, #tpu.memory_space<vmem_shared>>)
        tpu.yield
      }) : () -> ()
    } else {
    }
    %add3A_93 = arith.constant 16 : i32
    %add3A_94 = arith.addi %arg1, %add3A_93 : i32
    %lt3A_95 = arith.constant 250 : i32
    %lt3A_96 = arith.cmpi slt, %add3A_94, %lt3A_95 : i32
    %convert_element_type3A_97 = arith.extui %lt3A_96 : i1 to i32
    %cond3A_98 = arith.constant 0 : i32
    %cond3A_99 = arith.cmpi ne, %convert_element_type3A_97, %cond3A_98 : i32
    scf.if %cond3A_99 {
      %mul3A_413 = arith.constant 40 : i32
      %mul3A_414 = arith.muli %add3A_94, %mul3A_413 : i32
      "tpu.region"() ({
        %run_scoped3A_415 = tpu.sem_alloc : memref<!tpu.dma_semaphore, #tpu.memory_space<semaphore_mem>>
        %dma_start3A_416 = arith.constant 0 : i32
        %dma_start3A_417 = arith.constant 0 : i32
        %dma_start3A_418 = tpu.memref_slice %arg8[%dma_start3A_416, %dma_start3A_417] : memref<80x128xf32, #tpu.memory_space<vmem>> -> memref<40x128xf32, #tpu.memory_space<vmem>>
        %dma_start3A_419 = arith.constant 0 : i32
        %dma_start3A_420 = tpu.memref_slice %arg11[%mul3A_414, %dma_start3A_419] : memref<10008x128xf32, #tpu.memory_space<vmem_shared>> -> memref<40x128xf32, #tpu.memory_space<vmem_shared>>
        %dma_start3A_421 = arith.constant 0 : i32
        %dma_start3A_422 = tpu.memref_slice %arg11[%mul3A_414, %dma_start3A_421] : memref<10008x128xf32, #tpu.memory_space<vmem_shared>> -> memref<40x128xf32, #tpu.memory_space<vmem_shared>>
        %dma_start3A_423 = arith.constant 0 : i32
        %dma_start3A_424 = arith.constant 0 : i32
        %dma_start3A_425 = tpu.memref_slice %arg8[%dma_start3A_423, %dma_start3A_424] : memref<80x128xf32, #tpu.memory_space<vmem>> -> memref<40x128xf32, #tpu.memory_space<vmem>>
        tpu.enqueue_dma source(%dma_start3A_425 : memref<40x128xf32, #tpu.memory_space<vmem>>) target(%dma_start3A_422 : memref<40x128xf32, #tpu.memory_space<vmem_shared>>) target_semaphore(%run_scoped3A_415 : memref<!tpu.dma_semaphore, #tpu.memory_space<semaphore_mem>>)
        %dma_wait3A_426 = arith.constant 0 : i32
        %dma_wait3A_427 = arith.constant 0 : i32
        %dma_wait3A_428 = tpu.memref_slice %arg8[%dma_wait3A_426, %dma_wait3A_427] : memref<80x128xf32, #tpu.memory_space<vmem>> -> memref<40x128xf32, #tpu.memory_space<vmem>>
        %dma_wait3A_429 = arith.constant 0 : i32
        %dma_wait3A_430 = tpu.memref_slice %arg11[%mul3A_414, %dma_wait3A_429] : memref<10008x128xf32, #tpu.memory_space<vmem_shared>> -> memref<40x128xf32, #tpu.memory_space<vmem_shared>>
        %dma_wait3A_431 = arith.constant 0 : i32
        %dma_wait3A_432 = tpu.memref_slice %arg11[%mul3A_414, %dma_wait3A_431] : memref<10008x128xf32, #tpu.memory_space<vmem_shared>> -> memref<40x128xf32, #tpu.memory_space<vmem_shared>>
        %dma_wait3A_433 = arith.constant 0 : i32
        %dma_wait3A_434 = arith.constant 0 : i32
        %dma_wait3A_435 = tpu.memref_slice %arg8[%dma_wait3A_433, %dma_wait3A_434] : memref<80x128xf32, #tpu.memory_space<vmem>> -> memref<40x128xf32, #tpu.memory_space<vmem>>
        tpu.wait_dma2 semaphore(%run_scoped3A_415 : memref<!tpu.dma_semaphore, #tpu.memory_space<semaphore_mem>>) src(%dma_wait3A_435 : memref<40x128xf32, #tpu.memory_space<vmem>>) dst(%dma_wait3A_432 : memref<40x128xf32, #tpu.memory_space<vmem_shared>>)
        tpu.yield
      }) : () -> ()
    } else {
    }
    %add3A_100 = arith.constant 32 : i32
    %add3A_101 = arith.addi %arg1, %add3A_100 : i32
    %lt3A_102 = arith.constant 250 : i32
    %lt3A_103 = arith.cmpi slt, %add3A_101, %lt3A_102 : i32
    %convert_element_type3A_104 = arith.extui %lt3A_103 : i1 to i32
    %cond3A_105 = arith.constant 0 : i32
    %cond3A_106 = arith.cmpi ne, %convert_element_type3A_104, %cond3A_105 : i32
    scf.if %cond3A_106 {
      %mul3A_413 = arith.constant 40 : i32
      %mul3A_414 = arith.muli %add3A_101, %mul3A_413 : i32
      "tpu.region"() ({
        %run_scoped3A_415 = tpu.sem_alloc : memref<!tpu.dma_semaphore, #tpu.memory_space<semaphore_mem>>
        %dma_start3A_416 = arith.constant 0 : i32
        %dma_start3A_417 = arith.constant 0 : i32
        %dma_start3A_418 = tpu.memref_slice %arg8[%dma_start3A_416, %dma_start3A_417] : memref<80x128xf32, #tpu.memory_space<vmem>> -> memref<40x128xf32, #tpu.memory_space<vmem>>
        %dma_start3A_419 = arith.constant 0 : i32
        %dma_start3A_420 = tpu.memref_slice %arg11[%mul3A_414, %dma_start3A_419] : memref<10008x128xf32, #tpu.memory_space<vmem_shared>> -> memref<40x128xf32, #tpu.memory_space<vmem_shared>>
        %dma_start3A_421 = arith.constant 0 : i32
        %dma_start3A_422 = tpu.memref_slice %arg11[%mul3A_414, %dma_start3A_421] : memref<10008x128xf32, #tpu.memory_space<vmem_shared>> -> memref<40x128xf32, #tpu.memory_space<vmem_shared>>
        %dma_start3A_423 = arith.constant 0 : i32
        %dma_start3A_424 = arith.constant 0 : i32
        %dma_start3A_425 = tpu.memref_slice %arg8[%dma_start3A_423, %dma_start3A_424] : memref<80x128xf32, #tpu.memory_space<vmem>> -> memref<40x128xf32, #tpu.memory_space<vmem>>
        tpu.enqueue_dma source(%dma_start3A_425 : memref<40x128xf32, #tpu.memory_space<vmem>>) target(%dma_start3A_422 : memref<40x128xf32, #tpu.memory_space<vmem_shared>>) target_semaphore(%run_scoped3A_415 : memref<!tpu.dma_semaphore, #tpu.memory_space<semaphore_mem>>)
        %dma_wait3A_426 = arith.constant 0 : i32
        %dma_wait3A_427 = arith.constant 0 : i32
        %dma_wait3A_428 = tpu.memref_slice %arg8[%dma_wait3A_426, %dma_wait3A_427] : memref<80x128xf32, #tpu.memory_space<vmem>> -> memref<40x128xf32, #tpu.memory_space<vmem>>
        %dma_wait3A_429 = arith.constant 0 : i32
        %dma_wait3A_430 = tpu.memref_slice %arg11[%mul3A_414, %dma_wait3A_429] : memref<10008x128xf32, #tpu.memory_space<vmem_shared>> -> memref<40x128xf32, #tpu.memory_space<vmem_shared>>
        %dma_wait3A_431 = arith.constant 0 : i32
        %dma_wait3A_432 = tpu.memref_slice %arg11[%mul3A_414, %dma_wait3A_431] : memref<10008x128xf32, #tpu.memory_space<vmem_shared>> -> memref<40x128xf32, #tpu.memory_space<vmem_shared>>
        %dma_wait3A_433 = arith.constant 0 : i32
        %dma_wait3A_434 = arith.constant 0 : i32
        %dma_wait3A_435 = tpu.memref_slice %arg8[%dma_wait3A_433, %dma_wait3A_434] : memref<80x128xf32, #tpu.memory_space<vmem>> -> memref<40x128xf32, #tpu.memory_space<vmem>>
        tpu.wait_dma2 semaphore(%run_scoped3A_415 : memref<!tpu.dma_semaphore, #tpu.memory_space<semaphore_mem>>) src(%dma_wait3A_435 : memref<40x128xf32, #tpu.memory_space<vmem>>) dst(%dma_wait3A_432 : memref<40x128xf32, #tpu.memory_space<vmem_shared>>)
        tpu.yield
      }) : () -> ()
    } else {
    }
    %add3A_107 = arith.constant 48 : i32
    %add3A_108 = arith.addi %arg1, %add3A_107 : i32
    %lt3A_109 = arith.constant 250 : i32
    %lt3A_110 = arith.cmpi slt, %add3A_108, %lt3A_109 : i32
    %convert_element_type3A_111 = arith.extui %lt3A_110 : i1 to i32
    %cond3A_112 = arith.constant 0 : i32
    %cond3A_113 = arith.cmpi ne, %convert_element_type3A_111, %cond3A_112 : i32
    scf.if %cond3A_113 {
      %mul3A_413 = arith.constant 40 : i32
      %mul3A_414 = arith.muli %add3A_108, %mul3A_413 : i32
      "tpu.region"() ({
        %run_scoped3A_415 = tpu.sem_alloc : memref<!tpu.dma_semaphore, #tpu.memory_space<semaphore_mem>>
        %dma_start3A_416 = arith.constant 0 : i32
        %dma_start3A_417 = arith.constant 0 : i32
        %dma_start3A_418 = tpu.memref_slice %arg8[%dma_start3A_416, %dma_start3A_417] : memref<80x128xf32, #tpu.memory_space<vmem>> -> memref<40x128xf32, #tpu.memory_space<vmem>>
        %dma_start3A_419 = arith.constant 0 : i32
        %dma_start3A_420 = tpu.memref_slice %arg11[%mul3A_414, %dma_start3A_419] : memref<10008x128xf32, #tpu.memory_space<vmem_shared>> -> memref<40x128xf32, #tpu.memory_space<vmem_shared>>
        %dma_start3A_421 = arith.constant 0 : i32
        %dma_start3A_422 = tpu.memref_slice %arg11[%mul3A_414, %dma_start3A_421] : memref<10008x128xf32, #tpu.memory_space<vmem_shared>> -> memref<40x128xf32, #tpu.memory_space<vmem_shared>>
        %dma_start3A_423 = arith.constant 0 : i32
        %dma_start3A_424 = arith.constant 0 : i32
        %dma_start3A_425 = tpu.memref_slice %arg8[%dma_start3A_423, %dma_start3A_424] : memref<80x128xf32, #tpu.memory_space<vmem>> -> memref<40x128xf32, #tpu.memory_space<vmem>>
        tpu.enqueue_dma source(%dma_start3A_425 : memref<40x128xf32, #tpu.memory_space<vmem>>) target(%dma_start3A_422 : memref<40x128xf32, #tpu.memory_space<vmem_shared>>) target_semaphore(%run_scoped3A_415 : memref<!tpu.dma_semaphore, #tpu.memory_space<semaphore_mem>>)
        %dma_wait3A_426 = arith.constant 0 : i32
        %dma_wait3A_427 = arith.constant 0 : i32
        %dma_wait3A_428 = tpu.memref_slice %arg8[%dma_wait3A_426, %dma_wait3A_427] : memref<80x128xf32, #tpu.memory_space<vmem>> -> memref<40x128xf32, #tpu.memory_space<vmem>>
        %dma_wait3A_429 = arith.constant 0 : i32
        %dma_wait3A_430 = tpu.memref_slice %arg11[%mul3A_414, %dma_wait3A_429] : memref<10008x128xf32, #tpu.memory_space<vmem_shared>> -> memref<40x128xf32, #tpu.memory_space<vmem_shared>>
        %dma_wait3A_431 = arith.constant 0 : i32
        %dma_wait3A_432 = tpu.memref_slice %arg11[%mul3A_414, %dma_wait3A_431] : memref<10008x128xf32, #tpu.memory_space<vmem_shared>> -> memref<40x128xf32, #tpu.memory_space<vmem_shared>>
        %dma_wait3A_433 = arith.constant 0 : i32
        %dma_wait3A_434 = arith.constant 0 : i32
        %dma_wait3A_435 = tpu.memref_slice %arg8[%dma_wait3A_433, %dma_wait3A_434] : memref<80x128xf32, #tpu.memory_space<vmem>> -> memref<40x128xf32, #tpu.memory_space<vmem>>
        tpu.wait_dma2 semaphore(%run_scoped3A_415 : memref<!tpu.dma_semaphore, #tpu.memory_space<semaphore_mem>>) src(%dma_wait3A_435 : memref<40x128xf32, #tpu.memory_space<vmem>>) dst(%dma_wait3A_432 : memref<40x128xf32, #tpu.memory_space<vmem_shared>>)
        tpu.yield
      }) : () -> ()
    } else {
    }
    %add3A_114 = arith.constant 64 : i32
    %add3A_115 = arith.addi %arg1, %add3A_114 : i32
    %lt3A_116 = arith.constant 250 : i32
    %lt3A_117 = arith.cmpi slt, %add3A_115, %lt3A_116 : i32
    %convert_element_type3A_118 = arith.extui %lt3A_117 : i1 to i32
    %cond3A_119 = arith.constant 0 : i32
    %cond3A_120 = arith.cmpi ne, %convert_element_type3A_118, %cond3A_119 : i32
    scf.if %cond3A_120 {
      %mul3A_413 = arith.constant 40 : i32
      %mul3A_414 = arith.muli %add3A_115, %mul3A_413 : i32
      "tpu.region"() ({
        %run_scoped3A_415 = tpu.sem_alloc : memref<!tpu.dma_semaphore, #tpu.memory_space<semaphore_mem>>
        %dma_start3A_416 = arith.constant 0 : i32
        %dma_start3A_417 = arith.constant 0 : i32
        %dma_start3A_418 = tpu.memref_slice %arg8[%dma_start3A_416, %dma_start3A_417] : memref<80x128xf32, #tpu.memory_space<vmem>> -> memref<40x128xf32, #tpu.memory_space<vmem>>
        %dma_start3A_419 = arith.constant 0 : i32
        %dma_start3A_420 = tpu.memref_slice %arg11[%mul3A_414, %dma_start3A_419] : memref<10008x128xf32, #tpu.memory_space<vmem_shared>> -> memref<40x128xf32, #tpu.memory_space<vmem_shared>>
        %dma_start3A_421 = arith.constant 0 : i32
        %dma_start3A_422 = tpu.memref_slice %arg11[%mul3A_414, %dma_start3A_421] : memref<10008x128xf32, #tpu.memory_space<vmem_shared>> -> memref<40x128xf32, #tpu.memory_space<vmem_shared>>
        %dma_start3A_423 = arith.constant 0 : i32
        %dma_start3A_424 = arith.constant 0 : i32
        %dma_start3A_425 = tpu.memref_slice %arg8[%dma_start3A_423, %dma_start3A_424] : memref<80x128xf32, #tpu.memory_space<vmem>> -> memref<40x128xf32, #tpu.memory_space<vmem>>
        tpu.enqueue_dma source(%dma_start3A_425 : memref<40x128xf32, #tpu.memory_space<vmem>>) target(%dma_start3A_422 : memref<40x128xf32, #tpu.memory_space<vmem_shared>>) target_semaphore(%run_scoped3A_415 : memref<!tpu.dma_semaphore, #tpu.memory_space<semaphore_mem>>)
        %dma_wait3A_426 = arith.constant 0 : i32
        %dma_wait3A_427 = arith.constant 0 : i32
        %dma_wait3A_428 = tpu.memref_slice %arg8[%dma_wait3A_426, %dma_wait3A_427] : memref<80x128xf32, #tpu.memory_space<vmem>> -> memref<40x128xf32, #tpu.memory_space<vmem>>
        %dma_wait3A_429 = arith.constant 0 : i32
        %dma_wait3A_430 = tpu.memref_slice %arg11[%mul3A_414, %dma_wait3A_429] : memref<10008x128xf32, #tpu.memory_space<vmem_shared>> -> memref<40x128xf32, #tpu.memory_space<vmem_shared>>
        %dma_wait3A_431 = arith.constant 0 : i32
        %dma_wait3A_432 = tpu.memref_slice %arg11[%mul3A_414, %dma_wait3A_431] : memref<10008x128xf32, #tpu.memory_space<vmem_shared>> -> memref<40x128xf32, #tpu.memory_space<vmem_shared>>
        %dma_wait3A_433 = arith.constant 0 : i32
        %dma_wait3A_434 = arith.constant 0 : i32
        %dma_wait3A_435 = tpu.memref_slice %arg8[%dma_wait3A_433, %dma_wait3A_434] : memref<80x128xf32, #tpu.memory_space<vmem>> -> memref<40x128xf32, #tpu.memory_space<vmem>>
        tpu.wait_dma2 semaphore(%run_scoped3A_415 : memref<!tpu.dma_semaphore, #tpu.memory_space<semaphore_mem>>) src(%dma_wait3A_435 : memref<40x128xf32, #tpu.memory_space<vmem>>) dst(%dma_wait3A_432 : memref<40x128xf32, #tpu.memory_space<vmem_shared>>)
        tpu.yield
      }) : () -> ()
    } else {
    }
    %add3A_121 = arith.constant 80 : i32
    %add3A_122 = arith.addi %arg1, %add3A_121 : i32
    %lt3A_123 = arith.constant 250 : i32
    %lt3A_124 = arith.cmpi slt, %add3A_122, %lt3A_123 : i32
    %convert_element_type3A_125 = arith.extui %lt3A_124 : i1 to i32
    %cond3A_126 = arith.constant 0 : i32
    %cond3A_127 = arith.cmpi ne, %convert_element_type3A_125, %cond3A_126 : i32
    scf.if %cond3A_127 {
      %mul3A_413 = arith.constant 40 : i32
      %mul3A_414 = arith.muli %add3A_122, %mul3A_413 : i32
      "tpu.region"() ({
        %run_scoped3A_415 = tpu.sem_alloc : memref<!tpu.dma_semaphore, #tpu.memory_space<semaphore_mem>>
        %dma_start3A_416 = arith.constant 0 : i32
        %dma_start3A_417 = arith.constant 0 : i32
        %dma_start3A_418 = tpu.memref_slice %arg8[%dma_start3A_416, %dma_start3A_417] : memref<80x128xf32, #tpu.memory_space<vmem>> -> memref<40x128xf32, #tpu.memory_space<vmem>>
        %dma_start3A_419 = arith.constant 0 : i32
        %dma_start3A_420 = tpu.memref_slice %arg11[%mul3A_414, %dma_start3A_419] : memref<10008x128xf32, #tpu.memory_space<vmem_shared>> -> memref<40x128xf32, #tpu.memory_space<vmem_shared>>
        %dma_start3A_421 = arith.constant 0 : i32
        %dma_start3A_422 = tpu.memref_slice %arg11[%mul3A_414, %dma_start3A_421] : memref<10008x128xf32, #tpu.memory_space<vmem_shared>> -> memref<40x128xf32, #tpu.memory_space<vmem_shared>>
        %dma_start3A_423 = arith.constant 0 : i32
        %dma_start3A_424 = arith.constant 0 : i32
        %dma_start3A_425 = tpu.memref_slice %arg8[%dma_start3A_423, %dma_start3A_424] : memref<80x128xf32, #tpu.memory_space<vmem>> -> memref<40x128xf32, #tpu.memory_space<vmem>>
        tpu.enqueue_dma source(%dma_start3A_425 : memref<40x128xf32, #tpu.memory_space<vmem>>) target(%dma_start3A_422 : memref<40x128xf32, #tpu.memory_space<vmem_shared>>) target_semaphore(%run_scoped3A_415 : memref<!tpu.dma_semaphore, #tpu.memory_space<semaphore_mem>>)
        %dma_wait3A_426 = arith.constant 0 : i32
        %dma_wait3A_427 = arith.constant 0 : i32
        %dma_wait3A_428 = tpu.memref_slice %arg8[%dma_wait3A_426, %dma_wait3A_427] : memref<80x128xf32, #tpu.memory_space<vmem>> -> memref<40x128xf32, #tpu.memory_space<vmem>>
        %dma_wait3A_429 = arith.constant 0 : i32
        %dma_wait3A_430 = tpu.memref_slice %arg11[%mul3A_414, %dma_wait3A_429] : memref<10008x128xf32, #tpu.memory_space<vmem_shared>> -> memref<40x128xf32, #tpu.memory_space<vmem_shared>>
        %dma_wait3A_431 = arith.constant 0 : i32
        %dma_wait3A_432 = tpu.memref_slice %arg11[%mul3A_414, %dma_wait3A_431] : memref<10008x128xf32, #tpu.memory_space<vmem_shared>> -> memref<40x128xf32, #tpu.memory_space<vmem_shared>>
        %dma_wait3A_433 = arith.constant 0 : i32
        %dma_wait3A_434 = arith.constant 0 : i32
        %dma_wait3A_435 = tpu.memref_slice %arg8[%dma_wait3A_433, %dma_wait3A_434] : memref<80x128xf32, #tpu.memory_space<vmem>> -> memref<40x128xf32, #tpu.memory_space<vmem>>
        tpu.wait_dma2 semaphore(%run_scoped3A_415 : memref<!tpu.dma_semaphore, #tpu.memory_space<semaphore_mem>>) src(%dma_wait3A_435 : memref<40x128xf32, #tpu.memory_space<vmem>>) dst(%dma_wait3A_432 : memref<40x128xf32, #tpu.memory_space<vmem_shared>>)
        tpu.yield
      }) : () -> ()
    } else {
    }
    %add3A_128 = arith.constant 96 : i32
    %add3A_129 = arith.addi %arg1, %add3A_128 : i32
    %lt3A_130 = arith.constant 250 : i32
    %lt3A_131 = arith.cmpi slt, %add3A_129, %lt3A_130 : i32
    %convert_element_type3A_132 = arith.extui %lt3A_131 : i1 to i32
    %cond3A_133 = arith.constant 0 : i32
    %cond3A_134 = arith.cmpi ne, %convert_element_type3A_132, %cond3A_133 : i32
    scf.if %cond3A_134 {
      %mul3A_413 = arith.constant 40 : i32
      %mul3A_414 = arith.muli %add3A_129, %mul3A_413 : i32
      "tpu.region"() ({
        %run_scoped3A_415 = tpu.sem_alloc : memref<!tpu.dma_semaphore, #tpu.memory_space<semaphore_mem>>
        %dma_start3A_416 = arith.constant 0 : i32
        %dma_start3A_417 = arith.constant 0 : i32
        %dma_start3A_418 = tpu.memref_slice %arg8[%dma_start3A_416, %dma_start3A_417] : memref<80x128xf32, #tpu.memory_space<vmem>> -> memref<40x128xf32, #tpu.memory_space<vmem>>
        %dma_start3A_419 = arith.constant 0 : i32
        %dma_start3A_420 = tpu.memref_slice %arg11[%mul3A_414, %dma_start3A_419] : memref<10008x128xf32, #tpu.memory_space<vmem_shared>> -> memref<40x128xf32, #tpu.memory_space<vmem_shared>>
        %dma_start3A_421 = arith.constant 0 : i32
        %dma_start3A_422 = tpu.memref_slice %arg11[%mul3A_414, %dma_start3A_421] : memref<10008x128xf32, #tpu.memory_space<vmem_shared>> -> memref<40x128xf32, #tpu.memory_space<vmem_shared>>
        %dma_start3A_423 = arith.constant 0 : i32
        %dma_start3A_424 = arith.constant 0 : i32
        %dma_start3A_425 = tpu.memref_slice %arg8[%dma_start3A_423, %dma_start3A_424] : memref<80x128xf32, #tpu.memory_space<vmem>> -> memref<40x128xf32, #tpu.memory_space<vmem>>
        tpu.enqueue_dma source(%dma_start3A_425 : memref<40x128xf32, #tpu.memory_space<vmem>>) target(%dma_start3A_422 : memref<40x128xf32, #tpu.memory_space<vmem_shared>>) target_semaphore(%run_scoped3A_415 : memref<!tpu.dma_semaphore, #tpu.memory_space<semaphore_mem>>)
        %dma_wait3A_426 = arith.constant 0 : i32
        %dma_wait3A_427 = arith.constant 0 : i32
        %dma_wait3A_428 = tpu.memref_slice %arg8[%dma_wait3A_426, %dma_wait3A_427] : memref<80x128xf32, #tpu.memory_space<vmem>> -> memref<40x128xf32, #tpu.memory_space<vmem>>
        %dma_wait3A_429 = arith.constant 0 : i32
        %dma_wait3A_430 = tpu.memref_slice %arg11[%mul3A_414, %dma_wait3A_429] : memref<10008x128xf32, #tpu.memory_space<vmem_shared>> -> memref<40x128xf32, #tpu.memory_space<vmem_shared>>
        %dma_wait3A_431 = arith.constant 0 : i32
        %dma_wait3A_432 = tpu.memref_slice %arg11[%mul3A_414, %dma_wait3A_431] : memref<10008x128xf32, #tpu.memory_space<vmem_shared>> -> memref<40x128xf32, #tpu.memory_space<vmem_shared>>
        %dma_wait3A_433 = arith.constant 0 : i32
        %dma_wait3A_434 = arith.constant 0 : i32
        %dma_wait3A_435 = tpu.memref_slice %arg8[%dma_wait3A_433, %dma_wait3A_434] : memref<80x128xf32, #tpu.memory_space<vmem>> -> memref<40x128xf32, #tpu.memory_space<vmem>>
        tpu.wait_dma2 semaphore(%run_scoped3A_415 : memref<!tpu.dma_semaphore, #tpu.memory_space<semaphore_mem>>) src(%dma_wait3A_435 : memref<40x128xf32, #tpu.memory_space<vmem>>) dst(%dma_wait3A_432 : memref<40x128xf32, #tpu.memory_space<vmem_shared>>)
        tpu.yield
      }) : () -> ()
    } else {
    }
    %add3A_135 = arith.constant 112 : i32
    %add3A_136 = arith.addi %arg1, %add3A_135 : i32
    %lt3A_137 = arith.constant 250 : i32
    %lt3A_138 = arith.cmpi slt, %add3A_136, %lt3A_137 : i32
    %convert_element_type3A_139 = arith.extui %lt3A_138 : i1 to i32
    %cond3A_140 = arith.constant 0 : i32
    %cond3A_141 = arith.cmpi ne, %convert_element_type3A_139, %cond3A_140 : i32
    scf.if %cond3A_141 {
      %mul3A_413 = arith.constant 40 : i32
      %mul3A_414 = arith.muli %add3A_136, %mul3A_413 : i32
      "tpu.region"() ({
        %run_scoped3A_415 = tpu.sem_alloc : memref<!tpu.dma_semaphore, #tpu.memory_space<semaphore_mem>>
        %dma_start3A_416 = arith.constant 0 : i32
        %dma_start3A_417 = arith.constant 0 : i32
        %dma_start3A_418 = tpu.memref_slice %arg8[%dma_start3A_416, %dma_start3A_417] : memref<80x128xf32, #tpu.memory_space<vmem>> -> memref<40x128xf32, #tpu.memory_space<vmem>>
        %dma_start3A_419 = arith.constant 0 : i32
        %dma_start3A_420 = tpu.memref_slice %arg11[%mul3A_414, %dma_start3A_419] : memref<10008x128xf32, #tpu.memory_space<vmem_shared>> -> memref<40x128xf32, #tpu.memory_space<vmem_shared>>
        %dma_start3A_421 = arith.constant 0 : i32
        %dma_start3A_422 = tpu.memref_slice %arg11[%mul3A_414, %dma_start3A_421] : memref<10008x128xf32, #tpu.memory_space<vmem_shared>> -> memref<40x128xf32, #tpu.memory_space<vmem_shared>>
        %dma_start3A_423 = arith.constant 0 : i32
        %dma_start3A_424 = arith.constant 0 : i32
        %dma_start3A_425 = tpu.memref_slice %arg8[%dma_start3A_423, %dma_start3A_424] : memref<80x128xf32, #tpu.memory_space<vmem>> -> memref<40x128xf32, #tpu.memory_space<vmem>>
        tpu.enqueue_dma source(%dma_start3A_425 : memref<40x128xf32, #tpu.memory_space<vmem>>) target(%dma_start3A_422 : memref<40x128xf32, #tpu.memory_space<vmem_shared>>) target_semaphore(%run_scoped3A_415 : memref<!tpu.dma_semaphore, #tpu.memory_space<semaphore_mem>>)
        %dma_wait3A_426 = arith.constant 0 : i32
        %dma_wait3A_427 = arith.constant 0 : i32
        %dma_wait3A_428 = tpu.memref_slice %arg8[%dma_wait3A_426, %dma_wait3A_427] : memref<80x128xf32, #tpu.memory_space<vmem>> -> memref<40x128xf32, #tpu.memory_space<vmem>>
        %dma_wait3A_429 = arith.constant 0 : i32
        %dma_wait3A_430 = tpu.memref_slice %arg11[%mul3A_414, %dma_wait3A_429] : memref<10008x128xf32, #tpu.memory_space<vmem_shared>> -> memref<40x128xf32, #tpu.memory_space<vmem_shared>>
        %dma_wait3A_431 = arith.constant 0 : i32
        %dma_wait3A_432 = tpu.memref_slice %arg11[%mul3A_414, %dma_wait3A_431] : memref<10008x128xf32, #tpu.memory_space<vmem_shared>> -> memref<40x128xf32, #tpu.memory_space<vmem_shared>>
        %dma_wait3A_433 = arith.constant 0 : i32
        %dma_wait3A_434 = arith.constant 0 : i32
        %dma_wait3A_435 = tpu.memref_slice %arg8[%dma_wait3A_433, %dma_wait3A_434] : memref<80x128xf32, #tpu.memory_space<vmem>> -> memref<40x128xf32, #tpu.memory_space<vmem>>
        tpu.wait_dma2 semaphore(%run_scoped3A_415 : memref<!tpu.dma_semaphore, #tpu.memory_space<semaphore_mem>>) src(%dma_wait3A_435 : memref<40x128xf32, #tpu.memory_space<vmem>>) dst(%dma_wait3A_432 : memref<40x128xf32, #tpu.memory_space<vmem_shared>>)
        tpu.yield
      }) : () -> ()
    } else {
    }
    %add3A_142 = arith.constant 128 : i32
    %add3A_143 = arith.addi %arg1, %add3A_142 : i32
    %lt3A_144 = arith.constant 250 : i32
    %lt3A_145 = arith.cmpi slt, %add3A_143, %lt3A_144 : i32
    %convert_element_type3A_146 = arith.extui %lt3A_145 : i1 to i32
    %cond3A_147 = arith.constant 0 : i32
    %cond3A_148 = arith.cmpi ne, %convert_element_type3A_146, %cond3A_147 : i32
    scf.if %cond3A_148 {
      %mul3A_413 = arith.constant 40 : i32
      %mul3A_414 = arith.muli %add3A_143, %mul3A_413 : i32
      "tpu.region"() ({
        %run_scoped3A_415 = tpu.sem_alloc : memref<!tpu.dma_semaphore, #tpu.memory_space<semaphore_mem>>
        %dma_start3A_416 = arith.constant 0 : i32
        %dma_start3A_417 = arith.constant 0 : i32
        %dma_start3A_418 = tpu.memref_slice %arg8[%dma_start3A_416, %dma_start3A_417] : memref<80x128xf32, #tpu.memory_space<vmem>> -> memref<40x128xf32, #tpu.memory_space<vmem>>
        %dma_start3A_419 = arith.constant 0 : i32
        %dma_start3A_420 = tpu.memref_slice %arg11[%mul3A_414, %dma_start3A_419] : memref<10008x128xf32, #tpu.memory_space<vmem_shared>> -> memref<40x128xf32, #tpu.memory_space<vmem_shared>>
        %dma_start3A_421 = arith.constant 0 : i32
        %dma_start3A_422 = tpu.memref_slice %arg11[%mul3A_414, %dma_start3A_421] : memref<10008x128xf32, #tpu.memory_space<vmem_shared>> -> memref<40x128xf32, #tpu.memory_space<vmem_shared>>
        %dma_start3A_423 = arith.constant 0 : i32
        %dma_start3A_424 = arith.constant 0 : i32
        %dma_start3A_425 = tpu.memref_slice %arg8[%dma_start3A_423, %dma_start3A_424] : memref<80x128xf32, #tpu.memory_space<vmem>> -> memref<40x128xf32, #tpu.memory_space<vmem>>
        tpu.enqueue_dma source(%dma_start3A_425 : memref<40x128xf32, #tpu.memory_space<vmem>>) target(%dma_start3A_422 : memref<40x128xf32, #tpu.memory_space<vmem_shared>>) target_semaphore(%run_scoped3A_415 : memref<!tpu.dma_semaphore, #tpu.memory_space<semaphore_mem>>)
        %dma_wait3A_426 = arith.constant 0 : i32
        %dma_wait3A_427 = arith.constant 0 : i32
        %dma_wait3A_428 = tpu.memref_slice %arg8[%dma_wait3A_426, %dma_wait3A_427] : memref<80x128xf32, #tpu.memory_space<vmem>> -> memref<40x128xf32, #tpu.memory_space<vmem>>
        %dma_wait3A_429 = arith.constant 0 : i32
        %dma_wait3A_430 = tpu.memref_slice %arg11[%mul3A_414, %dma_wait3A_429] : memref<10008x128xf32, #tpu.memory_space<vmem_shared>> -> memref<40x128xf32, #tpu.memory_space<vmem_shared>>
        %dma_wait3A_431 = arith.constant 0 : i32
        %dma_wait3A_432 = tpu.memref_slice %arg11[%mul3A_414, %dma_wait3A_431] : memref<10008x128xf32, #tpu.memory_space<vmem_shared>> -> memref<40x128xf32, #tpu.memory_space<vmem_shared>>
        %dma_wait3A_433 = arith.constant 0 : i32
        %dma_wait3A_434 = arith.constant 0 : i32
        %dma_wait3A_435 = tpu.memref_slice %arg8[%dma_wait3A_433, %dma_wait3A_434] : memref<80x128xf32, #tpu.memory_space<vmem>> -> memref<40x128xf32, #tpu.memory_space<vmem>>
        tpu.wait_dma2 semaphore(%run_scoped3A_415 : memref<!tpu.dma_semaphore, #tpu.memory_space<semaphore_mem>>) src(%dma_wait3A_435 : memref<40x128xf32, #tpu.memory_space<vmem>>) dst(%dma_wait3A_432 : memref<40x128xf32, #tpu.memory_space<vmem_shared>>)
        tpu.yield
      }) : () -> ()
    } else {
    }
    %add3A_149 = arith.constant 144 : i32
    %add3A_150 = arith.addi %arg1, %add3A_149 : i32
    %lt3A_151 = arith.constant 250 : i32
    %lt3A_152 = arith.cmpi slt, %add3A_150, %lt3A_151 : i32
    %convert_element_type3A_153 = arith.extui %lt3A_152 : i1 to i32
    %cond3A_154 = arith.constant 0 : i32
    %cond3A_155 = arith.cmpi ne, %convert_element_type3A_153, %cond3A_154 : i32
    scf.if %cond3A_155 {
      %mul3A_413 = arith.constant 40 : i32
      %mul3A_414 = arith.muli %add3A_150, %mul3A_413 : i32
      "tpu.region"() ({
        %run_scoped3A_415 = tpu.sem_alloc : memref<!tpu.dma_semaphore, #tpu.memory_space<semaphore_mem>>
        %dma_start3A_416 = arith.constant 0 : i32
        %dma_start3A_417 = arith.constant 0 : i32
        %dma_start3A_418 = tpu.memref_slice %arg8[%dma_start3A_416, %dma_start3A_417] : memref<80x128xf32, #tpu.memory_space<vmem>> -> memref<40x128xf32, #tpu.memory_space<vmem>>
        %dma_start3A_419 = arith.constant 0 : i32
        %dma_start3A_420 = tpu.memref_slice %arg11[%mul3A_414, %dma_start3A_419] : memref<10008x128xf32, #tpu.memory_space<vmem_shared>> -> memref<40x128xf32, #tpu.memory_space<vmem_shared>>
        %dma_start3A_421 = arith.constant 0 : i32
        %dma_start3A_422 = tpu.memref_slice %arg11[%mul3A_414, %dma_start3A_421] : memref<10008x128xf32, #tpu.memory_space<vmem_shared>> -> memref<40x128xf32, #tpu.memory_space<vmem_shared>>
        %dma_start3A_423 = arith.constant 0 : i32
        %dma_start3A_424 = arith.constant 0 : i32
        %dma_start3A_425 = tpu.memref_slice %arg8[%dma_start3A_423, %dma_start3A_424] : memref<80x128xf32, #tpu.memory_space<vmem>> -> memref<40x128xf32, #tpu.memory_space<vmem>>
        tpu.enqueue_dma source(%dma_start3A_425 : memref<40x128xf32, #tpu.memory_space<vmem>>) target(%dma_start3A_422 : memref<40x128xf32, #tpu.memory_space<vmem_shared>>) target_semaphore(%run_scoped3A_415 : memref<!tpu.dma_semaphore, #tpu.memory_space<semaphore_mem>>)
        %dma_wait3A_426 = arith.constant 0 : i32
        %dma_wait3A_427 = arith.constant 0 : i32
        %dma_wait3A_428 = tpu.memref_slice %arg8[%dma_wait3A_426, %dma_wait3A_427] : memref<80x128xf32, #tpu.memory_space<vmem>> -> memref<40x128xf32, #tpu.memory_space<vmem>>
        %dma_wait3A_429 = arith.constant 0 : i32
        %dma_wait3A_430 = tpu.memref_slice %arg11[%mul3A_414, %dma_wait3A_429] : memref<10008x128xf32, #tpu.memory_space<vmem_shared>> -> memref<40x128xf32, #tpu.memory_space<vmem_shared>>
        %dma_wait3A_431 = arith.constant 0 : i32
        %dma_wait3A_432 = tpu.memref_slice %arg11[%mul3A_414, %dma_wait3A_431] : memref<10008x128xf32, #tpu.memory_space<vmem_shared>> -> memref<40x128xf32, #tpu.memory_space<vmem_shared>>
        %dma_wait3A_433 = arith.constant 0 : i32
        %dma_wait3A_434 = arith.constant 0 : i32
        %dma_wait3A_435 = tpu.memref_slice %arg8[%dma_wait3A_433, %dma_wait3A_434] : memref<80x128xf32, #tpu.memory_space<vmem>> -> memref<40x128xf32, #tpu.memory_space<vmem>>
        tpu.wait_dma2 semaphore(%run_scoped3A_415 : memref<!tpu.dma_semaphore, #tpu.memory_space<semaphore_mem>>) src(%dma_wait3A_435 : memref<40x128xf32, #tpu.memory_space<vmem>>) dst(%dma_wait3A_432 : memref<40x128xf32, #tpu.memory_space<vmem_shared>>)
        tpu.yield
      }) : () -> ()
    } else {
    }
    %add3A_156 = arith.constant 160 : i32
    %add3A_157 = arith.addi %arg1, %add3A_156 : i32
    %lt3A_158 = arith.constant 250 : i32
    %lt3A_159 = arith.cmpi slt, %add3A_157, %lt3A_158 : i32
    %convert_element_type3A_160 = arith.extui %lt3A_159 : i1 to i32
    %cond3A_161 = arith.constant 0 : i32
    %cond3A_162 = arith.cmpi ne, %convert_element_type3A_160, %cond3A_161 : i32
    scf.if %cond3A_162 {
      %mul3A_413 = arith.constant 40 : i32
      %mul3A_414 = arith.muli %add3A_157, %mul3A_413 : i32
      "tpu.region"() ({
        %run_scoped3A_415 = tpu.sem_alloc : memref<!tpu.dma_semaphore, #tpu.memory_space<semaphore_mem>>
        %dma_start3A_416 = arith.constant 0 : i32
        %dma_start3A_417 = arith.constant 0 : i32
        %dma_start3A_418 = tpu.memref_slice %arg8[%dma_start3A_416, %dma_start3A_417] : memref<80x128xf32, #tpu.memory_space<vmem>> -> memref<40x128xf32, #tpu.memory_space<vmem>>
        %dma_start3A_419 = arith.constant 0 : i32
        %dma_start3A_420 = tpu.memref_slice %arg11[%mul3A_414, %dma_start3A_419] : memref<10008x128xf32, #tpu.memory_space<vmem_shared>> -> memref<40x128xf32, #tpu.memory_space<vmem_shared>>
        %dma_start3A_421 = arith.constant 0 : i32
        %dma_start3A_422 = tpu.memref_slice %arg11[%mul3A_414, %dma_start3A_421] : memref<10008x128xf32, #tpu.memory_space<vmem_shared>> -> memref<40x128xf32, #tpu.memory_space<vmem_shared>>
        %dma_start3A_423 = arith.constant 0 : i32
        %dma_start3A_424 = arith.constant 0 : i32
        %dma_start3A_425 = tpu.memref_slice %arg8[%dma_start3A_423, %dma_start3A_424] : memref<80x128xf32, #tpu.memory_space<vmem>> -> memref<40x128xf32, #tpu.memory_space<vmem>>
        tpu.enqueue_dma source(%dma_start3A_425 : memref<40x128xf32, #tpu.memory_space<vmem>>) target(%dma_start3A_422 : memref<40x128xf32, #tpu.memory_space<vmem_shared>>) target_semaphore(%run_scoped3A_415 : memref<!tpu.dma_semaphore, #tpu.memory_space<semaphore_mem>>)
        %dma_wait3A_426 = arith.constant 0 : i32
        %dma_wait3A_427 = arith.constant 0 : i32
        %dma_wait3A_428 = tpu.memref_slice %arg8[%dma_wait3A_426, %dma_wait3A_427] : memref<80x128xf32, #tpu.memory_space<vmem>> -> memref<40x128xf32, #tpu.memory_space<vmem>>
        %dma_wait3A_429 = arith.constant 0 : i32
        %dma_wait3A_430 = tpu.memref_slice %arg11[%mul3A_414, %dma_wait3A_429] : memref<10008x128xf32, #tpu.memory_space<vmem_shared>> -> memref<40x128xf32, #tpu.memory_space<vmem_shared>>
        %dma_wait3A_431 = arith.constant 0 : i32
        %dma_wait3A_432 = tpu.memref_slice %arg11[%mul3A_414, %dma_wait3A_431] : memref<10008x128xf32, #tpu.memory_space<vmem_shared>> -> memref<40x128xf32, #tpu.memory_space<vmem_shared>>
        %dma_wait3A_433 = arith.constant 0 : i32
        %dma_wait3A_434 = arith.constant 0 : i32
        %dma_wait3A_435 = tpu.memref_slice %arg8[%dma_wait3A_433, %dma_wait3A_434] : memref<80x128xf32, #tpu.memory_space<vmem>> -> memref<40x128xf32, #tpu.memory_space<vmem>>
        tpu.wait_dma2 semaphore(%run_scoped3A_415 : memref<!tpu.dma_semaphore, #tpu.memory_space<semaphore_mem>>) src(%dma_wait3A_435 : memref<40x128xf32, #tpu.memory_space<vmem>>) dst(%dma_wait3A_432 : memref<40x128xf32, #tpu.memory_space<vmem_shared>>)
        tpu.yield
      }) : () -> ()
    } else {
    }
    %add3A_163 = arith.constant 176 : i32
    %add3A_164 = arith.addi %arg1, %add3A_163 : i32
    %lt3A_165 = arith.constant 250 : i32
    %lt3A_166 = arith.cmpi slt, %add3A_164, %lt3A_165 : i32
    %convert_element_type3A_167 = arith.extui %lt3A_166 : i1 to i32
    %cond3A_168 = arith.constant 0 : i32
    %cond3A_169 = arith.cmpi ne, %convert_element_type3A_167, %cond3A_168 : i32
    scf.if %cond3A_169 {
      %mul3A_413 = arith.constant 40 : i32
      %mul3A_414 = arith.muli %add3A_164, %mul3A_413 : i32
      "tpu.region"() ({
        %run_scoped3A_415 = tpu.sem_alloc : memref<!tpu.dma_semaphore, #tpu.memory_space<semaphore_mem>>
        %dma_start3A_416 = arith.constant 0 : i32
        %dma_start3A_417 = arith.constant 0 : i32
        %dma_start3A_418 = tpu.memref_slice %arg8[%dma_start3A_416, %dma_start3A_417] : memref<80x128xf32, #tpu.memory_space<vmem>> -> memref<40x128xf32, #tpu.memory_space<vmem>>
        %dma_start3A_419 = arith.constant 0 : i32
        %dma_start3A_420 = tpu.memref_slice %arg11[%mul3A_414, %dma_start3A_419] : memref<10008x128xf32, #tpu.memory_space<vmem_shared>> -> memref<40x128xf32, #tpu.memory_space<vmem_shared>>
        %dma_start3A_421 = arith.constant 0 : i32
        %dma_start3A_422 = tpu.memref_slice %arg11[%mul3A_414, %dma_start3A_421] : memref<10008x128xf32, #tpu.memory_space<vmem_shared>> -> memref<40x128xf32, #tpu.memory_space<vmem_shared>>
        %dma_start3A_423 = arith.constant 0 : i32
        %dma_start3A_424 = arith.constant 0 : i32
        %dma_start3A_425 = tpu.memref_slice %arg8[%dma_start3A_423, %dma_start3A_424] : memref<80x128xf32, #tpu.memory_space<vmem>> -> memref<40x128xf32, #tpu.memory_space<vmem>>
        tpu.enqueue_dma source(%dma_start3A_425 : memref<40x128xf32, #tpu.memory_space<vmem>>) target(%dma_start3A_422 : memref<40x128xf32, #tpu.memory_space<vmem_shared>>) target_semaphore(%run_scoped3A_415 : memref<!tpu.dma_semaphore, #tpu.memory_space<semaphore_mem>>)
        %dma_wait3A_426 = arith.constant 0 : i32
        %dma_wait3A_427 = arith.constant 0 : i32
        %dma_wait3A_428 = tpu.memref_slice %arg8[%dma_wait3A_426, %dma_wait3A_427] : memref<80x128xf32, #tpu.memory_space<vmem>> -> memref<40x128xf32, #tpu.memory_space<vmem>>
        %dma_wait3A_429 = arith.constant 0 : i32
        %dma_wait3A_430 = tpu.memref_slice %arg11[%mul3A_414, %dma_wait3A_429] : memref<10008x128xf32, #tpu.memory_space<vmem_shared>> -> memref<40x128xf32, #tpu.memory_space<vmem_shared>>
        %dma_wait3A_431 = arith.constant 0 : i32
        %dma_wait3A_432 = tpu.memref_slice %arg11[%mul3A_414, %dma_wait3A_431] : memref<10008x128xf32, #tpu.memory_space<vmem_shared>> -> memref<40x128xf32, #tpu.memory_space<vmem_shared>>
        %dma_wait3A_433 = arith.constant 0 : i32
        %dma_wait3A_434 = arith.constant 0 : i32
        %dma_wait3A_435 = tpu.memref_slice %arg8[%dma_wait3A_433, %dma_wait3A_434] : memref<80x128xf32, #tpu.memory_space<vmem>> -> memref<40x128xf32, #tpu.memory_space<vmem>>
        tpu.wait_dma2 semaphore(%run_scoped3A_415 : memref<!tpu.dma_semaphore, #tpu.memory_space<semaphore_mem>>) src(%dma_wait3A_435 : memref<40x128xf32, #tpu.memory_space<vmem>>) dst(%dma_wait3A_432 : memref<40x128xf32, #tpu.memory_space<vmem_shared>>)
        tpu.yield
      }) : () -> ()
    } else {
    }
    %add3A_170 = arith.constant 192 : i32
    %add3A_171 = arith.addi %arg1, %add3A_170 : i32
    %lt3A_172 = arith.constant 250 : i32
    %lt3A_173 = arith.cmpi slt, %add3A_171, %lt3A_172 : i32
    %convert_element_type3A_174 = arith.extui %lt3A_173 : i1 to i32
    %cond3A_175 = arith.constant 0 : i32
    %cond3A_176 = arith.cmpi ne, %convert_element_type3A_174, %cond3A_175 : i32
    scf.if %cond3A_176 {
      %mul3A_413 = arith.constant 40 : i32
      %mul3A_414 = arith.muli %add3A_171, %mul3A_413 : i32
      "tpu.region"() ({
        %run_scoped3A_415 = tpu.sem_alloc : memref<!tpu.dma_semaphore, #tpu.memory_space<semaphore_mem>>
        %dma_start3A_416 = arith.constant 0 : i32
        %dma_start3A_417 = arith.constant 0 : i32
        %dma_start3A_418 = tpu.memref_slice %arg8[%dma_start3A_416, %dma_start3A_417] : memref<80x128xf32, #tpu.memory_space<vmem>> -> memref<40x128xf32, #tpu.memory_space<vmem>>
        %dma_start3A_419 = arith.constant 0 : i32
        %dma_start3A_420 = tpu.memref_slice %arg11[%mul3A_414, %dma_start3A_419] : memref<10008x128xf32, #tpu.memory_space<vmem_shared>> -> memref<40x128xf32, #tpu.memory_space<vmem_shared>>
        %dma_start3A_421 = arith.constant 0 : i32
        %dma_start3A_422 = tpu.memref_slice %arg11[%mul3A_414, %dma_start3A_421] : memref<10008x128xf32, #tpu.memory_space<vmem_shared>> -> memref<40x128xf32, #tpu.memory_space<vmem_shared>>
        %dma_start3A_423 = arith.constant 0 : i32
        %dma_start3A_424 = arith.constant 0 : i32
        %dma_start3A_425 = tpu.memref_slice %arg8[%dma_start3A_423, %dma_start3A_424] : memref<80x128xf32, #tpu.memory_space<vmem>> -> memref<40x128xf32, #tpu.memory_space<vmem>>
        tpu.enqueue_dma source(%dma_start3A_425 : memref<40x128xf32, #tpu.memory_space<vmem>>) target(%dma_start3A_422 : memref<40x128xf32, #tpu.memory_space<vmem_shared>>) target_semaphore(%run_scoped3A_415 : memref<!tpu.dma_semaphore, #tpu.memory_space<semaphore_mem>>)
        %dma_wait3A_426 = arith.constant 0 : i32
        %dma_wait3A_427 = arith.constant 0 : i32
        %dma_wait3A_428 = tpu.memref_slice %arg8[%dma_wait3A_426, %dma_wait3A_427] : memref<80x128xf32, #tpu.memory_space<vmem>> -> memref<40x128xf32, #tpu.memory_space<vmem>>
        %dma_wait3A_429 = arith.constant 0 : i32
        %dma_wait3A_430 = tpu.memref_slice %arg11[%mul3A_414, %dma_wait3A_429] : memref<10008x128xf32, #tpu.memory_space<vmem_shared>> -> memref<40x128xf32, #tpu.memory_space<vmem_shared>>
        %dma_wait3A_431 = arith.constant 0 : i32
        %dma_wait3A_432 = tpu.memref_slice %arg11[%mul3A_414, %dma_wait3A_431] : memref<10008x128xf32, #tpu.memory_space<vmem_shared>> -> memref<40x128xf32, #tpu.memory_space<vmem_shared>>
        %dma_wait3A_433 = arith.constant 0 : i32
        %dma_wait3A_434 = arith.constant 0 : i32
        %dma_wait3A_435 = tpu.memref_slice %arg8[%dma_wait3A_433, %dma_wait3A_434] : memref<80x128xf32, #tpu.memory_space<vmem>> -> memref<40x128xf32, #tpu.memory_space<vmem>>
        tpu.wait_dma2 semaphore(%run_scoped3A_415 : memref<!tpu.dma_semaphore, #tpu.memory_space<semaphore_mem>>) src(%dma_wait3A_435 : memref<40x128xf32, #tpu.memory_space<vmem>>) dst(%dma_wait3A_432 : memref<40x128xf32, #tpu.memory_space<vmem_shared>>)
        tpu.yield
      }) : () -> ()
    } else {
    }
    %add3A_177 = arith.constant 208 : i32
    %add3A_178 = arith.addi %arg1, %add3A_177 : i32
    %lt3A_179 = arith.constant 250 : i32
    %lt3A_180 = arith.cmpi slt, %add3A_178, %lt3A_179 : i32
    %convert_element_type3A_181 = arith.extui %lt3A_180 : i1 to i32
    %cond3A_182 = arith.constant 0 : i32
    %cond3A_183 = arith.cmpi ne, %convert_element_type3A_181, %cond3A_182 : i32
    scf.if %cond3A_183 {
      %mul3A_413 = arith.constant 40 : i32
      %mul3A_414 = arith.muli %add3A_178, %mul3A_413 : i32
      "tpu.region"() ({
        %run_scoped3A_415 = tpu.sem_alloc : memref<!tpu.dma_semaphore, #tpu.memory_space<semaphore_mem>>
        %dma_start3A_416 = arith.constant 0 : i32
        %dma_start3A_417 = arith.constant 0 : i32
        %dma_start3A_418 = tpu.memref_slice %arg8[%dma_start3A_416, %dma_start3A_417] : memref<80x128xf32, #tpu.memory_space<vmem>> -> memref<40x128xf32, #tpu.memory_space<vmem>>
        %dma_start3A_419 = arith.constant 0 : i32
        %dma_start3A_420 = tpu.memref_slice %arg11[%mul3A_414, %dma_start3A_419] : memref<10008x128xf32, #tpu.memory_space<vmem_shared>> -> memref<40x128xf32, #tpu.memory_space<vmem_shared>>
        %dma_start3A_421 = arith.constant 0 : i32
        %dma_start3A_422 = tpu.memref_slice %arg11[%mul3A_414, %dma_start3A_421] : memref<10008x128xf32, #tpu.memory_space<vmem_shared>> -> memref<40x128xf32, #tpu.memory_space<vmem_shared>>
        %dma_start3A_423 = arith.constant 0 : i32
        %dma_start3A_424 = arith.constant 0 : i32
        %dma_start3A_425 = tpu.memref_slice %arg8[%dma_start3A_423, %dma_start3A_424] : memref<80x128xf32, #tpu.memory_space<vmem>> -> memref<40x128xf32, #tpu.memory_space<vmem>>
        tpu.enqueue_dma source(%dma_start3A_425 : memref<40x128xf32, #tpu.memory_space<vmem>>) target(%dma_start3A_422 : memref<40x128xf32, #tpu.memory_space<vmem_shared>>) target_semaphore(%run_scoped3A_415 : memref<!tpu.dma_semaphore, #tpu.memory_space<semaphore_mem>>)
        %dma_wait3A_426 = arith.constant 0 : i32
        %dma_wait3A_427 = arith.constant 0 : i32
        %dma_wait3A_428 = tpu.memref_slice %arg8[%dma_wait3A_426, %dma_wait3A_427] : memref<80x128xf32, #tpu.memory_space<vmem>> -> memref<40x128xf32, #tpu.memory_space<vmem>>
        %dma_wait3A_429 = arith.constant 0 : i32
        %dma_wait3A_430 = tpu.memref_slice %arg11[%mul3A_414, %dma_wait3A_429] : memref<10008x128xf32, #tpu.memory_space<vmem_shared>> -> memref<40x128xf32, #tpu.memory_space<vmem_shared>>
        %dma_wait3A_431 = arith.constant 0 : i32
        %dma_wait3A_432 = tpu.memref_slice %arg11[%mul3A_414, %dma_wait3A_431] : memref<10008x128xf32, #tpu.memory_space<vmem_shared>> -> memref<40x128xf32, #tpu.memory_space<vmem_shared>>
        %dma_wait3A_433 = arith.constant 0 : i32
        %dma_wait3A_434 = arith.constant 0 : i32
        %dma_wait3A_435 = tpu.memref_slice %arg8[%dma_wait3A_433, %dma_wait3A_434] : memref<80x128xf32, #tpu.memory_space<vmem>> -> memref<40x128xf32, #tpu.memory_space<vmem>>
        tpu.wait_dma2 semaphore(%run_scoped3A_415 : memref<!tpu.dma_semaphore, #tpu.memory_space<semaphore_mem>>) src(%dma_wait3A_435 : memref<40x128xf32, #tpu.memory_space<vmem>>) dst(%dma_wait3A_432 : memref<40x128xf32, #tpu.memory_space<vmem_shared>>)
        tpu.yield
      }) : () -> ()
    } else {
    }
    %add3A_184 = arith.constant 224 : i32
    %add3A_185 = arith.addi %arg1, %add3A_184 : i32
    %lt3A_186 = arith.constant 250 : i32
    %lt3A_187 = arith.cmpi slt, %add3A_185, %lt3A_186 : i32
    %convert_element_type3A_188 = arith.extui %lt3A_187 : i1 to i32
    %cond3A_189 = arith.constant 0 : i32
    %cond3A_190 = arith.cmpi ne, %convert_element_type3A_188, %cond3A_189 : i32
    scf.if %cond3A_190 {
      %mul3A_413 = arith.constant 40 : i32
      %mul3A_414 = arith.muli %add3A_185, %mul3A_413 : i32
      "tpu.region"() ({
        %run_scoped3A_415 = tpu.sem_alloc : memref<!tpu.dma_semaphore, #tpu.memory_space<semaphore_mem>>
        %dma_start3A_416 = arith.constant 0 : i32
        %dma_start3A_417 = arith.constant 0 : i32
        %dma_start3A_418 = tpu.memref_slice %arg8[%dma_start3A_416, %dma_start3A_417] : memref<80x128xf32, #tpu.memory_space<vmem>> -> memref<40x128xf32, #tpu.memory_space<vmem>>
        %dma_start3A_419 = arith.constant 0 : i32
        %dma_start3A_420 = tpu.memref_slice %arg11[%mul3A_414, %dma_start3A_419] : memref<10008x128xf32, #tpu.memory_space<vmem_shared>> -> memref<40x128xf32, #tpu.memory_space<vmem_shared>>
        %dma_start3A_421 = arith.constant 0 : i32
        %dma_start3A_422 = tpu.memref_slice %arg11[%mul3A_414, %dma_start3A_421] : memref<10008x128xf32, #tpu.memory_space<vmem_shared>> -> memref<40x128xf32, #tpu.memory_space<vmem_shared>>
        %dma_start3A_423 = arith.constant 0 : i32
        %dma_start3A_424 = arith.constant 0 : i32
        %dma_start3A_425 = tpu.memref_slice %arg8[%dma_start3A_423, %dma_start3A_424] : memref<80x128xf32, #tpu.memory_space<vmem>> -> memref<40x128xf32, #tpu.memory_space<vmem>>
        tpu.enqueue_dma source(%dma_start3A_425 : memref<40x128xf32, #tpu.memory_space<vmem>>) target(%dma_start3A_422 : memref<40x128xf32, #tpu.memory_space<vmem_shared>>) target_semaphore(%run_scoped3A_415 : memref<!tpu.dma_semaphore, #tpu.memory_space<semaphore_mem>>)
        %dma_wait3A_426 = arith.constant 0 : i32
        %dma_wait3A_427 = arith.constant 0 : i32
        %dma_wait3A_428 = tpu.memref_slice %arg8[%dma_wait3A_426, %dma_wait3A_427] : memref<80x128xf32, #tpu.memory_space<vmem>> -> memref<40x128xf32, #tpu.memory_space<vmem>>
        %dma_wait3A_429 = arith.constant 0 : i32
        %dma_wait3A_430 = tpu.memref_slice %arg11[%mul3A_414, %dma_wait3A_429] : memref<10008x128xf32, #tpu.memory_space<vmem_shared>> -> memref<40x128xf32, #tpu.memory_space<vmem_shared>>
        %dma_wait3A_431 = arith.constant 0 : i32
        %dma_wait3A_432 = tpu.memref_slice %arg11[%mul3A_414, %dma_wait3A_431] : memref<10008x128xf32, #tpu.memory_space<vmem_shared>> -> memref<40x128xf32, #tpu.memory_space<vmem_shared>>
        %dma_wait3A_433 = arith.constant 0 : i32
        %dma_wait3A_434 = arith.constant 0 : i32
        %dma_wait3A_435 = tpu.memref_slice %arg8[%dma_wait3A_433, %dma_wait3A_434] : memref<80x128xf32, #tpu.memory_space<vmem>> -> memref<40x128xf32, #tpu.memory_space<vmem>>
        tpu.wait_dma2 semaphore(%run_scoped3A_415 : memref<!tpu.dma_semaphore, #tpu.memory_space<semaphore_mem>>) src(%dma_wait3A_435 : memref<40x128xf32, #tpu.memory_space<vmem>>) dst(%dma_wait3A_432 : memref<40x128xf32, #tpu.memory_space<vmem_shared>>)
        tpu.yield
      }) : () -> ()
    } else {
    }
    %add3A_191 = arith.constant 240 : i32
    %add3A_192 = arith.addi %arg1, %add3A_191 : i32
    %lt3A_193 = arith.constant 250 : i32
    %lt3A_194 = arith.cmpi slt, %add3A_192, %lt3A_193 : i32
    %convert_element_type3A_195 = arith.extui %lt3A_194 : i1 to i32
    %cond3A_196 = arith.constant 0 : i32
    %cond3A_197 = arith.cmpi ne, %convert_element_type3A_195, %cond3A_196 : i32
    scf.if %cond3A_197 {
      %mul3A_413 = arith.constant 40 : i32
      %mul3A_414 = arith.muli %add3A_192, %mul3A_413 : i32
      "tpu.region"() ({
        %run_scoped3A_415 = tpu.sem_alloc : memref<!tpu.dma_semaphore, #tpu.memory_space<semaphore_mem>>
        %dma_start3A_416 = arith.constant 0 : i32
        %dma_start3A_417 = arith.constant 0 : i32
        %dma_start3A_418 = tpu.memref_slice %arg8[%dma_start3A_416, %dma_start3A_417] : memref<80x128xf32, #tpu.memory_space<vmem>> -> memref<40x128xf32, #tpu.memory_space<vmem>>
        %dma_start3A_419 = arith.constant 0 : i32
        %dma_start3A_420 = tpu.memref_slice %arg11[%mul3A_414, %dma_start3A_419] : memref<10008x128xf32, #tpu.memory_space<vmem_shared>> -> memref<40x128xf32, #tpu.memory_space<vmem_shared>>
        %dma_start3A_421 = arith.constant 0 : i32
        %dma_start3A_422 = tpu.memref_slice %arg11[%mul3A_414, %dma_start3A_421] : memref<10008x128xf32, #tpu.memory_space<vmem_shared>> -> memref<40x128xf32, #tpu.memory_space<vmem_shared>>
        %dma_start3A_423 = arith.constant 0 : i32
        %dma_start3A_424 = arith.constant 0 : i32
        %dma_start3A_425 = tpu.memref_slice %arg8[%dma_start3A_423, %dma_start3A_424] : memref<80x128xf32, #tpu.memory_space<vmem>> -> memref<40x128xf32, #tpu.memory_space<vmem>>
        tpu.enqueue_dma source(%dma_start3A_425 : memref<40x128xf32, #tpu.memory_space<vmem>>) target(%dma_start3A_422 : memref<40x128xf32, #tpu.memory_space<vmem_shared>>) target_semaphore(%run_scoped3A_415 : memref<!tpu.dma_semaphore, #tpu.memory_space<semaphore_mem>>)
        %dma_wait3A_426 = arith.constant 0 : i32
        %dma_wait3A_427 = arith.constant 0 : i32
        %dma_wait3A_428 = tpu.memref_slice %arg8[%dma_wait3A_426, %dma_wait3A_427] : memref<80x128xf32, #tpu.memory_space<vmem>> -> memref<40x128xf32, #tpu.memory_space<vmem>>
        %dma_wait3A_429 = arith.constant 0 : i32
        %dma_wait3A_430 = tpu.memref_slice %arg11[%mul3A_414, %dma_wait3A_429] : memref<10008x128xf32, #tpu.memory_space<vmem_shared>> -> memref<40x128xf32, #tpu.memory_space<vmem_shared>>
        %dma_wait3A_431 = arith.constant 0 : i32
        %dma_wait3A_432 = tpu.memref_slice %arg11[%mul3A_414, %dma_wait3A_431] : memref<10008x128xf32, #tpu.memory_space<vmem_shared>> -> memref<40x128xf32, #tpu.memory_space<vmem_shared>>
        %dma_wait3A_433 = arith.constant 0 : i32
        %dma_wait3A_434 = arith.constant 0 : i32
        %dma_wait3A_435 = tpu.memref_slice %arg8[%dma_wait3A_433, %dma_wait3A_434] : memref<80x128xf32, #tpu.memory_space<vmem>> -> memref<40x128xf32, #tpu.memory_space<vmem>>
        tpu.wait_dma2 semaphore(%run_scoped3A_415 : memref<!tpu.dma_semaphore, #tpu.memory_space<semaphore_mem>>) src(%dma_wait3A_435 : memref<40x128xf32, #tpu.memory_space<vmem>>) dst(%dma_wait3A_432 : memref<40x128xf32, #tpu.memory_space<vmem_shared>>)
        tpu.yield
      }) : () -> ()
    } else {
    }
    %mul3A_198 = arith.constant 10000 : i32
    %mul3A_199 = arith.muli %add3A, %mul3A_198 : i32
    %add3A_200 = arith.constant 0 : i32
    %add3A_201 = arith.addi %mul3A_199, %add3A_200 : i32
    %dma_wait3A = arith.constant 0 : i32
    %dma_wait3A_202 = arith.constant 0 : i32
    %dma_wait3A_203 = arith.constant 0 : i32
    %dma_wait3A_204 = tpu.memref_slice %arg6[%dma_wait3A, %dma_wait3A_203] : memref<3x80xi32, #tpu.memory_space<vmem>> -> memref<1x80xi32, #tpu.memory_space<vmem>>
    %dma_wait3A_205 = tpu.memref_squeeze %dma_wait3A_204 : memref<1x80xi32, #tpu.memory_space<vmem>> -> memref<80xi32, #tpu.memory_space<vmem>>
    %dma_wait3A_206 = tpu.memref_slice %arg3[%add3A_201] : memref<320000xi32, #tpu.memory_space<hbm>> -> memref<80xi32, #tpu.memory_space<hbm>>
    %dma_wait3A_207 = tpu.memref_slice %arg12[%dma_wait3A_202] : memref<3x!tpu.dma_semaphore, #tpu.memory_space<semaphore_mem>> -> memref<1x!tpu.dma_semaphore, #tpu.memory_space<semaphore_mem>>
    %dma_wait3A_208 = tpu.memref_squeeze %dma_wait3A_207 : memref<1x!tpu.dma_semaphore, #tpu.memory_space<semaphore_mem>> -> memref<!tpu.dma_semaphore, #tpu.memory_space<semaphore_mem>>
    %dma_wait3A_209 = arith.constant 0 : i32
    %dma_wait3A_210 = tpu.memref_slice %arg6[%dma_wait3A, %dma_wait3A_209] : memref<3x80xi32, #tpu.memory_space<vmem>> -> memref<1x80xi32, #tpu.memory_space<vmem>>
    %dma_wait3A_211 = tpu.memref_squeeze %dma_wait3A_210 : memref<1x80xi32, #tpu.memory_space<vmem>> -> memref<80xi32, #tpu.memory_space<vmem>>
    %dma_wait3A_212 = tpu.memref_slice %arg3[%add3A_201] : memref<320000xi32, #tpu.memory_space<hbm>> -> memref<80xi32, #tpu.memory_space<hbm>>
    tpu.wait_dma2 semaphore(%dma_wait3A_208 : memref<!tpu.dma_semaphore, #tpu.memory_space<semaphore_mem>>) src(%dma_wait3A_212 : memref<80xi32, #tpu.memory_space<hbm>>) dst(%dma_wait3A_211 : memref<80xi32, #tpu.memory_space<vmem>>)
    %dma_wait3A_213 = arith.constant 0 : i32
    %dma_wait3A_214 = arith.constant 0 : i32
    %dma_wait3A_215 = arith.constant 0 : i32
    %dma_wait3A_216 = tpu.memref_slice %arg7[%dma_wait3A_213, %dma_wait3A_215] : memref<3x80xi32, #tpu.memory_space<vmem>> -> memref<1x80xi32, #tpu.memory_space<vmem>>
    %dma_wait3A_217 = tpu.memref_squeeze %dma_wait3A_216 : memref<1x80xi32, #tpu.memory_space<vmem>> -> memref<80xi32, #tpu.memory_space<vmem>>
    %dma_wait3A_218 = tpu.memref_slice %arg4[%add3A_201] : memref<320000xi32, #tpu.memory_space<hbm>> -> memref<80xi32, #tpu.memory_space<hbm>>
    %dma_wait3A_219 = tpu.memref_slice %arg13[%dma_wait3A_214] : memref<3x!tpu.dma_semaphore, #tpu.memory_space<semaphore_mem>> -> memref<1x!tpu.dma_semaphore, #tpu.memory_space<semaphore_mem>>
    %dma_wait3A_220 = tpu.memref_squeeze %dma_wait3A_219 : memref<1x!tpu.dma_semaphore, #tpu.memory_space<semaphore_mem>> -> memref<!tpu.dma_semaphore, #tpu.memory_space<semaphore_mem>>
    %dma_wait3A_221 = arith.constant 0 : i32
    %dma_wait3A_222 = tpu.memref_slice %arg7[%dma_wait3A_213, %dma_wait3A_221] : memref<3x80xi32, #tpu.memory_space<vmem>> -> memref<1x80xi32, #tpu.memory_space<vmem>>
    %dma_wait3A_223 = tpu.memref_squeeze %dma_wait3A_222 : memref<1x80xi32, #tpu.memory_space<vmem>> -> memref<80xi32, #tpu.memory_space<vmem>>
    %dma_wait3A_224 = tpu.memref_slice %arg4[%add3A_201] : memref<320000xi32, #tpu.memory_space<hbm>> -> memref<80xi32, #tpu.memory_space<hbm>>
    tpu.wait_dma2 semaphore(%dma_wait3A_220 : memref<!tpu.dma_semaphore, #tpu.memory_space<semaphore_mem>>) src(%dma_wait3A_224 : memref<80xi32, #tpu.memory_space<hbm>>) dst(%dma_wait3A_223 : memref<80xi32, #tpu.memory_space<vmem>>)
    %dma_start3A_225 = arith.constant 0 : i32
    %dma_start3A_226 = arith.constant 0 : i32
    %dma_start3A_227 = arith.constant 0 : i32
    %dma_start3A_228 = tpu.memref_slice %arg6[%dma_start3A_225, %dma_start3A_227] : memref<3x80xi32, #tpu.memory_space<vmem>> -> memref<1x80xi32, #tpu.memory_space<vmem>>
    %dma_start3A_229 = tpu.memref_squeeze %dma_start3A_228 : memref<1x80xi32, #tpu.memory_space<vmem>> -> memref<80xi32, #tpu.memory_space<vmem>>
    %dma_start3A_230 = arith.constant 0 : i32
    %dma_start3A_231 = arith.constant 0 : i32
    %dma_start3A_232 = tpu.memref_slice %arg2[%dma_start3A_230, %dma_start3A_231] : memref<10000x128xf32, #tpu.memory_space<hbm>> -> memref<10000x128xf32, #tpu.memory_space<hbm>>
    %dma_start3A_233 = tpu.memref_slice %arg14[%dma_start3A_226] : memref<3x!tpu.dma_semaphore, #tpu.memory_space<semaphore_mem>> -> memref<1x!tpu.dma_semaphore, #tpu.memory_space<semaphore_mem>>
    %dma_start3A_234 = tpu.memref_squeeze %dma_start3A_233 : memref<1x!tpu.dma_semaphore, #tpu.memory_space<semaphore_mem>> -> memref<!tpu.dma_semaphore, #tpu.memory_space<semaphore_mem>>
    tpu.enqueue_indirect_dma source(%dma_start3A_232 : memref<10000x128xf32, #tpu.memory_space<hbm>>) target(%arg8 : memref<80x128xf32, #tpu.memory_space<vmem>>) offsets(%dma_start3A_229 : memref<80xi32, #tpu.memory_space<vmem>>) semaphore(%dma_start3A_234 : memref<!tpu.dma_semaphore, #tpu.memory_space<semaphore_mem>>)
    %mul3A_235 = arith.constant 10000 : i32
    %mul3A_236 = arith.muli %add3A, %mul3A_235 : i32
    %add3A_237 = arith.constant 80 : i32
    %add3A_238 = arith.addi %mul3A_236, %add3A_237 : i32
    %dma_wait3A_239 = arith.constant 1 : i32
    %dma_wait3A_240 = arith.constant 1 : i32
    %dma_wait3A_241 = arith.constant 0 : i32
    %dma_wait3A_242 = tpu.memref_slice %arg6[%dma_wait3A_239, %dma_wait3A_241] : memref<3x80xi32, #tpu.memory_space<vmem>> -> memref<1x80xi32, #tpu.memory_space<vmem>>
    %dma_wait3A_243 = tpu.memref_squeeze %dma_wait3A_242 : memref<1x80xi32, #tpu.memory_space<vmem>> -> memref<80xi32, #tpu.memory_space<vmem>>
    %dma_wait3A_244 = tpu.memref_slice %arg3[%add3A_238] : memref<320000xi32, #tpu.memory_space<hbm>> -> memref<80xi32, #tpu.memory_space<hbm>>
    %dma_wait3A_245 = tpu.memref_slice %arg12[%dma_wait3A_240] : memref<3x!tpu.dma_semaphore, #tpu.memory_space<semaphore_mem>> -> memref<1x!tpu.dma_semaphore, #tpu.memory_space<semaphore_mem>>
    %dma_wait3A_246 = tpu.memref_squeeze %dma_wait3A_245 : memref<1x!tpu.dma_semaphore, #tpu.memory_space<semaphore_mem>> -> memref<!tpu.dma_semaphore, #tpu.memory_space<semaphore_mem>>
    %dma_wait3A_247 = arith.constant 0 : i32
    %dma_wait3A_248 = tpu.memref_slice %arg6[%dma_wait3A_239, %dma_wait3A_247] : memref<3x80xi32, #tpu.memory_space<vmem>> -> memref<1x80xi32, #tpu.memory_space<vmem>>
    %dma_wait3A_249 = tpu.memref_squeeze %dma_wait3A_248 : memref<1x80xi32, #tpu.memory_space<vmem>> -> memref<80xi32, #tpu.memory_space<vmem>>
    %dma_wait3A_250 = tpu.memref_slice %arg3[%add3A_238] : memref<320000xi32, #tpu.memory_space<hbm>> -> memref<80xi32, #tpu.memory_space<hbm>>
    tpu.wait_dma2 semaphore(%dma_wait3A_246 : memref<!tpu.dma_semaphore, #tpu.memory_space<semaphore_mem>>) src(%dma_wait3A_250 : memref<80xi32, #tpu.memory_space<hbm>>) dst(%dma_wait3A_249 : memref<80xi32, #tpu.memory_space<vmem>>)
    %dma_wait3A_251 = arith.constant 1 : i32
    %dma_wait3A_252 = arith.constant 1 : i32
    %dma_wait3A_253 = arith.constant 0 : i32
    %dma_wait3A_254 = tpu.memref_slice %arg7[%dma_wait3A_251, %dma_wait3A_253] : memref<3x80xi32, #tpu.memory_space<vmem>> -> memref<1x80xi32, #tpu.memory_space<vmem>>
    %dma_wait3A_255 = tpu.memref_squeeze %dma_wait3A_254 : memref<1x80xi32, #tpu.memory_space<vmem>> -> memref<80xi32, #tpu.memory_space<vmem>>
    %dma_wait3A_256 = tpu.memref_slice %arg4[%add3A_238] : memref<320000xi32, #tpu.memory_space<hbm>> -> memref<80xi32, #tpu.memory_space<hbm>>
    %dma_wait3A_257 = tpu.memref_slice %arg13[%dma_wait3A_252] : memref<3x!tpu.dma_semaphore, #tpu.memory_space<semaphore_mem>> -> memref<1x!tpu.dma_semaphore, #tpu.memory_space<semaphore_mem>>
    %dma_wait3A_258 = tpu.memref_squeeze %dma_wait3A_257 : memref<1x!tpu.dma_semaphore, #tpu.memory_space<semaphore_mem>> -> memref<!tpu.dma_semaphore, #tpu.memory_space<semaphore_mem>>
    %dma_wait3A_259 = arith.constant 0 : i32
    %dma_wait3A_260 = tpu.memref_slice %arg7[%dma_wait3A_251, %dma_wait3A_259] : memref<3x80xi32, #tpu.memory_space<vmem>> -> memref<1x80xi32, #tpu.memory_space<vmem>>
    %dma_wait3A_261 = tpu.memref_squeeze %dma_wait3A_260 : memref<1x80xi32, #tpu.memory_space<vmem>> -> memref<80xi32, #tpu.memory_space<vmem>>
    %dma_wait3A_262 = tpu.memref_slice %arg4[%add3A_238] : memref<320000xi32, #tpu.memory_space<hbm>> -> memref<80xi32, #tpu.memory_space<hbm>>
    tpu.wait_dma2 semaphore(%dma_wait3A_258 : memref<!tpu.dma_semaphore, #tpu.memory_space<semaphore_mem>>) src(%dma_wait3A_262 : memref<80xi32, #tpu.memory_space<hbm>>) dst(%dma_wait3A_261 : memref<80xi32, #tpu.memory_space<vmem>>)
    %dma_start3A_263 = arith.constant 1 : i32
    %dma_start3A_264 = arith.constant 1 : i32
    %dma_start3A_265 = arith.constant 0 : i32
    %dma_start3A_266 = tpu.memref_slice %arg6[%dma_start3A_263, %dma_start3A_265] : memref<3x80xi32, #tpu.memory_space<vmem>> -> memref<1x80xi32, #tpu.memory_space<vmem>>
    %dma_start3A_267 = tpu.memref_squeeze %dma_start3A_266 : memref<1x80xi32, #tpu.memory_space<vmem>> -> memref<80xi32, #tpu.memory_space<vmem>>
    %dma_start3A_268 = arith.constant 0 : i32
    %dma_start3A_269 = arith.constant 0 : i32
    %dma_start3A_270 = tpu.memref_slice %arg2[%dma_start3A_268, %dma_start3A_269] : memref<10000x128xf32, #tpu.memory_space<hbm>> -> memref<10000x128xf32, #tpu.memory_space<hbm>>
    %dma_start3A_271 = tpu.memref_slice %arg14[%dma_start3A_264] : memref<3x!tpu.dma_semaphore, #tpu.memory_space<semaphore_mem>> -> memref<1x!tpu.dma_semaphore, #tpu.memory_space<semaphore_mem>>
    %dma_start3A_272 = tpu.memref_squeeze %dma_start3A_271 : memref<1x!tpu.dma_semaphore, #tpu.memory_space<semaphore_mem>> -> memref<!tpu.dma_semaphore, #tpu.memory_space<semaphore_mem>>
    tpu.enqueue_indirect_dma source(%dma_start3A_270 : memref<10000x128xf32, #tpu.memory_space<hbm>>) target(%arg9 : memref<80x128xf32, #tpu.memory_space<vmem>>) offsets(%dma_start3A_267 : memref<80xi32, #tpu.memory_space<vmem>>) semaphore(%dma_start3A_272 : memref<!tpu.dma_semaphore, #tpu.memory_space<semaphore_mem>>)
    %barrier3A = arith.constant 0 : index
    tpu.barrier barrier_id(%barrier3A)
    %scan3A_273 = arith.constant 0 : i32
    %scan3A_274 = arith.constant 0 : i32
    %scan3A_275 = arith.constant 41 : i32
    %scan3A_276 = arith.addi %scan3A_274, %scan3A_275 : i32
    %scan3A_277 = arith.constant 1 : i32
    scf.for %scan3A_413 = %scan3A_274 to %scan3A_276 step %scan3A_277  : i32 {
      %mul3A_414 = arith.constant 3 : i32
      %mul3A_415 = arith.muli %mul3A_414, %scan3A_413 : i32
      %dma_wait3A_416 = arith.constant 0 : i32
      %dma_wait3A_417 = arith.constant 0 : i32
      %dma_wait3A_418 = arith.constant 0 : i32
      %dma_wait3A_419 = tpu.memref_slice %arg6[%dma_wait3A_416, %dma_wait3A_418] : memref<3x80xi32, #tpu.memory_space<vmem>> -> memref<1x80xi32, #tpu.memory_space<vmem>>
      %dma_wait3A_420 = tpu.memref_squeeze %dma_wait3A_419 : memref<1x80xi32, #tpu.memory_space<vmem>> -> memref<80xi32, #tpu.memory_space<vmem>>
      %dma_wait3A_421 = arith.constant 0 : i32
      %dma_wait3A_422 = arith.constant 0 : i32
      %dma_wait3A_423 = tpu.memref_slice %arg2[%dma_wait3A_421, %dma_wait3A_422] : memref<10000x128xf32, #tpu.memory_space<hbm>> -> memref<10000x128xf32, #tpu.memory_space<hbm>>
      %dma_wait3A_424 = tpu.memref_slice %arg14[%dma_wait3A_417] : memref<3x!tpu.dma_semaphore, #tpu.memory_space<semaphore_mem>> -> memref<1x!tpu.dma_semaphore, #tpu.memory_space<semaphore_mem>>
      %dma_wait3A_425 = tpu.memref_squeeze %dma_wait3A_424 : memref<1x!tpu.dma_semaphore, #tpu.memory_space<semaphore_mem>> -> memref<!tpu.dma_semaphore, #tpu.memory_space<semaphore_mem>>
      tpu.wait_indirect_dma semaphore(%dma_wait3A_425 : memref<!tpu.dma_semaphore, #tpu.memory_space<semaphore_mem>>) src(%dma_wait3A_423 : memref<10000x128xf32, #tpu.memory_space<hbm>>) dst(%arg8 : memref<80x128xf32, #tpu.memory_space<vmem>>)
      %run_scoped3A_426 = arith.constant 0 : i32
      "tpu.region"() ({
        %run_scoped3A_499 = tpu.sem_alloc : memref<!tpu.dma_semaphore, #tpu.memory_space<semaphore_mem>>
        %dma_start3A_500 = arith.constant 0 : i32
        %dma_start3A_501 = tpu.memref_slice %arg7[%run_scoped3A_426, %dma_start3A_500] : memref<3x80xi32, #tpu.memory_space<vmem>> -> memref<1x80xi32, #tpu.memory_space<vmem>>
        %dma_start3A_502 = tpu.memref_squeeze %dma_start3A_501 : memref<1x80xi32, #tpu.memory_space<vmem>> -> memref<80xi32, #tpu.memory_space<vmem>>
        %dma_start3A_503 = arith.constant 0 : i32
        %dma_start3A_504 = arith.constant 0 : i32
        %dma_start3A_505 = tpu.memref_slice %arg11[%dma_start3A_503, %dma_start3A_504] : memref<10008x128xf32, #tpu.memory_space<vmem_shared>> -> memref<10008x128xf32, #tpu.memory_space<vmem_shared>>
        tpu.enqueue_indirect_dma source(%arg8 : memref<80x128xf32, #tpu.memory_space<vmem>>) target(%dma_start3A_505 : memref<10008x128xf32, #tpu.memory_space<vmem_shared>>) offsets(%dma_start3A_502 : memref<80xi32, #tpu.memory_space<vmem>>) semaphore(%run_scoped3A_499 : memref<!tpu.dma_semaphore, #tpu.memory_space<semaphore_mem>>) {add = true}
        %dma_wait3A_506 = arith.constant 0 : i32
        %dma_wait3A_507 = tpu.memref_slice %arg7[%run_scoped3A_426, %dma_wait3A_506] : memref<3x80xi32, #tpu.memory_space<vmem>> -> memref<1x80xi32, #tpu.memory_space<vmem>>
        %dma_wait3A_508 = tpu.memref_squeeze %dma_wait3A_507 : memref<1x80xi32, #tpu.memory_space<vmem>> -> memref<80xi32, #tpu.memory_space<vmem>>
        %dma_wait3A_509 = arith.constant 0 : i32
        %dma_wait3A_510 = arith.constant 0 : i32
        %dma_wait3A_511 = tpu.memref_slice %arg11[%dma_wait3A_509, %dma_wait3A_510] : memref<10008x128xf32, #tpu.memory_space<vmem_shared>> -> memref<10008x128xf32, #tpu.memory_space<vmem_shared>>
        tpu.wait_indirect_dma semaphore(%run_scoped3A_499 : memref<!tpu.dma_semaphore, #tpu.memory_space<semaphore_mem>>) src(%arg8 : memref<80x128xf32, #tpu.memory_space<vmem>>) dst(%dma_wait3A_511 : memref<10008x128xf32, #tpu.memory_space<vmem_shared>>)
        tpu.yield
      }) : () -> ()
      %add3A_427 = arith.constant 2 : i32
      %add3A_428 = arith.addi %mul3A_415, %add3A_427 : i32
      %lt3A_429 = arith.constant 125 : i32
      %lt3A_430 = arith.cmpi slt, %add3A_428, %lt3A_429 : i32
      %convert_element_type3A_431 = arith.extui %lt3A_430 : i1 to i32
      %cond3A_432 = arith.constant 0 : i32
      %cond3A_433 = arith.cmpi ne, %convert_element_type3A_431, %cond3A_432 : i32
      scf.if %cond3A_433 {
        %add3A_499 = arith.constant 2 : i32
        %add3A_500 = arith.addi %mul3A_415, %add3A_499 : i32
        %mul3A_501 = arith.constant 10000 : i32
        %mul3A_502 = arith.muli %add3A, %mul3A_501 : i32
        %mul3A_503 = arith.constant 80 : i32
        %mul3A_504 = arith.muli %add3A_500, %mul3A_503 : i32
        %add3A_505 = arith.addi %mul3A_502, %mul3A_504 : i32
        %dma_wait3A_506 = arith.constant 2 : i32
        %dma_wait3A_507 = arith.constant 2 : i32
        %dma_wait3A_508 = arith.constant 0 : i32
        %dma_wait3A_509 = tpu.memref_slice %arg6[%dma_wait3A_506, %dma_wait3A_508] : memref<3x80xi32, #tpu.memory_space<vmem>> -> memref<1x80xi32, #tpu.memory_space<vmem>>
        %dma_wait3A_510 = tpu.memref_squeeze %dma_wait3A_509 : memref<1x80xi32, #tpu.memory_space<vmem>> -> memref<80xi32, #tpu.memory_space<vmem>>
        %dma_wait3A_511 = tpu.memref_slice %arg3[%add3A_505] : memref<320000xi32, #tpu.memory_space<hbm>> -> memref<80xi32, #tpu.memory_space<hbm>>
        %dma_wait3A_512 = tpu.memref_slice %arg12[%dma_wait3A_507] : memref<3x!tpu.dma_semaphore, #tpu.memory_space<semaphore_mem>> -> memref<1x!tpu.dma_semaphore, #tpu.memory_space<semaphore_mem>>
        %dma_wait3A_513 = tpu.memref_squeeze %dma_wait3A_512 : memref<1x!tpu.dma_semaphore, #tpu.memory_space<semaphore_mem>> -> memref<!tpu.dma_semaphore, #tpu.memory_space<semaphore_mem>>
        %dma_wait3A_514 = arith.constant 0 : i32
        %dma_wait3A_515 = tpu.memref_slice %arg6[%dma_wait3A_506, %dma_wait3A_514] : memref<3x80xi32, #tpu.memory_space<vmem>> -> memref<1x80xi32, #tpu.memory_space<vmem>>
        %dma_wait3A_516 = tpu.memref_squeeze %dma_wait3A_515 : memref<1x80xi32, #tpu.memory_space<vmem>> -> memref<80xi32, #tpu.memory_space<vmem>>
        %dma_wait3A_517 = tpu.memref_slice %arg3[%add3A_505] : memref<320000xi32, #tpu.memory_space<hbm>> -> memref<80xi32, #tpu.memory_space<hbm>>
        tpu.wait_dma2 semaphore(%dma_wait3A_513 : memref<!tpu.dma_semaphore, #tpu.memory_space<semaphore_mem>>) src(%dma_wait3A_517 : memref<80xi32, #tpu.memory_space<hbm>>) dst(%dma_wait3A_516 : memref<80xi32, #tpu.memory_space<vmem>>)
        %dma_wait3A_518 = arith.constant 2 : i32
        %dma_wait3A_519 = arith.constant 2 : i32
        %dma_wait3A_520 = arith.constant 0 : i32
        %dma_wait3A_521 = tpu.memref_slice %arg7[%dma_wait3A_518, %dma_wait3A_520] : memref<3x80xi32, #tpu.memory_space<vmem>> -> memref<1x80xi32, #tpu.memory_space<vmem>>
        %dma_wait3A_522 = tpu.memref_squeeze %dma_wait3A_521 : memref<1x80xi32, #tpu.memory_space<vmem>> -> memref<80xi32, #tpu.memory_space<vmem>>
        %dma_wait3A_523 = tpu.memref_slice %arg4[%add3A_505] : memref<320000xi32, #tpu.memory_space<hbm>> -> memref<80xi32, #tpu.memory_space<hbm>>
        %dma_wait3A_524 = tpu.memref_slice %arg13[%dma_wait3A_519] : memref<3x!tpu.dma_semaphore, #tpu.memory_space<semaphore_mem>> -> memref<1x!tpu.dma_semaphore, #tpu.memory_space<semaphore_mem>>
        %dma_wait3A_525 = tpu.memref_squeeze %dma_wait3A_524 : memref<1x!tpu.dma_semaphore, #tpu.memory_space<semaphore_mem>> -> memref<!tpu.dma_semaphore, #tpu.memory_space<semaphore_mem>>
        %dma_wait3A_526 = arith.constant 0 : i32
        %dma_wait3A_527 = tpu.memref_slice %arg7[%dma_wait3A_518, %dma_wait3A_526] : memref<3x80xi32, #tpu.memory_space<vmem>> -> memref<1x80xi32, #tpu.memory_space<vmem>>
        %dma_wait3A_528 = tpu.memref_squeeze %dma_wait3A_527 : memref<1x80xi32, #tpu.memory_space<vmem>> -> memref<80xi32, #tpu.memory_space<vmem>>
        %dma_wait3A_529 = tpu.memref_slice %arg4[%add3A_505] : memref<320000xi32, #tpu.memory_space<hbm>> -> memref<80xi32, #tpu.memory_space<hbm>>
        tpu.wait_dma2 semaphore(%dma_wait3A_525 : memref<!tpu.dma_semaphore, #tpu.memory_space<semaphore_mem>>) src(%dma_wait3A_529 : memref<80xi32, #tpu.memory_space<hbm>>) dst(%dma_wait3A_528 : memref<80xi32, #tpu.memory_space<vmem>>)
        %dma_start3A_530 = arith.constant 2 : i32
        %dma_start3A_531 = arith.constant 2 : i32
        %dma_start3A_532 = arith.constant 0 : i32
        %dma_start3A_533 = tpu.memref_slice %arg6[%dma_start3A_530, %dma_start3A_532] : memref<3x80xi32, #tpu.memory_space<vmem>> -> memref<1x80xi32, #tpu.memory_space<vmem>>
        %dma_start3A_534 = tpu.memref_squeeze %dma_start3A_533 : memref<1x80xi32, #tpu.memory_space<vmem>> -> memref<80xi32, #tpu.memory_space<vmem>>
        %dma_start3A_535 = arith.constant 0 : i32
        %dma_start3A_536 = arith.constant 0 : i32
        %dma_start3A_537 = tpu.memref_slice %arg2[%dma_start3A_535, %dma_start3A_536] : memref<10000x128xf32, #tpu.memory_space<hbm>> -> memref<10000x128xf32, #tpu.memory_space<hbm>>
        %dma_start3A_538 = tpu.memref_slice %arg14[%dma_start3A_531] : memref<3x!tpu.dma_semaphore, #tpu.memory_space<semaphore_mem>> -> memref<1x!tpu.dma_semaphore, #tpu.memory_space<semaphore_mem>>
        %dma_start3A_539 = tpu.memref_squeeze %dma_start3A_538 : memref<1x!tpu.dma_semaphore, #tpu.memory_space<semaphore_mem>> -> memref<!tpu.dma_semaphore, #tpu.memory_space<semaphore_mem>>
        tpu.enqueue_indirect_dma source(%dma_start3A_537 : memref<10000x128xf32, #tpu.memory_space<hbm>>) target(%arg10 : memref<80x128xf32, #tpu.memory_space<vmem>>) offsets(%dma_start3A_534 : memref<80xi32, #tpu.memory_space<vmem>>) semaphore(%dma_start3A_539 : memref<!tpu.dma_semaphore, #tpu.memory_space<semaphore_mem>>)
      } else {
      }
      %add3A_434 = arith.constant 3 : i32
      %add3A_435 = arith.addi %mul3A_415, %add3A_434 : i32
      %lt3A_436 = arith.constant 125 : i32
      %lt3A_437 = arith.cmpi slt, %add3A_435, %lt3A_436 : i32
      %convert_element_type3A_438 = arith.extui %lt3A_437 : i1 to i32
      %cond3A_439 = arith.constant 0 : i32
      %cond3A_440 = arith.cmpi ne, %convert_element_type3A_438, %cond3A_439 : i32
      scf.if %cond3A_440 {
        %add3A_499 = arith.constant 3 : i32
        %add3A_500 = arith.addi %mul3A_415, %add3A_499 : i32
        %mul3A_501 = arith.constant 10000 : i32
        %mul3A_502 = arith.muli %add3A, %mul3A_501 : i32
        %mul3A_503 = arith.constant 80 : i32
        %mul3A_504 = arith.muli %add3A_500, %mul3A_503 : i32
        %add3A_505 = arith.addi %mul3A_502, %mul3A_504 : i32
        %dma_start3A_506 = arith.constant 0 : i32
        %dma_start3A_507 = arith.constant 0 : i32
        %dma_start3A_508 = arith.constant 0 : i32
        %dma_start3A_509 = tpu.memref_slice %arg6[%dma_start3A_506, %dma_start3A_508] : memref<3x80xi32, #tpu.memory_space<vmem>> -> memref<1x80xi32, #tpu.memory_space<vmem>>
        %dma_start3A_510 = tpu.memref_squeeze %dma_start3A_509 : memref<1x80xi32, #tpu.memory_space<vmem>> -> memref<80xi32, #tpu.memory_space<vmem>>
        %dma_start3A_511 = tpu.memref_slice %arg3[%add3A_505] : memref<320000xi32, #tpu.memory_space<hbm>> -> memref<80xi32, #tpu.memory_space<hbm>>
        %dma_start3A_512 = tpu.memref_slice %arg12[%dma_start3A_507] : memref<3x!tpu.dma_semaphore, #tpu.memory_space<semaphore_mem>> -> memref<1x!tpu.dma_semaphore, #tpu.memory_space<semaphore_mem>>
        %dma_start3A_513 = tpu.memref_squeeze %dma_start3A_512 : memref<1x!tpu.dma_semaphore, #tpu.memory_space<semaphore_mem>> -> memref<!tpu.dma_semaphore, #tpu.memory_space<semaphore_mem>>
        %dma_start3A_514 = arith.constant 0 : i32
        %dma_start3A_515 = tpu.memref_slice %arg6[%dma_start3A_506, %dma_start3A_514] : memref<3x80xi32, #tpu.memory_space<vmem>> -> memref<1x80xi32, #tpu.memory_space<vmem>>
        %dma_start3A_516 = tpu.memref_squeeze %dma_start3A_515 : memref<1x80xi32, #tpu.memory_space<vmem>> -> memref<80xi32, #tpu.memory_space<vmem>>
        %dma_start3A_517 = tpu.memref_slice %arg3[%add3A_505] : memref<320000xi32, #tpu.memory_space<hbm>> -> memref<80xi32, #tpu.memory_space<hbm>>
        tpu.enqueue_dma source(%dma_start3A_517 : memref<80xi32, #tpu.memory_space<hbm>>) target(%dma_start3A_516 : memref<80xi32, #tpu.memory_space<vmem>>) target_semaphore(%dma_start3A_513 : memref<!tpu.dma_semaphore, #tpu.memory_space<semaphore_mem>>)
        %dma_start3A_518 = arith.constant 0 : i32
        %dma_start3A_519 = arith.constant 0 : i32
        %dma_start3A_520 = arith.constant 0 : i32
        %dma_start3A_521 = tpu.memref_slice %arg7[%dma_start3A_518, %dma_start3A_520] : memref<3x80xi32, #tpu.memory_space<vmem>> -> memref<1x80xi32, #tpu.memory_space<vmem>>
        %dma_start3A_522 = tpu.memref_squeeze %dma_start3A_521 : memref<1x80xi32, #tpu.memory_space<vmem>> -> memref<80xi32, #tpu.memory_space<vmem>>
        %dma_start3A_523 = tpu.memref_slice %arg4[%add3A_505] : memref<320000xi32, #tpu.memory_space<hbm>> -> memref<80xi32, #tpu.memory_space<hbm>>
        %dma_start3A_524 = tpu.memref_slice %arg13[%dma_start3A_519] : memref<3x!tpu.dma_semaphore, #tpu.memory_space<semaphore_mem>> -> memref<1x!tpu.dma_semaphore, #tpu.memory_space<semaphore_mem>>
        %dma_start3A_525 = tpu.memref_squeeze %dma_start3A_524 : memref<1x!tpu.dma_semaphore, #tpu.memory_space<semaphore_mem>> -> memref<!tpu.dma_semaphore, #tpu.memory_space<semaphore_mem>>
        %dma_start3A_526 = arith.constant 0 : i32
        %dma_start3A_527 = tpu.memref_slice %arg7[%dma_start3A_518, %dma_start3A_526] : memref<3x80xi32, #tpu.memory_space<vmem>> -> memref<1x80xi32, #tpu.memory_space<vmem>>
        %dma_start3A_528 = tpu.memref_squeeze %dma_start3A_527 : memref<1x80xi32, #tpu.memory_space<vmem>> -> memref<80xi32, #tpu.memory_space<vmem>>
        %dma_start3A_529 = tpu.memref_slice %arg4[%add3A_505] : memref<320000xi32, #tpu.memory_space<hbm>> -> memref<80xi32, #tpu.memory_space<hbm>>
        tpu.enqueue_dma source(%dma_start3A_529 : memref<80xi32, #tpu.memory_space<hbm>>) target(%dma_start3A_528 : memref<80xi32, #tpu.memory_space<vmem>>) target_semaphore(%dma_start3A_525 : memref<!tpu.dma_semaphore, #tpu.memory_space<semaphore_mem>>)
      } else {
      }
      %mul3A_441 = arith.constant 3 : i32
      %mul3A_442 = arith.muli %mul3A_441, %scan3A_413 : i32
      %add3A_443 = arith.constant 1 : i32
      %add3A_444 = arith.addi %mul3A_442, %add3A_443 : i32
      %dma_wait3A_445 = arith.constant 1 : i32
      %dma_wait3A_446 = arith.constant 1 : i32
      %dma_wait3A_447 = arith.constant 0 : i32
      %dma_wait3A_448 = tpu.memref_slice %arg6[%dma_wait3A_445, %dma_wait3A_447] : memref<3x80xi32, #tpu.memory_space<vmem>> -> memref<1x80xi32, #tpu.memory_space<vmem>>
      %dma_wait3A_449 = tpu.memref_squeeze %dma_wait3A_448 : memref<1x80xi32, #tpu.memory_space<vmem>> -> memref<80xi32, #tpu.memory_space<vmem>>
      %dma_wait3A_450 = arith.constant 0 : i32
      %dma_wait3A_451 = arith.constant 0 : i32
      %dma_wait3A_452 = tpu.memref_slice %arg2[%dma_wait3A_450, %dma_wait3A_451] : memref<10000x128xf32, #tpu.memory_space<hbm>> -> memref<10000x128xf32, #tpu.memory_space<hbm>>
      %dma_wait3A_453 = tpu.memref_slice %arg14[%dma_wait3A_446] : memref<3x!tpu.dma_semaphore, #tpu.memory_space<semaphore_mem>> -> memref<1x!tpu.dma_semaphore, #tpu.memory_space<semaphore_mem>>
      %dma_wait3A_454 = tpu.memref_squeeze %dma_wait3A_453 : memref<1x!tpu.dma_semaphore, #tpu.memory_space<semaphore_mem>> -> memref<!tpu.dma_semaphore, #tpu.memory_space<semaphore_mem>>
      tpu.wait_indirect_dma semaphore(%dma_wait3A_454 : memref<!tpu.dma_semaphore, #tpu.memory_space<semaphore_mem>>) src(%dma_wait3A_452 : memref<10000x128xf32, #tpu.memory_space<hbm>>) dst(%arg9 : memref<80x128xf32, #tpu.memory_space<vmem>>)
      %run_scoped3A_455 = arith.constant 1 : i32
      "tpu.region"() ({
        %run_scoped3A_499 = tpu.sem_alloc : memref<!tpu.dma_semaphore, #tpu.memory_space<semaphore_mem>>
        %dma_start3A_500 = arith.constant 0 : i32
        %dma_start3A_501 = tpu.memref_slice %arg7[%run_scoped3A_455, %dma_start3A_500] : memref<3x80xi32, #tpu.memory_space<vmem>> -> memref<1x80xi32, #tpu.memory_space<vmem>>
        %dma_start3A_502 = tpu.memref_squeeze %dma_start3A_501 : memref<1x80xi32, #tpu.memory_space<vmem>> -> memref<80xi32, #tpu.memory_space<vmem>>
        %dma_start3A_503 = arith.constant 0 : i32
        %dma_start3A_504 = arith.constant 0 : i32
        %dma_start3A_505 = tpu.memref_slice %arg11[%dma_start3A_503, %dma_start3A_504] : memref<10008x128xf32, #tpu.memory_space<vmem_shared>> -> memref<10008x128xf32, #tpu.memory_space<vmem_shared>>
        tpu.enqueue_indirect_dma source(%arg9 : memref<80x128xf32, #tpu.memory_space<vmem>>) target(%dma_start3A_505 : memref<10008x128xf32, #tpu.memory_space<vmem_shared>>) offsets(%dma_start3A_502 : memref<80xi32, #tpu.memory_space<vmem>>) semaphore(%run_scoped3A_499 : memref<!tpu.dma_semaphore, #tpu.memory_space<semaphore_mem>>) {add = true}
        %dma_wait3A_506 = arith.constant 0 : i32
        %dma_wait3A_507 = tpu.memref_slice %arg7[%run_scoped3A_455, %dma_wait3A_506] : memref<3x80xi32, #tpu.memory_space<vmem>> -> memref<1x80xi32, #tpu.memory_space<vmem>>
        %dma_wait3A_508 = tpu.memref_squeeze %dma_wait3A_507 : memref<1x80xi32, #tpu.memory_space<vmem>> -> memref<80xi32, #tpu.memory_space<vmem>>
        %dma_wait3A_509 = arith.constant 0 : i32
        %dma_wait3A_510 = arith.constant 0 : i32
        %dma_wait3A_511 = tpu.memref_slice %arg11[%dma_wait3A_509, %dma_wait3A_510] : memref<10008x128xf32, #tpu.memory_space<vmem_shared>> -> memref<10008x128xf32, #tpu.memory_space<vmem_shared>>
        tpu.wait_indirect_dma semaphore(%run_scoped3A_499 : memref<!tpu.dma_semaphore, #tpu.memory_space<semaphore_mem>>) src(%arg9 : memref<80x128xf32, #tpu.memory_space<vmem>>) dst(%dma_wait3A_511 : memref<10008x128xf32, #tpu.memory_space<vmem_shared>>)
        tpu.yield
      }) : () -> ()
      %add3A_456 = arith.constant 2 : i32
      %add3A_457 = arith.addi %add3A_444, %add3A_456 : i32
      %lt3A_458 = arith.constant 125 : i32
      %lt3A_459 = arith.cmpi slt, %add3A_457, %lt3A_458 : i32
      %convert_element_type3A_460 = arith.extui %lt3A_459 : i1 to i32
      %cond3A_461 = arith.constant 0 : i32
      %cond3A_462 = arith.cmpi ne, %convert_element_type3A_460, %cond3A_461 : i32
      scf.if %cond3A_462 {
        %add3A_499 = arith.constant 2 : i32
        %add3A_500 = arith.addi %add3A_444, %add3A_499 : i32
        %mul3A_501 = arith.constant 10000 : i32
        %mul3A_502 = arith.muli %add3A, %mul3A_501 : i32
        %mul3A_503 = arith.constant 80 : i32
        %mul3A_504 = arith.muli %add3A_500, %mul3A_503 : i32
        %add3A_505 = arith.addi %mul3A_502, %mul3A_504 : i32
        %dma_wait3A_506 = arith.constant 0 : i32
        %dma_wait3A_507 = arith.constant 0 : i32
        %dma_wait3A_508 = arith.constant 0 : i32
        %dma_wait3A_509 = tpu.memref_slice %arg6[%dma_wait3A_506, %dma_wait3A_508] : memref<3x80xi32, #tpu.memory_space<vmem>> -> memref<1x80xi32, #tpu.memory_space<vmem>>
        %dma_wait3A_510 = tpu.memref_squeeze %dma_wait3A_509 : memref<1x80xi32, #tpu.memory_space<vmem>> -> memref<80xi32, #tpu.memory_space<vmem>>
        %dma_wait3A_511 = tpu.memref_slice %arg3[%add3A_505] : memref<320000xi32, #tpu.memory_space<hbm>> -> memref<80xi32, #tpu.memory_space<hbm>>
        %dma_wait3A_512 = tpu.memref_slice %arg12[%dma_wait3A_507] : memref<3x!tpu.dma_semaphore, #tpu.memory_space<semaphore_mem>> -> memref<1x!tpu.dma_semaphore, #tpu.memory_space<semaphore_mem>>
        %dma_wait3A_513 = tpu.memref_squeeze %dma_wait3A_512 : memref<1x!tpu.dma_semaphore, #tpu.memory_space<semaphore_mem>> -> memref<!tpu.dma_semaphore, #tpu.memory_space<semaphore_mem>>
        %dma_wait3A_514 = arith.constant 0 : i32
        %dma_wait3A_515 = tpu.memref_slice %arg6[%dma_wait3A_506, %dma_wait3A_514] : memref<3x80xi32, #tpu.memory_space<vmem>> -> memref<1x80xi32, #tpu.memory_space<vmem>>
        %dma_wait3A_516 = tpu.memref_squeeze %dma_wait3A_515 : memref<1x80xi32, #tpu.memory_space<vmem>> -> memref<80xi32, #tpu.memory_space<vmem>>
        %dma_wait3A_517 = tpu.memref_slice %arg3[%add3A_505] : memref<320000xi32, #tpu.memory_space<hbm>> -> memref<80xi32, #tpu.memory_space<hbm>>
        tpu.wait_dma2 semaphore(%dma_wait3A_513 : memref<!tpu.dma_semaphore, #tpu.memory_space<semaphore_mem>>) src(%dma_wait3A_517 : memref<80xi32, #tpu.memory_space<hbm>>) dst(%dma_wait3A_516 : memref<80xi32, #tpu.memory_space<vmem>>)
        %dma_wait3A_518 = arith.constant 0 : i32
        %dma_wait3A_519 = arith.constant 0 : i32
        %dma_wait3A_520 = arith.constant 0 : i32
        %dma_wait3A_521 = tpu.memref_slice %arg7[%dma_wait3A_518, %dma_wait3A_520] : memref<3x80xi32, #tpu.memory_space<vmem>> -> memref<1x80xi32, #tpu.memory_space<vmem>>
        %dma_wait3A_522 = tpu.memref_squeeze %dma_wait3A_521 : memref<1x80xi32, #tpu.memory_space<vmem>> -> memref<80xi32, #tpu.memory_space<vmem>>
        %dma_wait3A_523 = tpu.memref_slice %arg4[%add3A_505] : memref<320000xi32, #tpu.memory_space<hbm>> -> memref<80xi32, #tpu.memory_space<hbm>>
        %dma_wait3A_524 = tpu.memref_slice %arg13[%dma_wait3A_519] : memref<3x!tpu.dma_semaphore, #tpu.memory_space<semaphore_mem>> -> memref<1x!tpu.dma_semaphore, #tpu.memory_space<semaphore_mem>>
        %dma_wait3A_525 = tpu.memref_squeeze %dma_wait3A_524 : memref<1x!tpu.dma_semaphore, #tpu.memory_space<semaphore_mem>> -> memref<!tpu.dma_semaphore, #tpu.memory_space<semaphore_mem>>
        %dma_wait3A_526 = arith.constant 0 : i32
        %dma_wait3A_527 = tpu.memref_slice %arg7[%dma_wait3A_518, %dma_wait3A_526] : memref<3x80xi32, #tpu.memory_space<vmem>> -> memref<1x80xi32, #tpu.memory_space<vmem>>
        %dma_wait3A_528 = tpu.memref_squeeze %dma_wait3A_527 : memref<1x80xi32, #tpu.memory_space<vmem>> -> memref<80xi32, #tpu.memory_space<vmem>>
        %dma_wait3A_529 = tpu.memref_slice %arg4[%add3A_505] : memref<320000xi32, #tpu.memory_space<hbm>> -> memref<80xi32, #tpu.memory_space<hbm>>
        tpu.wait_dma2 semaphore(%dma_wait3A_525 : memref<!tpu.dma_semaphore, #tpu.memory_space<semaphore_mem>>) src(%dma_wait3A_529 : memref<80xi32, #tpu.memory_space<hbm>>) dst(%dma_wait3A_528 : memref<80xi32, #tpu.memory_space<vmem>>)
        %dma_start3A_530 = arith.constant 0 : i32
        %dma_start3A_531 = arith.constant 0 : i32
        %dma_start3A_532 = arith.constant 0 : i32
        %dma_start3A_533 = tpu.memref_slice %arg6[%dma_start3A_530, %dma_start3A_532] : memref<3x80xi32, #tpu.memory_space<vmem>> -> memref<1x80xi32, #tpu.memory_space<vmem>>
        %dma_start3A_534 = tpu.memref_squeeze %dma_start3A_533 : memref<1x80xi32, #tpu.memory_space<vmem>> -> memref<80xi32, #tpu.memory_space<vmem>>
        %dma_start3A_535 = arith.constant 0 : i32
        %dma_start3A_536 = arith.constant 0 : i32
        %dma_start3A_537 = tpu.memref_slice %arg2[%dma_start3A_535, %dma_start3A_536] : memref<10000x128xf32, #tpu.memory_space<hbm>> -> memref<10000x128xf32, #tpu.memory_space<hbm>>
        %dma_start3A_538 = tpu.memref_slice %arg14[%dma_start3A_531] : memref<3x!tpu.dma_semaphore, #tpu.memory_space<semaphore_mem>> -> memref<1x!tpu.dma_semaphore, #tpu.memory_space<semaphore_mem>>
        %dma_start3A_539 = tpu.memref_squeeze %dma_start3A_538 : memref<1x!tpu.dma_semaphore, #tpu.memory_space<semaphore_mem>> -> memref<!tpu.dma_semaphore, #tpu.memory_space<semaphore_mem>>
        tpu.enqueue_indirect_dma source(%dma_start3A_537 : memref<10000x128xf32, #tpu.memory_space<hbm>>) target(%arg8 : memref<80x128xf32, #tpu.memory_space<vmem>>) offsets(%dma_start3A_534 : memref<80xi32, #tpu.memory_space<vmem>>) semaphore(%dma_start3A_539 : memref<!tpu.dma_semaphore, #tpu.memory_space<semaphore_mem>>)
      } else {
      }
      %add3A_463 = arith.constant 3 : i32
      %add3A_464 = arith.addi %add3A_444, %add3A_463 : i32
      %lt3A_465 = arith.constant 125 : i32
      %lt3A_466 = arith.cmpi slt, %add3A_464, %lt3A_465 : i32
      %convert_element_type3A_467 = arith.extui %lt3A_466 : i1 to i32
      %cond3A_468 = arith.constant 0 : i32
      %cond3A_469 = arith.cmpi ne, %convert_element_type3A_467, %cond3A_468 : i32
      scf.if %cond3A_469 {
        %add3A_499 = arith.constant 3 : i32
        %add3A_500 = arith.addi %add3A_444, %add3A_499 : i32
        %mul3A_501 = arith.constant 10000 : i32
        %mul3A_502 = arith.muli %add3A, %mul3A_501 : i32
        %mul3A_503 = arith.constant 80 : i32
        %mul3A_504 = arith.muli %add3A_500, %mul3A_503 : i32
        %add3A_505 = arith.addi %mul3A_502, %mul3A_504 : i32
        %dma_start3A_506 = arith.constant 1 : i32
        %dma_start3A_507 = arith.constant 1 : i32
        %dma_start3A_508 = arith.constant 0 : i32
        %dma_start3A_509 = tpu.memref_slice %arg6[%dma_start3A_506, %dma_start3A_508] : memref<3x80xi32, #tpu.memory_space<vmem>> -> memref<1x80xi32, #tpu.memory_space<vmem>>
        %dma_start3A_510 = tpu.memref_squeeze %dma_start3A_509 : memref<1x80xi32, #tpu.memory_space<vmem>> -> memref<80xi32, #tpu.memory_space<vmem>>
        %dma_start3A_511 = tpu.memref_slice %arg3[%add3A_505] : memref<320000xi32, #tpu.memory_space<hbm>> -> memref<80xi32, #tpu.memory_space<hbm>>
        %dma_start3A_512 = tpu.memref_slice %arg12[%dma_start3A_507] : memref<3x!tpu.dma_semaphore, #tpu.memory_space<semaphore_mem>> -> memref<1x!tpu.dma_semaphore, #tpu.memory_space<semaphore_mem>>
        %dma_start3A_513 = tpu.memref_squeeze %dma_start3A_512 : memref<1x!tpu.dma_semaphore, #tpu.memory_space<semaphore_mem>> -> memref<!tpu.dma_semaphore, #tpu.memory_space<semaphore_mem>>
        %dma_start3A_514 = arith.constant 0 : i32
        %dma_start3A_515 = tpu.memref_slice %arg6[%dma_start3A_506, %dma_start3A_514] : memref<3x80xi32, #tpu.memory_space<vmem>> -> memref<1x80xi32, #tpu.memory_space<vmem>>
        %dma_start3A_516 = tpu.memref_squeeze %dma_start3A_515 : memref<1x80xi32, #tpu.memory_space<vmem>> -> memref<80xi32, #tpu.memory_space<vmem>>
        %dma_start3A_517 = tpu.memref_slice %arg3[%add3A_505] : memref<320000xi32, #tpu.memory_space<hbm>> -> memref<80xi32, #tpu.memory_space<hbm>>
        tpu.enqueue_dma source(%dma_start3A_517 : memref<80xi32, #tpu.memory_space<hbm>>) target(%dma_start3A_516 : memref<80xi32, #tpu.memory_space<vmem>>) target_semaphore(%dma_start3A_513 : memref<!tpu.dma_semaphore, #tpu.memory_space<semaphore_mem>>)
        %dma_start3A_518 = arith.constant 1 : i32
        %dma_start3A_519 = arith.constant 1 : i32
        %dma_start3A_520 = arith.constant 0 : i32
        %dma_start3A_521 = tpu.memref_slice %arg7[%dma_start3A_518, %dma_start3A_520] : memref<3x80xi32, #tpu.memory_space<vmem>> -> memref<1x80xi32, #tpu.memory_space<vmem>>
        %dma_start3A_522 = tpu.memref_squeeze %dma_start3A_521 : memref<1x80xi32, #tpu.memory_space<vmem>> -> memref<80xi32, #tpu.memory_space<vmem>>
        %dma_start3A_523 = tpu.memref_slice %arg4[%add3A_505] : memref<320000xi32, #tpu.memory_space<hbm>> -> memref<80xi32, #tpu.memory_space<hbm>>
        %dma_start3A_524 = tpu.memref_slice %arg13[%dma_start3A_519] : memref<3x!tpu.dma_semaphore, #tpu.memory_space<semaphore_mem>> -> memref<1x!tpu.dma_semaphore, #tpu.memory_space<semaphore_mem>>
        %dma_start3A_525 = tpu.memref_squeeze %dma_start3A_524 : memref<1x!tpu.dma_semaphore, #tpu.memory_space<semaphore_mem>> -> memref<!tpu.dma_semaphore, #tpu.memory_space<semaphore_mem>>
        %dma_start3A_526 = arith.constant 0 : i32
        %dma_start3A_527 = tpu.memref_slice %arg7[%dma_start3A_518, %dma_start3A_526] : memref<3x80xi32, #tpu.memory_space<vmem>> -> memref<1x80xi32, #tpu.memory_space<vmem>>
        %dma_start3A_528 = tpu.memref_squeeze %dma_start3A_527 : memref<1x80xi32, #tpu.memory_space<vmem>> -> memref<80xi32, #tpu.memory_space<vmem>>
        %dma_start3A_529 = tpu.memref_slice %arg4[%add3A_505] : memref<320000xi32, #tpu.memory_space<hbm>> -> memref<80xi32, #tpu.memory_space<hbm>>
        tpu.enqueue_dma source(%dma_start3A_529 : memref<80xi32, #tpu.memory_space<hbm>>) target(%dma_start3A_528 : memref<80xi32, #tpu.memory_space<vmem>>) target_semaphore(%dma_start3A_525 : memref<!tpu.dma_semaphore, #tpu.memory_space<semaphore_mem>>)
      } else {
      }
      %mul3A_470 = arith.constant 3 : i32
      %mul3A_471 = arith.muli %mul3A_470, %scan3A_413 : i32
      %add3A_472 = arith.constant 2 : i32
      %add3A_473 = arith.addi %mul3A_471, %add3A_472 : i32
      %dma_wait3A_474 = arith.constant 2 : i32
      %dma_wait3A_475 = arith.constant 2 : i32
      %dma_wait3A_476 = arith.constant 0 : i32
      %dma_wait3A_477 = tpu.memref_slice %arg6[%dma_wait3A_474, %dma_wait3A_476] : memref<3x80xi32, #tpu.memory_space<vmem>> -> memref<1x80xi32, #tpu.memory_space<vmem>>
      %dma_wait3A_478 = tpu.memref_squeeze %dma_wait3A_477 : memref<1x80xi32, #tpu.memory_space<vmem>> -> memref<80xi32, #tpu.memory_space<vmem>>
      %dma_wait3A_479 = arith.constant 0 : i32
      %dma_wait3A_480 = arith.constant 0 : i32
      %dma_wait3A_481 = tpu.memref_slice %arg2[%dma_wait3A_479, %dma_wait3A_480] : memref<10000x128xf32, #tpu.memory_space<hbm>> -> memref<10000x128xf32, #tpu.memory_space<hbm>>
      %dma_wait3A_482 = tpu.memref_slice %arg14[%dma_wait3A_475] : memref<3x!tpu.dma_semaphore, #tpu.memory_space<semaphore_mem>> -> memref<1x!tpu.dma_semaphore, #tpu.memory_space<semaphore_mem>>
      %dma_wait3A_483 = tpu.memref_squeeze %dma_wait3A_482 : memref<1x!tpu.dma_semaphore, #tpu.memory_space<semaphore_mem>> -> memref<!tpu.dma_semaphore, #tpu.memory_space<semaphore_mem>>
      tpu.wait_indirect_dma semaphore(%dma_wait3A_483 : memref<!tpu.dma_semaphore, #tpu.memory_space<semaphore_mem>>) src(%dma_wait3A_481 : memref<10000x128xf32, #tpu.memory_space<hbm>>) dst(%arg10 : memref<80x128xf32, #tpu.memory_space<vmem>>)
      %run_scoped3A_484 = arith.constant 2 : i32
      "tpu.region"() ({
        %run_scoped3A_499 = tpu.sem_alloc : memref<!tpu.dma_semaphore, #tpu.memory_space<semaphore_mem>>
        %dma_start3A_500 = arith.constant 0 : i32
        %dma_start3A_501 = tpu.memref_slice %arg7[%run_scoped3A_484, %dma_start3A_500] : memref<3x80xi32, #tpu.memory_space<vmem>> -> memref<1x80xi32, #tpu.memory_space<vmem>>
        %dma_start3A_502 = tpu.memref_squeeze %dma_start3A_501 : memref<1x80xi32, #tpu.memory_space<vmem>> -> memref<80xi32, #tpu.memory_space<vmem>>
        %dma_start3A_503 = arith.constant 0 : i32
        %dma_start3A_504 = arith.constant 0 : i32
        %dma_start3A_505 = tpu.memref_slice %arg11[%dma_start3A_503, %dma_start3A_504] : memref<10008x128xf32, #tpu.memory_space<vmem_shared>> -> memref<10008x128xf32, #tpu.memory_space<vmem_shared>>
        tpu.enqueue_indirect_dma source(%arg10 : memref<80x128xf32, #tpu.memory_space<vmem>>) target(%dma_start3A_505 : memref<10008x128xf32, #tpu.memory_space<vmem_shared>>) offsets(%dma_start3A_502 : memref<80xi32, #tpu.memory_space<vmem>>) semaphore(%run_scoped3A_499 : memref<!tpu.dma_semaphore, #tpu.memory_space<semaphore_mem>>) {add = true}
        %dma_wait3A_506 = arith.constant 0 : i32
        %dma_wait3A_507 = tpu.memref_slice %arg7[%run_scoped3A_484, %dma_wait3A_506] : memref<3x80xi32, #tpu.memory_space<vmem>> -> memref<1x80xi32, #tpu.memory_space<vmem>>
        %dma_wait3A_508 = tpu.memref_squeeze %dma_wait3A_507 : memref<1x80xi32, #tpu.memory_space<vmem>> -> memref<80xi32, #tpu.memory_space<vmem>>
        %dma_wait3A_509 = arith.constant 0 : i32
        %dma_wait3A_510 = arith.constant 0 : i32
        %dma_wait3A_511 = tpu.memref_slice %arg11[%dma_wait3A_509, %dma_wait3A_510] : memref<10008x128xf32, #tpu.memory_space<vmem_shared>> -> memref<10008x128xf32, #tpu.memory_space<vmem_shared>>
        tpu.wait_indirect_dma semaphore(%run_scoped3A_499 : memref<!tpu.dma_semaphore, #tpu.memory_space<semaphore_mem>>) src(%arg10 : memref<80x128xf32, #tpu.memory_space<vmem>>) dst(%dma_wait3A_511 : memref<10008x128xf32, #tpu.memory_space<vmem_shared>>)
        tpu.yield
      }) : () -> ()
      %add3A_485 = arith.constant 2 : i32
      %add3A_486 = arith.addi %add3A_473, %add3A_485 : i32
      %lt3A_487 = arith.constant 125 : i32
      %lt3A_488 = arith.cmpi slt, %add3A_486, %lt3A_487 : i32
      %convert_element_type3A_489 = arith.extui %lt3A_488 : i1 to i32
      %cond3A_490 = arith.constant 0 : i32
      %cond3A_491 = arith.cmpi ne, %convert_element_type3A_489, %cond3A_490 : i32
      scf.if %cond3A_491 {
        %add3A_499 = arith.constant 2 : i32
        %add3A_500 = arith.addi %add3A_473, %add3A_499 : i32
        %mul3A_501 = arith.constant 10000 : i32
        %mul3A_502 = arith.muli %add3A, %mul3A_501 : i32
        %mul3A_503 = arith.constant 80 : i32
        %mul3A_504 = arith.muli %add3A_500, %mul3A_503 : i32
        %add3A_505 = arith.addi %mul3A_502, %mul3A_504 : i32
        %dma_wait3A_506 = arith.constant 1 : i32
        %dma_wait3A_507 = arith.constant 1 : i32
        %dma_wait3A_508 = arith.constant 0 : i32
        %dma_wait3A_509 = tpu.memref_slice %arg6[%dma_wait3A_506, %dma_wait3A_508] : memref<3x80xi32, #tpu.memory_space<vmem>> -> memref<1x80xi32, #tpu.memory_space<vmem>>
        %dma_wait3A_510 = tpu.memref_squeeze %dma_wait3A_509 : memref<1x80xi32, #tpu.memory_space<vmem>> -> memref<80xi32, #tpu.memory_space<vmem>>
        %dma_wait3A_511 = tpu.memref_slice %arg3[%add3A_505] : memref<320000xi32, #tpu.memory_space<hbm>> -> memref<80xi32, #tpu.memory_space<hbm>>
        %dma_wait3A_512 = tpu.memref_slice %arg12[%dma_wait3A_507] : memref<3x!tpu.dma_semaphore, #tpu.memory_space<semaphore_mem>> -> memref<1x!tpu.dma_semaphore, #tpu.memory_space<semaphore_mem>>
        %dma_wait3A_513 = tpu.memref_squeeze %dma_wait3A_512 : memref<1x!tpu.dma_semaphore, #tpu.memory_space<semaphore_mem>> -> memref<!tpu.dma_semaphore, #tpu.memory_space<semaphore_mem>>
        %dma_wait3A_514 = arith.constant 0 : i32
        %dma_wait3A_515 = tpu.memref_slice %arg6[%dma_wait3A_506, %dma_wait3A_514] : memref<3x80xi32, #tpu.memory_space<vmem>> -> memref<1x80xi32, #tpu.memory_space<vmem>>
        %dma_wait3A_516 = tpu.memref_squeeze %dma_wait3A_515 : memref<1x80xi32, #tpu.memory_space<vmem>> -> memref<80xi32, #tpu.memory_space<vmem>>
        %dma_wait3A_517 = tpu.memref_slice %arg3[%add3A_505] : memref<320000xi32, #tpu.memory_space<hbm>> -> memref<80xi32, #tpu.memory_space<hbm>>
        tpu.wait_dma2 semaphore(%dma_wait3A_513 : memref<!tpu.dma_semaphore, #tpu.memory_space<semaphore_mem>>) src(%dma_wait3A_517 : memref<80xi32, #tpu.memory_space<hbm>>) dst(%dma_wait3A_516 : memref<80xi32, #tpu.memory_space<vmem>>)
        %dma_wait3A_518 = arith.constant 1 : i32
        %dma_wait3A_519 = arith.constant 1 : i32
        %dma_wait3A_520 = arith.constant 0 : i32
        %dma_wait3A_521 = tpu.memref_slice %arg7[%dma_wait3A_518, %dma_wait3A_520] : memref<3x80xi32, #tpu.memory_space<vmem>> -> memref<1x80xi32, #tpu.memory_space<vmem>>
        %dma_wait3A_522 = tpu.memref_squeeze %dma_wait3A_521 : memref<1x80xi32, #tpu.memory_space<vmem>> -> memref<80xi32, #tpu.memory_space<vmem>>
        %dma_wait3A_523 = tpu.memref_slice %arg4[%add3A_505] : memref<320000xi32, #tpu.memory_space<hbm>> -> memref<80xi32, #tpu.memory_space<hbm>>
        %dma_wait3A_524 = tpu.memref_slice %arg13[%dma_wait3A_519] : memref<3x!tpu.dma_semaphore, #tpu.memory_space<semaphore_mem>> -> memref<1x!tpu.dma_semaphore, #tpu.memory_space<semaphore_mem>>
        %dma_wait3A_525 = tpu.memref_squeeze %dma_wait3A_524 : memref<1x!tpu.dma_semaphore, #tpu.memory_space<semaphore_mem>> -> memref<!tpu.dma_semaphore, #tpu.memory_space<semaphore_mem>>
        %dma_wait3A_526 = arith.constant 0 : i32
        %dma_wait3A_527 = tpu.memref_slice %arg7[%dma_wait3A_518, %dma_wait3A_526] : memref<3x80xi32, #tpu.memory_space<vmem>> -> memref<1x80xi32, #tpu.memory_space<vmem>>
        %dma_wait3A_528 = tpu.memref_squeeze %dma_wait3A_527 : memref<1x80xi32, #tpu.memory_space<vmem>> -> memref<80xi32, #tpu.memory_space<vmem>>
        %dma_wait3A_529 = tpu.memref_slice %arg4[%add3A_505] : memref<320000xi32, #tpu.memory_space<hbm>> -> memref<80xi32, #tpu.memory_space<hbm>>
        tpu.wait_dma2 semaphore(%dma_wait3A_525 : memref<!tpu.dma_semaphore, #tpu.memory_space<semaphore_mem>>) src(%dma_wait3A_529 : memref<80xi32, #tpu.memory_space<hbm>>) dst(%dma_wait3A_528 : memref<80xi32, #tpu.memory_space<vmem>>)
        %dma_start3A_530 = arith.constant 1 : i32
        %dma_start3A_531 = arith.constant 1 : i32
        %dma_start3A_532 = arith.constant 0 : i32
        %dma_start3A_533 = tpu.memref_slice %arg6[%dma_start3A_530, %dma_start3A_532] : memref<3x80xi32, #tpu.memory_space<vmem>> -> memref<1x80xi32, #tpu.memory_space<vmem>>
        %dma_start3A_534 = tpu.memref_squeeze %dma_start3A_533 : memref<1x80xi32, #tpu.memory_space<vmem>> -> memref<80xi32, #tpu.memory_space<vmem>>
        %dma_start3A_535 = arith.constant 0 : i32
        %dma_start3A_536 = arith.constant 0 : i32
        %dma_start3A_537 = tpu.memref_slice %arg2[%dma_start3A_535, %dma_start3A_536] : memref<10000x128xf32, #tpu.memory_space<hbm>> -> memref<10000x128xf32, #tpu.memory_space<hbm>>
        %dma_start3A_538 = tpu.memref_slice %arg14[%dma_start3A_531] : memref<3x!tpu.dma_semaphore, #tpu.memory_space<semaphore_mem>> -> memref<1x!tpu.dma_semaphore, #tpu.memory_space<semaphore_mem>>
        %dma_start3A_539 = tpu.memref_squeeze %dma_start3A_538 : memref<1x!tpu.dma_semaphore, #tpu.memory_space<semaphore_mem>> -> memref<!tpu.dma_semaphore, #tpu.memory_space<semaphore_mem>>
        tpu.enqueue_indirect_dma source(%dma_start3A_537 : memref<10000x128xf32, #tpu.memory_space<hbm>>) target(%arg9 : memref<80x128xf32, #tpu.memory_space<vmem>>) offsets(%dma_start3A_534 : memref<80xi32, #tpu.memory_space<vmem>>) semaphore(%dma_start3A_539 : memref<!tpu.dma_semaphore, #tpu.memory_space<semaphore_mem>>)
      } else {
      }
      %add3A_492 = arith.constant 3 : i32
      %add3A_493 = arith.addi %add3A_473, %add3A_492 : i32
      %lt3A_494 = arith.constant 125 : i32
      %lt3A_495 = arith.cmpi slt, %add3A_493, %lt3A_494 : i32
      %convert_element_type3A_496 = arith.extui %lt3A_495 : i1 to i32
      %cond3A_497 = arith.constant 0 : i32
      %cond3A_498 = arith.cmpi ne, %convert_element_type3A_496, %cond3A_497 : i32
      scf.if %cond3A_498 {
        %add3A_499 = arith.constant 3 : i32
        %add3A_500 = arith.addi %add3A_473, %add3A_499 : i32
        %mul3A_501 = arith.constant 10000 : i32
        %mul3A_502 = arith.muli %add3A, %mul3A_501 : i32
        %mul3A_503 = arith.constant 80 : i32
        %mul3A_504 = arith.muli %add3A_500, %mul3A_503 : i32
        %add3A_505 = arith.addi %mul3A_502, %mul3A_504 : i32
        %dma_start3A_506 = arith.constant 2 : i32
        %dma_start3A_507 = arith.constant 2 : i32
        %dma_start3A_508 = arith.constant 0 : i32
        %dma_start3A_509 = tpu.memref_slice %arg6[%dma_start3A_506, %dma_start3A_508] : memref<3x80xi32, #tpu.memory_space<vmem>> -> memref<1x80xi32, #tpu.memory_space<vmem>>
        %dma_start3A_510 = tpu.memref_squeeze %dma_start3A_509 : memref<1x80xi32, #tpu.memory_space<vmem>> -> memref<80xi32, #tpu.memory_space<vmem>>
        %dma_start3A_511 = tpu.memref_slice %arg3[%add3A_505] : memref<320000xi32, #tpu.memory_space<hbm>> -> memref<80xi32, #tpu.memory_space<hbm>>
        %dma_start3A_512 = tpu.memref_slice %arg12[%dma_start3A_507] : memref<3x!tpu.dma_semaphore, #tpu.memory_space<semaphore_mem>> -> memref<1x!tpu.dma_semaphore, #tpu.memory_space<semaphore_mem>>
        %dma_start3A_513 = tpu.memref_squeeze %dma_start3A_512 : memref<1x!tpu.dma_semaphore, #tpu.memory_space<semaphore_mem>> -> memref<!tpu.dma_semaphore, #tpu.memory_space<semaphore_mem>>
        %dma_start3A_514 = arith.constant 0 : i32
        %dma_start3A_515 = tpu.memref_slice %arg6[%dma_start3A_506, %dma_start3A_514] : memref<3x80xi32, #tpu.memory_space<vmem>> -> memref<1x80xi32, #tpu.memory_space<vmem>>
        %dma_start3A_516 = tpu.memref_squeeze %dma_start3A_515 : memref<1x80xi32, #tpu.memory_space<vmem>> -> memref<80xi32, #tpu.memory_space<vmem>>
        %dma_start3A_517 = tpu.memref_slice %arg3[%add3A_505] : memref<320000xi32, #tpu.memory_space<hbm>> -> memref<80xi32, #tpu.memory_space<hbm>>
        tpu.enqueue_dma source(%dma_start3A_517 : memref<80xi32, #tpu.memory_space<hbm>>) target(%dma_start3A_516 : memref<80xi32, #tpu.memory_space<vmem>>) target_semaphore(%dma_start3A_513 : memref<!tpu.dma_semaphore, #tpu.memory_space<semaphore_mem>>)
        %dma_start3A_518 = arith.constant 2 : i32
        %dma_start3A_519 = arith.constant 2 : i32
        %dma_start3A_520 = arith.constant 0 : i32
        %dma_start3A_521 = tpu.memref_slice %arg7[%dma_start3A_518, %dma_start3A_520] : memref<3x80xi32, #tpu.memory_space<vmem>> -> memref<1x80xi32, #tpu.memory_space<vmem>>
        %dma_start3A_522 = tpu.memref_squeeze %dma_start3A_521 : memref<1x80xi32, #tpu.memory_space<vmem>> -> memref<80xi32, #tpu.memory_space<vmem>>
        %dma_start3A_523 = tpu.memref_slice %arg4[%add3A_505] : memref<320000xi32, #tpu.memory_space<hbm>> -> memref<80xi32, #tpu.memory_space<hbm>>
        %dma_start3A_524 = tpu.memref_slice %arg13[%dma_start3A_519] : memref<3x!tpu.dma_semaphore, #tpu.memory_space<semaphore_mem>> -> memref<1x!tpu.dma_semaphore, #tpu.memory_space<semaphore_mem>>
        %dma_start3A_525 = tpu.memref_squeeze %dma_start3A_524 : memref<1x!tpu.dma_semaphore, #tpu.memory_space<semaphore_mem>> -> memref<!tpu.dma_semaphore, #tpu.memory_space<semaphore_mem>>
        %dma_start3A_526 = arith.constant 0 : i32
        %dma_start3A_527 = tpu.memref_slice %arg7[%dma_start3A_518, %dma_start3A_526] : memref<3x80xi32, #tpu.memory_space<vmem>> -> memref<1x80xi32, #tpu.memory_space<vmem>>
        %dma_start3A_528 = tpu.memref_squeeze %dma_start3A_527 : memref<1x80xi32, #tpu.memory_space<vmem>> -> memref<80xi32, #tpu.memory_space<vmem>>
        %dma_start3A_529 = tpu.memref_slice %arg4[%add3A_505] : memref<320000xi32, #tpu.memory_space<hbm>> -> memref<80xi32, #tpu.memory_space<hbm>>
        tpu.enqueue_dma source(%dma_start3A_529 : memref<80xi32, #tpu.memory_space<hbm>>) target(%dma_start3A_528 : memref<80xi32, #tpu.memory_space<vmem>>) target_semaphore(%dma_start3A_525 : memref<!tpu.dma_semaphore, #tpu.memory_space<semaphore_mem>>)
      } else {
      }
    }
    %scan3A_278 = arith.constant 41 : i32
    %dma_wait3A_279 = arith.constant 0 : i32
    %dma_wait3A_280 = arith.constant 0 : i32
    %dma_wait3A_281 = arith.constant 0 : i32
    %dma_wait3A_282 = tpu.memref_slice %arg6[%dma_wait3A_279, %dma_wait3A_281] : memref<3x80xi32, #tpu.memory_space<vmem>> -> memref<1x80xi32, #tpu.memory_space<vmem>>
    %dma_wait3A_283 = tpu.memref_squeeze %dma_wait3A_282 : memref<1x80xi32, #tpu.memory_space<vmem>> -> memref<80xi32, #tpu.memory_space<vmem>>
    %dma_wait3A_284 = arith.constant 0 : i32
    %dma_wait3A_285 = arith.constant 0 : i32
    %dma_wait3A_286 = tpu.memref_slice %arg2[%dma_wait3A_284, %dma_wait3A_285] : memref<10000x128xf32, #tpu.memory_space<hbm>> -> memref<10000x128xf32, #tpu.memory_space<hbm>>
    %dma_wait3A_287 = tpu.memref_slice %arg14[%dma_wait3A_280] : memref<3x!tpu.dma_semaphore, #tpu.memory_space<semaphore_mem>> -> memref<1x!tpu.dma_semaphore, #tpu.memory_space<semaphore_mem>>
    %dma_wait3A_288 = tpu.memref_squeeze %dma_wait3A_287 : memref<1x!tpu.dma_semaphore, #tpu.memory_space<semaphore_mem>> -> memref<!tpu.dma_semaphore, #tpu.memory_space<semaphore_mem>>
    tpu.wait_indirect_dma semaphore(%dma_wait3A_288 : memref<!tpu.dma_semaphore, #tpu.memory_space<semaphore_mem>>) src(%dma_wait3A_286 : memref<10000x128xf32, #tpu.memory_space<hbm>>) dst(%arg8 : memref<80x128xf32, #tpu.memory_space<vmem>>)
    %run_scoped3A = arith.constant 0 : i32
    "tpu.region"() ({
      %run_scoped3A_413 = tpu.sem_alloc : memref<!tpu.dma_semaphore, #tpu.memory_space<semaphore_mem>>
      %dma_start3A_414 = arith.constant 0 : i32
      %dma_start3A_415 = tpu.memref_slice %arg7[%run_scoped3A, %dma_start3A_414] : memref<3x80xi32, #tpu.memory_space<vmem>> -> memref<1x80xi32, #tpu.memory_space<vmem>>
      %dma_start3A_416 = tpu.memref_squeeze %dma_start3A_415 : memref<1x80xi32, #tpu.memory_space<vmem>> -> memref<80xi32, #tpu.memory_space<vmem>>
      %dma_start3A_417 = arith.constant 0 : i32
      %dma_start3A_418 = arith.constant 0 : i32
      %dma_start3A_419 = tpu.memref_slice %arg11[%dma_start3A_417, %dma_start3A_418] : memref<10008x128xf32, #tpu.memory_space<vmem_shared>> -> memref<10008x128xf32, #tpu.memory_space<vmem_shared>>
      tpu.enqueue_indirect_dma source(%arg8 : memref<80x128xf32, #tpu.memory_space<vmem>>) target(%dma_start3A_419 : memref<10008x128xf32, #tpu.memory_space<vmem_shared>>) offsets(%dma_start3A_416 : memref<80xi32, #tpu.memory_space<vmem>>) semaphore(%run_scoped3A_413 : memref<!tpu.dma_semaphore, #tpu.memory_space<semaphore_mem>>) {add = true}
      %dma_wait3A_420 = arith.constant 0 : i32
      %dma_wait3A_421 = tpu.memref_slice %arg7[%run_scoped3A, %dma_wait3A_420] : memref<3x80xi32, #tpu.memory_space<vmem>> -> memref<1x80xi32, #tpu.memory_space<vmem>>
      %dma_wait3A_422 = tpu.memref_squeeze %dma_wait3A_421 : memref<1x80xi32, #tpu.memory_space<vmem>> -> memref<80xi32, #tpu.memory_space<vmem>>
      %dma_wait3A_423 = arith.constant 0 : i32
      %dma_wait3A_424 = arith.constant 0 : i32
      %dma_wait3A_425 = tpu.memref_slice %arg11[%dma_wait3A_423, %dma_wait3A_424] : memref<10008x128xf32, #tpu.memory_space<vmem_shared>> -> memref<10008x128xf32, #tpu.memory_space<vmem_shared>>
      tpu.wait_indirect_dma semaphore(%run_scoped3A_413 : memref<!tpu.dma_semaphore, #tpu.memory_space<semaphore_mem>>) src(%arg8 : memref<80x128xf32, #tpu.memory_space<vmem>>) dst(%dma_wait3A_425 : memref<10008x128xf32, #tpu.memory_space<vmem_shared>>)
      tpu.yield
    }) : () -> ()
    %dma_wait3A_289 = arith.constant 1 : i32
    %dma_wait3A_290 = arith.constant 1 : i32
    %dma_wait3A_291 = arith.constant 0 : i32
    %dma_wait3A_292 = tpu.memref_slice %arg6[%dma_wait3A_289, %dma_wait3A_291] : memref<3x80xi32, #tpu.memory_space<vmem>> -> memref<1x80xi32, #tpu.memory_space<vmem>>
    %dma_wait3A_293 = tpu.memref_squeeze %dma_wait3A_292 : memref<1x80xi32, #tpu.memory_space<vmem>> -> memref<80xi32, #tpu.memory_space<vmem>>
    %dma_wait3A_294 = arith.constant 0 : i32
    %dma_wait3A_295 = arith.constant 0 : i32
    %dma_wait3A_296 = tpu.memref_slice %arg2[%dma_wait3A_294, %dma_wait3A_295] : memref<10000x128xf32, #tpu.memory_space<hbm>> -> memref<10000x128xf32, #tpu.memory_space<hbm>>
    %dma_wait3A_297 = tpu.memref_slice %arg14[%dma_wait3A_290] : memref<3x!tpu.dma_semaphore, #tpu.memory_space<semaphore_mem>> -> memref<1x!tpu.dma_semaphore, #tpu.memory_space<semaphore_mem>>
    %dma_wait3A_298 = tpu.memref_squeeze %dma_wait3A_297 : memref<1x!tpu.dma_semaphore, #tpu.memory_space<semaphore_mem>> -> memref<!tpu.dma_semaphore, #tpu.memory_space<semaphore_mem>>
    tpu.wait_indirect_dma semaphore(%dma_wait3A_298 : memref<!tpu.dma_semaphore, #tpu.memory_space<semaphore_mem>>) src(%dma_wait3A_296 : memref<10000x128xf32, #tpu.memory_space<hbm>>) dst(%arg9 : memref<80x128xf32, #tpu.memory_space<vmem>>)
    %run_scoped3A_299 = arith.constant 1 : i32
    "tpu.region"() ({
      %run_scoped3A_413 = tpu.sem_alloc : memref<!tpu.dma_semaphore, #tpu.memory_space<semaphore_mem>>
      %dma_start3A_414 = arith.constant 0 : i32
      %dma_start3A_415 = tpu.memref_slice %arg7[%run_scoped3A_299, %dma_start3A_414] : memref<3x80xi32, #tpu.memory_space<vmem>> -> memref<1x80xi32, #tpu.memory_space<vmem>>
      %dma_start3A_416 = tpu.memref_squeeze %dma_start3A_415 : memref<1x80xi32, #tpu.memory_space<vmem>> -> memref<80xi32, #tpu.memory_space<vmem>>
      %dma_start3A_417 = arith.constant 0 : i32
      %dma_start3A_418 = arith.constant 0 : i32
      %dma_start3A_419 = tpu.memref_slice %arg11[%dma_start3A_417, %dma_start3A_418] : memref<10008x128xf32, #tpu.memory_space<vmem_shared>> -> memref<10008x128xf32, #tpu.memory_space<vmem_shared>>
      tpu.enqueue_indirect_dma source(%arg9 : memref<80x128xf32, #tpu.memory_space<vmem>>) target(%dma_start3A_419 : memref<10008x128xf32, #tpu.memory_space<vmem_shared>>) offsets(%dma_start3A_416 : memref<80xi32, #tpu.memory_space<vmem>>) semaphore(%run_scoped3A_413 : memref<!tpu.dma_semaphore, #tpu.memory_space<semaphore_mem>>) {add = true}
      %dma_wait3A_420 = arith.constant 0 : i32
      %dma_wait3A_421 = tpu.memref_slice %arg7[%run_scoped3A_299, %dma_wait3A_420] : memref<3x80xi32, #tpu.memory_space<vmem>> -> memref<1x80xi32, #tpu.memory_space<vmem>>
      %dma_wait3A_422 = tpu.memref_squeeze %dma_wait3A_421 : memref<1x80xi32, #tpu.memory_space<vmem>> -> memref<80xi32, #tpu.memory_space<vmem>>
      %dma_wait3A_423 = arith.constant 0 : i32
      %dma_wait3A_424 = arith.constant 0 : i32
      %dma_wait3A_425 = tpu.memref_slice %arg11[%dma_wait3A_423, %dma_wait3A_424] : memref<10008x128xf32, #tpu.memory_space<vmem_shared>> -> memref<10008x128xf32, #tpu.memory_space<vmem_shared>>
      tpu.wait_indirect_dma semaphore(%run_scoped3A_413 : memref<!tpu.dma_semaphore, #tpu.memory_space<semaphore_mem>>) src(%arg9 : memref<80x128xf32, #tpu.memory_space<vmem>>) dst(%dma_wait3A_425 : memref<10008x128xf32, #tpu.memory_space<vmem_shared>>)
      tpu.yield
    }) : () -> ()
    %barrier3A_300 = arith.constant 0 : index
    tpu.barrier barrier_id(%barrier3A_300)
    %add3A_301 = arith.constant 0 : i32
    %add3A_302 = arith.addi %arg1, %add3A_301 : i32
    %lt3A_303 = arith.constant 250 : i32
    %lt3A_304 = arith.cmpi slt, %add3A_302, %lt3A_303 : i32
    %convert_element_type3A_305 = arith.extui %lt3A_304 : i1 to i32
    %cond3A_306 = arith.constant 0 : i32
    %cond3A_307 = arith.cmpi ne, %convert_element_type3A_305, %cond3A_306 : i32
    scf.if %cond3A_307 {
      %mul3A_413 = arith.constant 40 : i32
      %mul3A_414 = arith.muli %add3A_302, %mul3A_413 : i32
      %mul3A_415 = arith.constant 40 : i32
      %mul3A_416 = arith.muli %add3A_302, %mul3A_415 : i32
      "tpu.region"() ({
        %run_scoped3A_417 = tpu.sem_alloc : memref<!tpu.dma_semaphore, #tpu.memory_space<semaphore_mem>>
        %dma_start3A_418 = arith.constant 0 : i32
        %dma_start3A_419 = tpu.memref_slice %arg5[%arg0, %mul3A_416, %dma_start3A_418] : memref<2x10000x128xf32, #tpu.memory_space<hbm>> -> memref<1x40x128xf32, #tpu.memory_space<hbm>>
        %dma_start3A_420 = tpu.memref_squeeze %dma_start3A_419 : memref<1x40x128xf32, #tpu.memory_space<hbm>> -> memref<40x128xf32, #tpu.memory_space<hbm>>
        %dma_start3A_421 = arith.constant 0 : i32
        %dma_start3A_422 = tpu.memref_slice %arg11[%mul3A_414, %dma_start3A_421] : memref<10008x128xf32, #tpu.memory_space<vmem_shared>> -> memref<40x128xf32, #tpu.memory_space<vmem_shared>>
        tpu.enqueue_dma source(%dma_start3A_422 : memref<40x128xf32, #tpu.memory_space<vmem_shared>>) target(%dma_start3A_420 : memref<40x128xf32, #tpu.memory_space<hbm>>) target_semaphore(%run_scoped3A_417 : memref<!tpu.dma_semaphore, #tpu.memory_space<semaphore_mem>>)
        %dma_wait3A_423 = arith.constant 0 : i32
        %dma_wait3A_424 = tpu.memref_slice %arg5[%arg0, %mul3A_416, %dma_wait3A_423] : memref<2x10000x128xf32, #tpu.memory_space<hbm>> -> memref<1x40x128xf32, #tpu.memory_space<hbm>>
        %dma_wait3A_425 = tpu.memref_squeeze %dma_wait3A_424 : memref<1x40x128xf32, #tpu.memory_space<hbm>> -> memref<40x128xf32, #tpu.memory_space<hbm>>
        %dma_wait3A_426 = arith.constant 0 : i32
        %dma_wait3A_427 = tpu.memref_slice %arg11[%mul3A_414, %dma_wait3A_426] : memref<10008x128xf32, #tpu.memory_space<vmem_shared>> -> memref<40x128xf32, #tpu.memory_space<vmem_shared>>
        tpu.wait_dma2 semaphore(%run_scoped3A_417 : memref<!tpu.dma_semaphore, #tpu.memory_space<semaphore_mem>>) src(%dma_wait3A_427 : memref<40x128xf32, #tpu.memory_space<vmem_shared>>) dst(%dma_wait3A_425 : memref<40x128xf32, #tpu.memory_space<hbm>>)
        tpu.yield
      }) : () -> ()
    } else {
    }
    %add3A_308 = arith.constant 16 : i32
    %add3A_309 = arith.addi %arg1, %add3A_308 : i32
    %lt3A_310 = arith.constant 250 : i32
    %lt3A_311 = arith.cmpi slt, %add3A_309, %lt3A_310 : i32
    %convert_element_type3A_312 = arith.extui %lt3A_311 : i1 to i32
    %cond3A_313 = arith.constant 0 : i32
    %cond3A_314 = arith.cmpi ne, %convert_element_type3A_312, %cond3A_313 : i32
    scf.if %cond3A_314 {
      %mul3A_413 = arith.constant 40 : i32
      %mul3A_414 = arith.muli %add3A_309, %mul3A_413 : i32
      %mul3A_415 = arith.constant 40 : i32
      %mul3A_416 = arith.muli %add3A_309, %mul3A_415 : i32
      "tpu.region"() ({
        %run_scoped3A_417 = tpu.sem_alloc : memref<!tpu.dma_semaphore, #tpu.memory_space<semaphore_mem>>
        %dma_start3A_418 = arith.constant 0 : i32
        %dma_start3A_419 = tpu.memref_slice %arg5[%arg0, %mul3A_416, %dma_start3A_418] : memref<2x10000x128xf32, #tpu.memory_space<hbm>> -> memref<1x40x128xf32, #tpu.memory_space<hbm>>
        %dma_start3A_420 = tpu.memref_squeeze %dma_start3A_419 : memref<1x40x128xf32, #tpu.memory_space<hbm>> -> memref<40x128xf32, #tpu.memory_space<hbm>>
        %dma_start3A_421 = arith.constant 0 : i32
        %dma_start3A_422 = tpu.memref_slice %arg11[%mul3A_414, %dma_start3A_421] : memref<10008x128xf32, #tpu.memory_space<vmem_shared>> -> memref<40x128xf32, #tpu.memory_space<vmem_shared>>
        tpu.enqueue_dma source(%dma_start3A_422 : memref<40x128xf32, #tpu.memory_space<vmem_shared>>) target(%dma_start3A_420 : memref<40x128xf32, #tpu.memory_space<hbm>>) target_semaphore(%run_scoped3A_417 : memref<!tpu.dma_semaphore, #tpu.memory_space<semaphore_mem>>)
        %dma_wait3A_423 = arith.constant 0 : i32
        %dma_wait3A_424 = tpu.memref_slice %arg5[%arg0, %mul3A_416, %dma_wait3A_423] : memref<2x10000x128xf32, #tpu.memory_space<hbm>> -> memref<1x40x128xf32, #tpu.memory_space<hbm>>
        %dma_wait3A_425 = tpu.memref_squeeze %dma_wait3A_424 : memref<1x40x128xf32, #tpu.memory_space<hbm>> -> memref<40x128xf32, #tpu.memory_space<hbm>>
        %dma_wait3A_426 = arith.constant 0 : i32
        %dma_wait3A_427 = tpu.memref_slice %arg11[%mul3A_414, %dma_wait3A_426] : memref<10008x128xf32, #tpu.memory_space<vmem_shared>> -> memref<40x128xf32, #tpu.memory_space<vmem_shared>>
        tpu.wait_dma2 semaphore(%run_scoped3A_417 : memref<!tpu.dma_semaphore, #tpu.memory_space<semaphore_mem>>) src(%dma_wait3A_427 : memref<40x128xf32, #tpu.memory_space<vmem_shared>>) dst(%dma_wait3A_425 : memref<40x128xf32, #tpu.memory_space<hbm>>)
        tpu.yield
      }) : () -> ()
    } else {
    }
    %add3A_315 = arith.constant 32 : i32
    %add3A_316 = arith.addi %arg1, %add3A_315 : i32
    %lt3A_317 = arith.constant 250 : i32
    %lt3A_318 = arith.cmpi slt, %add3A_316, %lt3A_317 : i32
    %convert_element_type3A_319 = arith.extui %lt3A_318 : i1 to i32
    %cond3A_320 = arith.constant 0 : i32
    %cond3A_321 = arith.cmpi ne, %convert_element_type3A_319, %cond3A_320 : i32
    scf.if %cond3A_321 {
      %mul3A_413 = arith.constant 40 : i32
      %mul3A_414 = arith.muli %add3A_316, %mul3A_413 : i32
      %mul3A_415 = arith.constant 40 : i32
      %mul3A_416 = arith.muli %add3A_316, %mul3A_415 : i32
      "tpu.region"() ({
        %run_scoped3A_417 = tpu.sem_alloc : memref<!tpu.dma_semaphore, #tpu.memory_space<semaphore_mem>>
        %dma_start3A_418 = arith.constant 0 : i32
        %dma_start3A_419 = tpu.memref_slice %arg5[%arg0, %mul3A_416, %dma_start3A_418] : memref<2x10000x128xf32, #tpu.memory_space<hbm>> -> memref<1x40x128xf32, #tpu.memory_space<hbm>>
        %dma_start3A_420 = tpu.memref_squeeze %dma_start3A_419 : memref<1x40x128xf32, #tpu.memory_space<hbm>> -> memref<40x128xf32, #tpu.memory_space<hbm>>
        %dma_start3A_421 = arith.constant 0 : i32
        %dma_start3A_422 = tpu.memref_slice %arg11[%mul3A_414, %dma_start3A_421] : memref<10008x128xf32, #tpu.memory_space<vmem_shared>> -> memref<40x128xf32, #tpu.memory_space<vmem_shared>>
        tpu.enqueue_dma source(%dma_start3A_422 : memref<40x128xf32, #tpu.memory_space<vmem_shared>>) target(%dma_start3A_420 : memref<40x128xf32, #tpu.memory_space<hbm>>) target_semaphore(%run_scoped3A_417 : memref<!tpu.dma_semaphore, #tpu.memory_space<semaphore_mem>>)
        %dma_wait3A_423 = arith.constant 0 : i32
        %dma_wait3A_424 = tpu.memref_slice %arg5[%arg0, %mul3A_416, %dma_wait3A_423] : memref<2x10000x128xf32, #tpu.memory_space<hbm>> -> memref<1x40x128xf32, #tpu.memory_space<hbm>>
        %dma_wait3A_425 = tpu.memref_squeeze %dma_wait3A_424 : memref<1x40x128xf32, #tpu.memory_space<hbm>> -> memref<40x128xf32, #tpu.memory_space<hbm>>
        %dma_wait3A_426 = arith.constant 0 : i32
        %dma_wait3A_427 = tpu.memref_slice %arg11[%mul3A_414, %dma_wait3A_426] : memref<10008x128xf32, #tpu.memory_space<vmem_shared>> -> memref<40x128xf32, #tpu.memory_space<vmem_shared>>
        tpu.wait_dma2 semaphore(%run_scoped3A_417 : memref<!tpu.dma_semaphore, #tpu.memory_space<semaphore_mem>>) src(%dma_wait3A_427 : memref<40x128xf32, #tpu.memory_space<vmem_shared>>) dst(%dma_wait3A_425 : memref<40x128xf32, #tpu.memory_space<hbm>>)
        tpu.yield
      }) : () -> ()
    } else {
    }
    %add3A_322 = arith.constant 48 : i32
    %add3A_323 = arith.addi %arg1, %add3A_322 : i32
    %lt3A_324 = arith.constant 250 : i32
    %lt3A_325 = arith.cmpi slt, %add3A_323, %lt3A_324 : i32
    %convert_element_type3A_326 = arith.extui %lt3A_325 : i1 to i32
    %cond3A_327 = arith.constant 0 : i32
    %cond3A_328 = arith.cmpi ne, %convert_element_type3A_326, %cond3A_327 : i32
    scf.if %cond3A_328 {
      %mul3A_413 = arith.constant 40 : i32
      %mul3A_414 = arith.muli %add3A_323, %mul3A_413 : i32
      %mul3A_415 = arith.constant 40 : i32
      %mul3A_416 = arith.muli %add3A_323, %mul3A_415 : i32
      "tpu.region"() ({
        %run_scoped3A_417 = tpu.sem_alloc : memref<!tpu.dma_semaphore, #tpu.memory_space<semaphore_mem>>
        %dma_start3A_418 = arith.constant 0 : i32
        %dma_start3A_419 = tpu.memref_slice %arg5[%arg0, %mul3A_416, %dma_start3A_418] : memref<2x10000x128xf32, #tpu.memory_space<hbm>> -> memref<1x40x128xf32, #tpu.memory_space<hbm>>
        %dma_start3A_420 = tpu.memref_squeeze %dma_start3A_419 : memref<1x40x128xf32, #tpu.memory_space<hbm>> -> memref<40x128xf32, #tpu.memory_space<hbm>>
        %dma_start3A_421 = arith.constant 0 : i32
        %dma_start3A_422 = tpu.memref_slice %arg11[%mul3A_414, %dma_start3A_421] : memref<10008x128xf32, #tpu.memory_space<vmem_shared>> -> memref<40x128xf32, #tpu.memory_space<vmem_shared>>
        tpu.enqueue_dma source(%dma_start3A_422 : memref<40x128xf32, #tpu.memory_space<vmem_shared>>) target(%dma_start3A_420 : memref<40x128xf32, #tpu.memory_space<hbm>>) target_semaphore(%run_scoped3A_417 : memref<!tpu.dma_semaphore, #tpu.memory_space<semaphore_mem>>)
        %dma_wait3A_423 = arith.constant 0 : i32
        %dma_wait3A_424 = tpu.memref_slice %arg5[%arg0, %mul3A_416, %dma_wait3A_423] : memref<2x10000x128xf32, #tpu.memory_space<hbm>> -> memref<1x40x128xf32, #tpu.memory_space<hbm>>
        %dma_wait3A_425 = tpu.memref_squeeze %dma_wait3A_424 : memref<1x40x128xf32, #tpu.memory_space<hbm>> -> memref<40x128xf32, #tpu.memory_space<hbm>>
        %dma_wait3A_426 = arith.constant 0 : i32
        %dma_wait3A_427 = tpu.memref_slice %arg11[%mul3A_414, %dma_wait3A_426] : memref<10008x128xf32, #tpu.memory_space<vmem_shared>> -> memref<40x128xf32, #tpu.memory_space<vmem_shared>>
        tpu.wait_dma2 semaphore(%run_scoped3A_417 : memref<!tpu.dma_semaphore, #tpu.memory_space<semaphore_mem>>) src(%dma_wait3A_427 : memref<40x128xf32, #tpu.memory_space<vmem_shared>>) dst(%dma_wait3A_425 : memref<40x128xf32, #tpu.memory_space<hbm>>)
        tpu.yield
      }) : () -> ()
    } else {
    }
    %add3A_329 = arith.constant 64 : i32
    %add3A_330 = arith.addi %arg1, %add3A_329 : i32
    %lt3A_331 = arith.constant 250 : i32
    %lt3A_332 = arith.cmpi slt, %add3A_330, %lt3A_331 : i32
    %convert_element_type3A_333 = arith.extui %lt3A_332 : i1 to i32
    %cond3A_334 = arith.constant 0 : i32
    %cond3A_335 = arith.cmpi ne, %convert_element_type3A_333, %cond3A_334 : i32
    scf.if %cond3A_335 {
      %mul3A_413 = arith.constant 40 : i32
      %mul3A_414 = arith.muli %add3A_330, %mul3A_413 : i32
      %mul3A_415 = arith.constant 40 : i32
      %mul3A_416 = arith.muli %add3A_330, %mul3A_415 : i32
      "tpu.region"() ({
        %run_scoped3A_417 = tpu.sem_alloc : memref<!tpu.dma_semaphore, #tpu.memory_space<semaphore_mem>>
        %dma_start3A_418 = arith.constant 0 : i32
        %dma_start3A_419 = tpu.memref_slice %arg5[%arg0, %mul3A_416, %dma_start3A_418] : memref<2x10000x128xf32, #tpu.memory_space<hbm>> -> memref<1x40x128xf32, #tpu.memory_space<hbm>>
        %dma_start3A_420 = tpu.memref_squeeze %dma_start3A_419 : memref<1x40x128xf32, #tpu.memory_space<hbm>> -> memref<40x128xf32, #tpu.memory_space<hbm>>
        %dma_start3A_421 = arith.constant 0 : i32
        %dma_start3A_422 = tpu.memref_slice %arg11[%mul3A_414, %dma_start3A_421] : memref<10008x128xf32, #tpu.memory_space<vmem_shared>> -> memref<40x128xf32, #tpu.memory_space<vmem_shared>>
        tpu.enqueue_dma source(%dma_start3A_422 : memref<40x128xf32, #tpu.memory_space<vmem_shared>>) target(%dma_start3A_420 : memref<40x128xf32, #tpu.memory_space<hbm>>) target_semaphore(%run_scoped3A_417 : memref<!tpu.dma_semaphore, #tpu.memory_space<semaphore_mem>>)
        %dma_wait3A_423 = arith.constant 0 : i32
        %dma_wait3A_424 = tpu.memref_slice %arg5[%arg0, %mul3A_416, %dma_wait3A_423] : memref<2x10000x128xf32, #tpu.memory_space<hbm>> -> memref<1x40x128xf32, #tpu.memory_space<hbm>>
        %dma_wait3A_425 = tpu.memref_squeeze %dma_wait3A_424 : memref<1x40x128xf32, #tpu.memory_space<hbm>> -> memref<40x128xf32, #tpu.memory_space<hbm>>
        %dma_wait3A_426 = arith.constant 0 : i32
        %dma_wait3A_427 = tpu.memref_slice %arg11[%mul3A_414, %dma_wait3A_426] : memref<10008x128xf32, #tpu.memory_space<vmem_shared>> -> memref<40x128xf32, #tpu.memory_space<vmem_shared>>
        tpu.wait_dma2 semaphore(%run_scoped3A_417 : memref<!tpu.dma_semaphore, #tpu.memory_space<semaphore_mem>>) src(%dma_wait3A_427 : memref<40x128xf32, #tpu.memory_space<vmem_shared>>) dst(%dma_wait3A_425 : memref<40x128xf32, #tpu.memory_space<hbm>>)
        tpu.yield
      }) : () -> ()
    } else {
    }
    %add3A_336 = arith.constant 80 : i32
    %add3A_337 = arith.addi %arg1, %add3A_336 : i32
    %lt3A_338 = arith.constant 250 : i32
    %lt3A_339 = arith.cmpi slt, %add3A_337, %lt3A_338 : i32
    %convert_element_type3A_340 = arith.extui %lt3A_339 : i1 to i32
    %cond3A_341 = arith.constant 0 : i32
    %cond3A_342 = arith.cmpi ne, %convert_element_type3A_340, %cond3A_341 : i32
    scf.if %cond3A_342 {
      %mul3A_413 = arith.constant 40 : i32
      %mul3A_414 = arith.muli %add3A_337, %mul3A_413 : i32
      %mul3A_415 = arith.constant 40 : i32
      %mul3A_416 = arith.muli %add3A_337, %mul3A_415 : i32
      "tpu.region"() ({
        %run_scoped3A_417 = tpu.sem_alloc : memref<!tpu.dma_semaphore, #tpu.memory_space<semaphore_mem>>
        %dma_start3A_418 = arith.constant 0 : i32
        %dma_start3A_419 = tpu.memref_slice %arg5[%arg0, %mul3A_416, %dma_start3A_418] : memref<2x10000x128xf32, #tpu.memory_space<hbm>> -> memref<1x40x128xf32, #tpu.memory_space<hbm>>
        %dma_start3A_420 = tpu.memref_squeeze %dma_start3A_419 : memref<1x40x128xf32, #tpu.memory_space<hbm>> -> memref<40x128xf32, #tpu.memory_space<hbm>>
        %dma_start3A_421 = arith.constant 0 : i32
        %dma_start3A_422 = tpu.memref_slice %arg11[%mul3A_414, %dma_start3A_421] : memref<10008x128xf32, #tpu.memory_space<vmem_shared>> -> memref<40x128xf32, #tpu.memory_space<vmem_shared>>
        tpu.enqueue_dma source(%dma_start3A_422 : memref<40x128xf32, #tpu.memory_space<vmem_shared>>) target(%dma_start3A_420 : memref<40x128xf32, #tpu.memory_space<hbm>>) target_semaphore(%run_scoped3A_417 : memref<!tpu.dma_semaphore, #tpu.memory_space<semaphore_mem>>)
        %dma_wait3A_423 = arith.constant 0 : i32
        %dma_wait3A_424 = tpu.memref_slice %arg5[%arg0, %mul3A_416, %dma_wait3A_423] : memref<2x10000x128xf32, #tpu.memory_space<hbm>> -> memref<1x40x128xf32, #tpu.memory_space<hbm>>
        %dma_wait3A_425 = tpu.memref_squeeze %dma_wait3A_424 : memref<1x40x128xf32, #tpu.memory_space<hbm>> -> memref<40x128xf32, #tpu.memory_space<hbm>>
        %dma_wait3A_426 = arith.constant 0 : i32
        %dma_wait3A_427 = tpu.memref_slice %arg11[%mul3A_414, %dma_wait3A_426] : memref<10008x128xf32, #tpu.memory_space<vmem_shared>> -> memref<40x128xf32, #tpu.memory_space<vmem_shared>>
        tpu.wait_dma2 semaphore(%run_scoped3A_417 : memref<!tpu.dma_semaphore, #tpu.memory_space<semaphore_mem>>) src(%dma_wait3A_427 : memref<40x128xf32, #tpu.memory_space<vmem_shared>>) dst(%dma_wait3A_425 : memref<40x128xf32, #tpu.memory_space<hbm>>)
        tpu.yield
      }) : () -> ()
    } else {
    }
    %add3A_343 = arith.constant 96 : i32
    %add3A_344 = arith.addi %arg1, %add3A_343 : i32
    %lt3A_345 = arith.constant 250 : i32
    %lt3A_346 = arith.cmpi slt, %add3A_344, %lt3A_345 : i32
    %convert_element_type3A_347 = arith.extui %lt3A_346 : i1 to i32
    %cond3A_348 = arith.constant 0 : i32
    %cond3A_349 = arith.cmpi ne, %convert_element_type3A_347, %cond3A_348 : i32
    scf.if %cond3A_349 {
      %mul3A_413 = arith.constant 40 : i32
      %mul3A_414 = arith.muli %add3A_344, %mul3A_413 : i32
      %mul3A_415 = arith.constant 40 : i32
      %mul3A_416 = arith.muli %add3A_344, %mul3A_415 : i32
      "tpu.region"() ({
        %run_scoped3A_417 = tpu.sem_alloc : memref<!tpu.dma_semaphore, #tpu.memory_space<semaphore_mem>>
        %dma_start3A_418 = arith.constant 0 : i32
        %dma_start3A_419 = tpu.memref_slice %arg5[%arg0, %mul3A_416, %dma_start3A_418] : memref<2x10000x128xf32, #tpu.memory_space<hbm>> -> memref<1x40x128xf32, #tpu.memory_space<hbm>>
        %dma_start3A_420 = tpu.memref_squeeze %dma_start3A_419 : memref<1x40x128xf32, #tpu.memory_space<hbm>> -> memref<40x128xf32, #tpu.memory_space<hbm>>
        %dma_start3A_421 = arith.constant 0 : i32
        %dma_start3A_422 = tpu.memref_slice %arg11[%mul3A_414, %dma_start3A_421] : memref<10008x128xf32, #tpu.memory_space<vmem_shared>> -> memref<40x128xf32, #tpu.memory_space<vmem_shared>>
        tpu.enqueue_dma source(%dma_start3A_422 : memref<40x128xf32, #tpu.memory_space<vmem_shared>>) target(%dma_start3A_420 : memref<40x128xf32, #tpu.memory_space<hbm>>) target_semaphore(%run_scoped3A_417 : memref<!tpu.dma_semaphore, #tpu.memory_space<semaphore_mem>>)
        %dma_wait3A_423 = arith.constant 0 : i32
        %dma_wait3A_424 = tpu.memref_slice %arg5[%arg0, %mul3A_416, %dma_wait3A_423] : memref<2x10000x128xf32, #tpu.memory_space<hbm>> -> memref<1x40x128xf32, #tpu.memory_space<hbm>>
        %dma_wait3A_425 = tpu.memref_squeeze %dma_wait3A_424 : memref<1x40x128xf32, #tpu.memory_space<hbm>> -> memref<40x128xf32, #tpu.memory_space<hbm>>
        %dma_wait3A_426 = arith.constant 0 : i32
        %dma_wait3A_427 = tpu.memref_slice %arg11[%mul3A_414, %dma_wait3A_426] : memref<10008x128xf32, #tpu.memory_space<vmem_shared>> -> memref<40x128xf32, #tpu.memory_space<vmem_shared>>
        tpu.wait_dma2 semaphore(%run_scoped3A_417 : memref<!tpu.dma_semaphore, #tpu.memory_space<semaphore_mem>>) src(%dma_wait3A_427 : memref<40x128xf32, #tpu.memory_space<vmem_shared>>) dst(%dma_wait3A_425 : memref<40x128xf32, #tpu.memory_space<hbm>>)
        tpu.yield
      }) : () -> ()
    } else {
    }
    %add3A_350 = arith.constant 112 : i32
    %add3A_351 = arith.addi %arg1, %add3A_350 : i32
    %lt3A_352 = arith.constant 250 : i32
    %lt3A_353 = arith.cmpi slt, %add3A_351, %lt3A_352 : i32
    %convert_element_type3A_354 = arith.extui %lt3A_353 : i1 to i32
    %cond3A_355 = arith.constant 0 : i32
    %cond3A_356 = arith.cmpi ne, %convert_element_type3A_354, %cond3A_355 : i32
    scf.if %cond3A_356 {
      %mul3A_413 = arith.constant 40 : i32
      %mul3A_414 = arith.muli %add3A_351, %mul3A_413 : i32
      %mul3A_415 = arith.constant 40 : i32
      %mul3A_416 = arith.muli %add3A_351, %mul3A_415 : i32
      "tpu.region"() ({
        %run_scoped3A_417 = tpu.sem_alloc : memref<!tpu.dma_semaphore, #tpu.memory_space<semaphore_mem>>
        %dma_start3A_418 = arith.constant 0 : i32
        %dma_start3A_419 = tpu.memref_slice %arg5[%arg0, %mul3A_416, %dma_start3A_418] : memref<2x10000x128xf32, #tpu.memory_space<hbm>> -> memref<1x40x128xf32, #tpu.memory_space<hbm>>
        %dma_start3A_420 = tpu.memref_squeeze %dma_start3A_419 : memref<1x40x128xf32, #tpu.memory_space<hbm>> -> memref<40x128xf32, #tpu.memory_space<hbm>>
        %dma_start3A_421 = arith.constant 0 : i32
        %dma_start3A_422 = tpu.memref_slice %arg11[%mul3A_414, %dma_start3A_421] : memref<10008x128xf32, #tpu.memory_space<vmem_shared>> -> memref<40x128xf32, #tpu.memory_space<vmem_shared>>
        tpu.enqueue_dma source(%dma_start3A_422 : memref<40x128xf32, #tpu.memory_space<vmem_shared>>) target(%dma_start3A_420 : memref<40x128xf32, #tpu.memory_space<hbm>>) target_semaphore(%run_scoped3A_417 : memref<!tpu.dma_semaphore, #tpu.memory_space<semaphore_mem>>)
        %dma_wait3A_423 = arith.constant 0 : i32
        %dma_wait3A_424 = tpu.memref_slice %arg5[%arg0, %mul3A_416, %dma_wait3A_423] : memref<2x10000x128xf32, #tpu.memory_space<hbm>> -> memref<1x40x128xf32, #tpu.memory_space<hbm>>
        %dma_wait3A_425 = tpu.memref_squeeze %dma_wait3A_424 : memref<1x40x128xf32, #tpu.memory_space<hbm>> -> memref<40x128xf32, #tpu.memory_space<hbm>>
        %dma_wait3A_426 = arith.constant 0 : i32
        %dma_wait3A_427 = tpu.memref_slice %arg11[%mul3A_414, %dma_wait3A_426] : memref<10008x128xf32, #tpu.memory_space<vmem_shared>> -> memref<40x128xf32, #tpu.memory_space<vmem_shared>>
        tpu.wait_dma2 semaphore(%run_scoped3A_417 : memref<!tpu.dma_semaphore, #tpu.memory_space<semaphore_mem>>) src(%dma_wait3A_427 : memref<40x128xf32, #tpu.memory_space<vmem_shared>>) dst(%dma_wait3A_425 : memref<40x128xf32, #tpu.memory_space<hbm>>)
        tpu.yield
      }) : () -> ()
    } else {
    }
    %add3A_357 = arith.constant 128 : i32
    %add3A_358 = arith.addi %arg1, %add3A_357 : i32
    %lt3A_359 = arith.constant 250 : i32
    %lt3A_360 = arith.cmpi slt, %add3A_358, %lt3A_359 : i32
    %convert_element_type3A_361 = arith.extui %lt3A_360 : i1 to i32
    %cond3A_362 = arith.constant 0 : i32
    %cond3A_363 = arith.cmpi ne, %convert_element_type3A_361, %cond3A_362 : i32
    scf.if %cond3A_363 {
      %mul3A_413 = arith.constant 40 : i32
      %mul3A_414 = arith.muli %add3A_358, %mul3A_413 : i32
      %mul3A_415 = arith.constant 40 : i32
      %mul3A_416 = arith.muli %add3A_358, %mul3A_415 : i32
      "tpu.region"() ({
        %run_scoped3A_417 = tpu.sem_alloc : memref<!tpu.dma_semaphore, #tpu.memory_space<semaphore_mem>>
        %dma_start3A_418 = arith.constant 0 : i32
        %dma_start3A_419 = tpu.memref_slice %arg5[%arg0, %mul3A_416, %dma_start3A_418] : memref<2x10000x128xf32, #tpu.memory_space<hbm>> -> memref<1x40x128xf32, #tpu.memory_space<hbm>>
        %dma_start3A_420 = tpu.memref_squeeze %dma_start3A_419 : memref<1x40x128xf32, #tpu.memory_space<hbm>> -> memref<40x128xf32, #tpu.memory_space<hbm>>
        %dma_start3A_421 = arith.constant 0 : i32
        %dma_start3A_422 = tpu.memref_slice %arg11[%mul3A_414, %dma_start3A_421] : memref<10008x128xf32, #tpu.memory_space<vmem_shared>> -> memref<40x128xf32, #tpu.memory_space<vmem_shared>>
        tpu.enqueue_dma source(%dma_start3A_422 : memref<40x128xf32, #tpu.memory_space<vmem_shared>>) target(%dma_start3A_420 : memref<40x128xf32, #tpu.memory_space<hbm>>) target_semaphore(%run_scoped3A_417 : memref<!tpu.dma_semaphore, #tpu.memory_space<semaphore_mem>>)
        %dma_wait3A_423 = arith.constant 0 : i32
        %dma_wait3A_424 = tpu.memref_slice %arg5[%arg0, %mul3A_416, %dma_wait3A_423] : memref<2x10000x128xf32, #tpu.memory_space<hbm>> -> memref<1x40x128xf32, #tpu.memory_space<hbm>>
        %dma_wait3A_425 = tpu.memref_squeeze %dma_wait3A_424 : memref<1x40x128xf32, #tpu.memory_space<hbm>> -> memref<40x128xf32, #tpu.memory_space<hbm>>
        %dma_wait3A_426 = arith.constant 0 : i32
        %dma_wait3A_427 = tpu.memref_slice %arg11[%mul3A_414, %dma_wait3A_426] : memref<10008x128xf32, #tpu.memory_space<vmem_shared>> -> memref<40x128xf32, #tpu.memory_space<vmem_shared>>
        tpu.wait_dma2 semaphore(%run_scoped3A_417 : memref<!tpu.dma_semaphore, #tpu.memory_space<semaphore_mem>>) src(%dma_wait3A_427 : memref<40x128xf32, #tpu.memory_space<vmem_shared>>) dst(%dma_wait3A_425 : memref<40x128xf32, #tpu.memory_space<hbm>>)
        tpu.yield
      }) : () -> ()
    } else {
    }
    %add3A_364 = arith.constant 144 : i32
    %add3A_365 = arith.addi %arg1, %add3A_364 : i32
    %lt3A_366 = arith.constant 250 : i32
    %lt3A_367 = arith.cmpi slt, %add3A_365, %lt3A_366 : i32
    %convert_element_type3A_368 = arith.extui %lt3A_367 : i1 to i32
    %cond3A_369 = arith.constant 0 : i32
    %cond3A_370 = arith.cmpi ne, %convert_element_type3A_368, %cond3A_369 : i32
    scf.if %cond3A_370 {
      %mul3A_413 = arith.constant 40 : i32
      %mul3A_414 = arith.muli %add3A_365, %mul3A_413 : i32
      %mul3A_415 = arith.constant 40 : i32
      %mul3A_416 = arith.muli %add3A_365, %mul3A_415 : i32
      "tpu.region"() ({
        %run_scoped3A_417 = tpu.sem_alloc : memref<!tpu.dma_semaphore, #tpu.memory_space<semaphore_mem>>
        %dma_start3A_418 = arith.constant 0 : i32
        %dma_start3A_419 = tpu.memref_slice %arg5[%arg0, %mul3A_416, %dma_start3A_418] : memref<2x10000x128xf32, #tpu.memory_space<hbm>> -> memref<1x40x128xf32, #tpu.memory_space<hbm>>
        %dma_start3A_420 = tpu.memref_squeeze %dma_start3A_419 : memref<1x40x128xf32, #tpu.memory_space<hbm>> -> memref<40x128xf32, #tpu.memory_space<hbm>>
        %dma_start3A_421 = arith.constant 0 : i32
        %dma_start3A_422 = tpu.memref_slice %arg11[%mul3A_414, %dma_start3A_421] : memref<10008x128xf32, #tpu.memory_space<vmem_shared>> -> memref<40x128xf32, #tpu.memory_space<vmem_shared>>
        tpu.enqueue_dma source(%dma_start3A_422 : memref<40x128xf32, #tpu.memory_space<vmem_shared>>) target(%dma_start3A_420 : memref<40x128xf32, #tpu.memory_space<hbm>>) target_semaphore(%run_scoped3A_417 : memref<!tpu.dma_semaphore, #tpu.memory_space<semaphore_mem>>)
        %dma_wait3A_423 = arith.constant 0 : i32
        %dma_wait3A_424 = tpu.memref_slice %arg5[%arg0, %mul3A_416, %dma_wait3A_423] : memref<2x10000x128xf32, #tpu.memory_space<hbm>> -> memref<1x40x128xf32, #tpu.memory_space<hbm>>
        %dma_wait3A_425 = tpu.memref_squeeze %dma_wait3A_424 : memref<1x40x128xf32, #tpu.memory_space<hbm>> -> memref<40x128xf32, #tpu.memory_space<hbm>>
        %dma_wait3A_426 = arith.constant 0 : i32
        %dma_wait3A_427 = tpu.memref_slice %arg11[%mul3A_414, %dma_wait3A_426] : memref<10008x128xf32, #tpu.memory_space<vmem_shared>> -> memref<40x128xf32, #tpu.memory_space<vmem_shared>>
        tpu.wait_dma2 semaphore(%run_scoped3A_417 : memref<!tpu.dma_semaphore, #tpu.memory_space<semaphore_mem>>) src(%dma_wait3A_427 : memref<40x128xf32, #tpu.memory_space<vmem_shared>>) dst(%dma_wait3A_425 : memref<40x128xf32, #tpu.memory_space<hbm>>)
        tpu.yield
      }) : () -> ()
    } else {
    }
    %add3A_371 = arith.constant 160 : i32
    %add3A_372 = arith.addi %arg1, %add3A_371 : i32
    %lt3A_373 = arith.constant 250 : i32
    %lt3A_374 = arith.cmpi slt, %add3A_372, %lt3A_373 : i32
    %convert_element_type3A_375 = arith.extui %lt3A_374 : i1 to i32
    %cond3A_376 = arith.constant 0 : i32
    %cond3A_377 = arith.cmpi ne, %convert_element_type3A_375, %cond3A_376 : i32
    scf.if %cond3A_377 {
      %mul3A_413 = arith.constant 40 : i32
      %mul3A_414 = arith.muli %add3A_372, %mul3A_413 : i32
      %mul3A_415 = arith.constant 40 : i32
      %mul3A_416 = arith.muli %add3A_372, %mul3A_415 : i32
      "tpu.region"() ({
        %run_scoped3A_417 = tpu.sem_alloc : memref<!tpu.dma_semaphore, #tpu.memory_space<semaphore_mem>>
        %dma_start3A_418 = arith.constant 0 : i32
        %dma_start3A_419 = tpu.memref_slice %arg5[%arg0, %mul3A_416, %dma_start3A_418] : memref<2x10000x128xf32, #tpu.memory_space<hbm>> -> memref<1x40x128xf32, #tpu.memory_space<hbm>>
        %dma_start3A_420 = tpu.memref_squeeze %dma_start3A_419 : memref<1x40x128xf32, #tpu.memory_space<hbm>> -> memref<40x128xf32, #tpu.memory_space<hbm>>
        %dma_start3A_421 = arith.constant 0 : i32
        %dma_start3A_422 = tpu.memref_slice %arg11[%mul3A_414, %dma_start3A_421] : memref<10008x128xf32, #tpu.memory_space<vmem_shared>> -> memref<40x128xf32, #tpu.memory_space<vmem_shared>>
        tpu.enqueue_dma source(%dma_start3A_422 : memref<40x128xf32, #tpu.memory_space<vmem_shared>>) target(%dma_start3A_420 : memref<40x128xf32, #tpu.memory_space<hbm>>) target_semaphore(%run_scoped3A_417 : memref<!tpu.dma_semaphore, #tpu.memory_space<semaphore_mem>>)
        %dma_wait3A_423 = arith.constant 0 : i32
        %dma_wait3A_424 = tpu.memref_slice %arg5[%arg0, %mul3A_416, %dma_wait3A_423] : memref<2x10000x128xf32, #tpu.memory_space<hbm>> -> memref<1x40x128xf32, #tpu.memory_space<hbm>>
        %dma_wait3A_425 = tpu.memref_squeeze %dma_wait3A_424 : memref<1x40x128xf32, #tpu.memory_space<hbm>> -> memref<40x128xf32, #tpu.memory_space<hbm>>
        %dma_wait3A_426 = arith.constant 0 : i32
        %dma_wait3A_427 = tpu.memref_slice %arg11[%mul3A_414, %dma_wait3A_426] : memref<10008x128xf32, #tpu.memory_space<vmem_shared>> -> memref<40x128xf32, #tpu.memory_space<vmem_shared>>
        tpu.wait_dma2 semaphore(%run_scoped3A_417 : memref<!tpu.dma_semaphore, #tpu.memory_space<semaphore_mem>>) src(%dma_wait3A_427 : memref<40x128xf32, #tpu.memory_space<vmem_shared>>) dst(%dma_wait3A_425 : memref<40x128xf32, #tpu.memory_space<hbm>>)
        tpu.yield
      }) : () -> ()
    } else {
    }
    %add3A_378 = arith.constant 176 : i32
    %add3A_379 = arith.addi %arg1, %add3A_378 : i32
    %lt3A_380 = arith.constant 250 : i32
    %lt3A_381 = arith.cmpi slt, %add3A_379, %lt3A_380 : i32
    %convert_element_type3A_382 = arith.extui %lt3A_381 : i1 to i32
    %cond3A_383 = arith.constant 0 : i32
    %cond3A_384 = arith.cmpi ne, %convert_element_type3A_382, %cond3A_383 : i32
    scf.if %cond3A_384 {
      %mul3A_413 = arith.constant 40 : i32
      %mul3A_414 = arith.muli %add3A_379, %mul3A_413 : i32
      %mul3A_415 = arith.constant 40 : i32
      %mul3A_416 = arith.muli %add3A_379, %mul3A_415 : i32
      "tpu.region"() ({
        %run_scoped3A_417 = tpu.sem_alloc : memref<!tpu.dma_semaphore, #tpu.memory_space<semaphore_mem>>
        %dma_start3A_418 = arith.constant 0 : i32
        %dma_start3A_419 = tpu.memref_slice %arg5[%arg0, %mul3A_416, %dma_start3A_418] : memref<2x10000x128xf32, #tpu.memory_space<hbm>> -> memref<1x40x128xf32, #tpu.memory_space<hbm>>
        %dma_start3A_420 = tpu.memref_squeeze %dma_start3A_419 : memref<1x40x128xf32, #tpu.memory_space<hbm>> -> memref<40x128xf32, #tpu.memory_space<hbm>>
        %dma_start3A_421 = arith.constant 0 : i32
        %dma_start3A_422 = tpu.memref_slice %arg11[%mul3A_414, %dma_start3A_421] : memref<10008x128xf32, #tpu.memory_space<vmem_shared>> -> memref<40x128xf32, #tpu.memory_space<vmem_shared>>
        tpu.enqueue_dma source(%dma_start3A_422 : memref<40x128xf32, #tpu.memory_space<vmem_shared>>) target(%dma_start3A_420 : memref<40x128xf32, #tpu.memory_space<hbm>>) target_semaphore(%run_scoped3A_417 : memref<!tpu.dma_semaphore, #tpu.memory_space<semaphore_mem>>)
        %dma_wait3A_423 = arith.constant 0 : i32
        %dma_wait3A_424 = tpu.memref_slice %arg5[%arg0, %mul3A_416, %dma_wait3A_423] : memref<2x10000x128xf32, #tpu.memory_space<hbm>> -> memref<1x40x128xf32, #tpu.memory_space<hbm>>
        %dma_wait3A_425 = tpu.memref_squeeze %dma_wait3A_424 : memref<1x40x128xf32, #tpu.memory_space<hbm>> -> memref<40x128xf32, #tpu.memory_space<hbm>>
        %dma_wait3A_426 = arith.constant 0 : i32
        %dma_wait3A_427 = tpu.memref_slice %arg11[%mul3A_414, %dma_wait3A_426] : memref<10008x128xf32, #tpu.memory_space<vmem_shared>> -> memref<40x128xf32, #tpu.memory_space<vmem_shared>>
        tpu.wait_dma2 semaphore(%run_scoped3A_417 : memref<!tpu.dma_semaphore, #tpu.memory_space<semaphore_mem>>) src(%dma_wait3A_427 : memref<40x128xf32, #tpu.memory_space<vmem_shared>>) dst(%dma_wait3A_425 : memref<40x128xf32, #tpu.memory_space<hbm>>)
        tpu.yield
      }) : () -> ()
    } else {
    }
    %add3A_385 = arith.constant 192 : i32
    %add3A_386 = arith.addi %arg1, %add3A_385 : i32
    %lt3A_387 = arith.constant 250 : i32
    %lt3A_388 = arith.cmpi slt, %add3A_386, %lt3A_387 : i32
    %convert_element_type3A_389 = arith.extui %lt3A_388 : i1 to i32
    %cond3A_390 = arith.constant 0 : i32
    %cond3A_391 = arith.cmpi ne, %convert_element_type3A_389, %cond3A_390 : i32
    scf.if %cond3A_391 {
      %mul3A_413 = arith.constant 40 : i32
      %mul3A_414 = arith.muli %add3A_386, %mul3A_413 : i32
      %mul3A_415 = arith.constant 40 : i32
      %mul3A_416 = arith.muli %add3A_386, %mul3A_415 : i32
      "tpu.region"() ({
        %run_scoped3A_417 = tpu.sem_alloc : memref<!tpu.dma_semaphore, #tpu.memory_space<semaphore_mem>>
        %dma_start3A_418 = arith.constant 0 : i32
        %dma_start3A_419 = tpu.memref_slice %arg5[%arg0, %mul3A_416, %dma_start3A_418] : memref<2x10000x128xf32, #tpu.memory_space<hbm>> -> memref<1x40x128xf32, #tpu.memory_space<hbm>>
        %dma_start3A_420 = tpu.memref_squeeze %dma_start3A_419 : memref<1x40x128xf32, #tpu.memory_space<hbm>> -> memref<40x128xf32, #tpu.memory_space<hbm>>
        %dma_start3A_421 = arith.constant 0 : i32
        %dma_start3A_422 = tpu.memref_slice %arg11[%mul3A_414, %dma_start3A_421] : memref<10008x128xf32, #tpu.memory_space<vmem_shared>> -> memref<40x128xf32, #tpu.memory_space<vmem_shared>>
        tpu.enqueue_dma source(%dma_start3A_422 : memref<40x128xf32, #tpu.memory_space<vmem_shared>>) target(%dma_start3A_420 : memref<40x128xf32, #tpu.memory_space<hbm>>) target_semaphore(%run_scoped3A_417 : memref<!tpu.dma_semaphore, #tpu.memory_space<semaphore_mem>>)
        %dma_wait3A_423 = arith.constant 0 : i32
        %dma_wait3A_424 = tpu.memref_slice %arg5[%arg0, %mul3A_416, %dma_wait3A_423] : memref<2x10000x128xf32, #tpu.memory_space<hbm>> -> memref<1x40x128xf32, #tpu.memory_space<hbm>>
        %dma_wait3A_425 = tpu.memref_squeeze %dma_wait3A_424 : memref<1x40x128xf32, #tpu.memory_space<hbm>> -> memref<40x128xf32, #tpu.memory_space<hbm>>
        %dma_wait3A_426 = arith.constant 0 : i32
        %dma_wait3A_427 = tpu.memref_slice %arg11[%mul3A_414, %dma_wait3A_426] : memref<10008x128xf32, #tpu.memory_space<vmem_shared>> -> memref<40x128xf32, #tpu.memory_space<vmem_shared>>
        tpu.wait_dma2 semaphore(%run_scoped3A_417 : memref<!tpu.dma_semaphore, #tpu.memory_space<semaphore_mem>>) src(%dma_wait3A_427 : memref<40x128xf32, #tpu.memory_space<vmem_shared>>) dst(%dma_wait3A_425 : memref<40x128xf32, #tpu.memory_space<hbm>>)
        tpu.yield
      }) : () -> ()
    } else {
    }
    %add3A_392 = arith.constant 208 : i32
    %add3A_393 = arith.addi %arg1, %add3A_392 : i32
    %lt3A_394 = arith.constant 250 : i32
    %lt3A_395 = arith.cmpi slt, %add3A_393, %lt3A_394 : i32
    %convert_element_type3A_396 = arith.extui %lt3A_395 : i1 to i32
    %cond3A_397 = arith.constant 0 : i32
    %cond3A_398 = arith.cmpi ne, %convert_element_type3A_396, %cond3A_397 : i32
    scf.if %cond3A_398 {
      %mul3A_413 = arith.constant 40 : i32
      %mul3A_414 = arith.muli %add3A_393, %mul3A_413 : i32
      %mul3A_415 = arith.constant 40 : i32
      %mul3A_416 = arith.muli %add3A_393, %mul3A_415 : i32
      "tpu.region"() ({
        %run_scoped3A_417 = tpu.sem_alloc : memref<!tpu.dma_semaphore, #tpu.memory_space<semaphore_mem>>
        %dma_start3A_418 = arith.constant 0 : i32
        %dma_start3A_419 = tpu.memref_slice %arg5[%arg0, %mul3A_416, %dma_start3A_418] : memref<2x10000x128xf32, #tpu.memory_space<hbm>> -> memref<1x40x128xf32, #tpu.memory_space<hbm>>
        %dma_start3A_420 = tpu.memref_squeeze %dma_start3A_419 : memref<1x40x128xf32, #tpu.memory_space<hbm>> -> memref<40x128xf32, #tpu.memory_space<hbm>>
        %dma_start3A_421 = arith.constant 0 : i32
        %dma_start3A_422 = tpu.memref_slice %arg11[%mul3A_414, %dma_start3A_421] : memref<10008x128xf32, #tpu.memory_space<vmem_shared>> -> memref<40x128xf32, #tpu.memory_space<vmem_shared>>
        tpu.enqueue_dma source(%dma_start3A_422 : memref<40x128xf32, #tpu.memory_space<vmem_shared>>) target(%dma_start3A_420 : memref<40x128xf32, #tpu.memory_space<hbm>>) target_semaphore(%run_scoped3A_417 : memref<!tpu.dma_semaphore, #tpu.memory_space<semaphore_mem>>)
        %dma_wait3A_423 = arith.constant 0 : i32
        %dma_wait3A_424 = tpu.memref_slice %arg5[%arg0, %mul3A_416, %dma_wait3A_423] : memref<2x10000x128xf32, #tpu.memory_space<hbm>> -> memref<1x40x128xf32, #tpu.memory_space<hbm>>
        %dma_wait3A_425 = tpu.memref_squeeze %dma_wait3A_424 : memref<1x40x128xf32, #tpu.memory_space<hbm>> -> memref<40x128xf32, #tpu.memory_space<hbm>>
        %dma_wait3A_426 = arith.constant 0 : i32
        %dma_wait3A_427 = tpu.memref_slice %arg11[%mul3A_414, %dma_wait3A_426] : memref<10008x128xf32, #tpu.memory_space<vmem_shared>> -> memref<40x128xf32, #tpu.memory_space<vmem_shared>>
        tpu.wait_dma2 semaphore(%run_scoped3A_417 : memref<!tpu.dma_semaphore, #tpu.memory_space<semaphore_mem>>) src(%dma_wait3A_427 : memref<40x128xf32, #tpu.memory_space<vmem_shared>>) dst(%dma_wait3A_425 : memref<40x128xf32, #tpu.memory_space<hbm>>)
        tpu.yield
      }) : () -> ()
    } else {
    }
    %add3A_399 = arith.constant 224 : i32
    %add3A_400 = arith.addi %arg1, %add3A_399 : i32
    %lt3A_401 = arith.constant 250 : i32
    %lt3A_402 = arith.cmpi slt, %add3A_400, %lt3A_401 : i32
    %convert_element_type3A_403 = arith.extui %lt3A_402 : i1 to i32
    %cond3A_404 = arith.constant 0 : i32
    %cond3A_405 = arith.cmpi ne, %convert_element_type3A_403, %cond3A_404 : i32
    scf.if %cond3A_405 {
      %mul3A_413 = arith.constant 40 : i32
      %mul3A_414 = arith.muli %add3A_400, %mul3A_413 : i32
      %mul3A_415 = arith.constant 40 : i32
      %mul3A_416 = arith.muli %add3A_400, %mul3A_415 : i32
      "tpu.region"() ({
        %run_scoped3A_417 = tpu.sem_alloc : memref<!tpu.dma_semaphore, #tpu.memory_space<semaphore_mem>>
        %dma_start3A_418 = arith.constant 0 : i32
        %dma_start3A_419 = tpu.memref_slice %arg5[%arg0, %mul3A_416, %dma_start3A_418] : memref<2x10000x128xf32, #tpu.memory_space<hbm>> -> memref<1x40x128xf32, #tpu.memory_space<hbm>>
        %dma_start3A_420 = tpu.memref_squeeze %dma_start3A_419 : memref<1x40x128xf32, #tpu.memory_space<hbm>> -> memref<40x128xf32, #tpu.memory_space<hbm>>
        %dma_start3A_421 = arith.constant 0 : i32
        %dma_start3A_422 = tpu.memref_slice %arg11[%mul3A_414, %dma_start3A_421] : memref<10008x128xf32, #tpu.memory_space<vmem_shared>> -> memref<40x128xf32, #tpu.memory_space<vmem_shared>>
        tpu.enqueue_dma source(%dma_start3A_422 : memref<40x128xf32, #tpu.memory_space<vmem_shared>>) target(%dma_start3A_420 : memref<40x128xf32, #tpu.memory_space<hbm>>) target_semaphore(%run_scoped3A_417 : memref<!tpu.dma_semaphore, #tpu.memory_space<semaphore_mem>>)
        %dma_wait3A_423 = arith.constant 0 : i32
        %dma_wait3A_424 = tpu.memref_slice %arg5[%arg0, %mul3A_416, %dma_wait3A_423] : memref<2x10000x128xf32, #tpu.memory_space<hbm>> -> memref<1x40x128xf32, #tpu.memory_space<hbm>>
        %dma_wait3A_425 = tpu.memref_squeeze %dma_wait3A_424 : memref<1x40x128xf32, #tpu.memory_space<hbm>> -> memref<40x128xf32, #tpu.memory_space<hbm>>
        %dma_wait3A_426 = arith.constant 0 : i32
        %dma_wait3A_427 = tpu.memref_slice %arg11[%mul3A_414, %dma_wait3A_426] : memref<10008x128xf32, #tpu.memory_space<vmem_shared>> -> memref<40x128xf32, #tpu.memory_space<vmem_shared>>
        tpu.wait_dma2 semaphore(%run_scoped3A_417 : memref<!tpu.dma_semaphore, #tpu.memory_space<semaphore_mem>>) src(%dma_wait3A_427 : memref<40x128xf32, #tpu.memory_space<vmem_shared>>) dst(%dma_wait3A_425 : memref<40x128xf32, #tpu.memory_space<hbm>>)
        tpu.yield
      }) : () -> ()
    } else {
    }
    %add3A_406 = arith.constant 240 : i32
    %add3A_407 = arith.addi %arg1, %add3A_406 : i32
    %lt3A_408 = arith.constant 250 : i32
    %lt3A_409 = arith.cmpi slt, %add3A_407, %lt3A_408 : i32
    %convert_element_type3A_410 = arith.extui %lt3A_409 : i1 to i32
    %cond3A_411 = arith.constant 0 : i32
    %cond3A_412 = arith.cmpi ne, %convert_element_type3A_410, %cond3A_411 : i32
    scf.if %cond3A_412 {
      %mul3A_413 = arith.constant 40 : i32
      %mul3A_414 = arith.muli %add3A_407, %mul3A_413 : i32
      %mul3A_415 = arith.constant 40 : i32
      %mul3A_416 = arith.muli %add3A_407, %mul3A_415 : i32
      "tpu.region"() ({
        %run_scoped3A_417 = tpu.sem_alloc : memref<!tpu.dma_semaphore, #tpu.memory_space<semaphore_mem>>
        %dma_start3A_418 = arith.constant 0 : i32
        %dma_start3A_419 = tpu.memref_slice %arg5[%arg0, %mul3A_416, %dma_start3A_418] : memref<2x10000x128xf32, #tpu.memory_space<hbm>> -> memref<1x40x128xf32, #tpu.memory_space<hbm>>
        %dma_start3A_420 = tpu.memref_squeeze %dma_start3A_419 : memref<1x40x128xf32, #tpu.memory_space<hbm>> -> memref<40x128xf32, #tpu.memory_space<hbm>>
        %dma_start3A_421 = arith.constant 0 : i32
        %dma_start3A_422 = tpu.memref_slice %arg11[%mul3A_414, %dma_start3A_421] : memref<10008x128xf32, #tpu.memory_space<vmem_shared>> -> memref<40x128xf32, #tpu.memory_space<vmem_shared>>
        tpu.enqueue_dma source(%dma_start3A_422 : memref<40x128xf32, #tpu.memory_space<vmem_shared>>) target(%dma_start3A_420 : memref<40x128xf32, #tpu.memory_space<hbm>>) target_semaphore(%run_scoped3A_417 : memref<!tpu.dma_semaphore, #tpu.memory_space<semaphore_mem>>)
        %dma_wait3A_423 = arith.constant 0 : i32
        %dma_wait3A_424 = tpu.memref_slice %arg5[%arg0, %mul3A_416, %dma_wait3A_423] : memref<2x10000x128xf32, #tpu.memory_space<hbm>> -> memref<1x40x128xf32, #tpu.memory_space<hbm>>
        %dma_wait3A_425 = tpu.memref_squeeze %dma_wait3A_424 : memref<1x40x128xf32, #tpu.memory_space<hbm>> -> memref<40x128xf32, #tpu.memory_space<hbm>>
        %dma_wait3A_426 = arith.constant 0 : i32
        %dma_wait3A_427 = tpu.memref_slice %arg11[%mul3A_414, %dma_wait3A_426] : memref<10008x128xf32, #tpu.memory_space<vmem_shared>> -> memref<40x128xf32, #tpu.memory_space<vmem_shared>>
        tpu.wait_dma2 semaphore(%run_scoped3A_417 : memref<!tpu.dma_semaphore, #tpu.memory_space<semaphore_mem>>) src(%dma_wait3A_427 : memref<40x128xf32, #tpu.memory_space<vmem_shared>>) dst(%dma_wait3A_425 : memref<40x128xf32, #tpu.memory_space<hbm>>)
        tpu.yield
      }) : () -> ()
    } else {
    }
    return
  }
}

module attributes {stable_mosaic.version = 14 : i64} {
  func.func @_tc_tail_kernel(%arg0: i32, %arg1: memref<2x2000x128xf32, #tpu.memory_space<vmem>>, %arg2: memref<2000x128xf32, #tpu.memory_space<vmem>>, %arg3: memref<128x128xf32, #tpu.memory_space<vmem>>, %arg4: memref<1x128xf32, #tpu.memory_space<vmem>>, %arg5: memref<128x128xf32, #tpu.memory_space<vmem>>, %arg6: memref<1x128xf32, #tpu.memory_space<vmem>>, %arg7: memref<128x128xf32, #tpu.memory_space<vmem>>, %arg8: memref<1x128xf32, #tpu.memory_space<vmem>>, %arg9: memref<128x128xf32, #tpu.memory_space<vmem>>, %arg10: memref<1x128xf32, #tpu.memory_space<vmem>>, %arg11: memref<1x128xf32, #tpu.memory_space<vmem>>, %arg12: memref<2000x128xf32, #tpu.memory_space<vmem>>) attributes {dimension_semantics = [#tpu.dimension_semantics<arbitrary>], iteration_bounds = array<i64: 5>, scalar_prefetch = 0 : i64, scratch_operands = 0 : i64, tpu.core_type = #tpu.core_type<tc>, window_params = [{transform_indices = @transform_0, window_bounds = array<i64: 2, 2000, 128>}, {transform_indices = @transform_1, window_bounds = array<i64: 2000, 128>}, {pipeline_mode = #tpu.pipeline_mode<synchronous>, transform_indices = @transform_2, window_bounds = array<i64: 128, 128>}, {pipeline_mode = #tpu.pipeline_mode<synchronous>, transform_indices = @transform_3, window_bounds = array<i64: 1, 128>}, {pipeline_mode = #tpu.pipeline_mode<synchronous>, transform_indices = @transform_4, window_bounds = array<i64: 128, 128>}, {pipeline_mode = #tpu.pipeline_mode<synchronous>, transform_indices = @transform_5, window_bounds = array<i64: 1, 128>}, {pipeline_mode = #tpu.pipeline_mode<synchronous>, transform_indices = @transform_6, window_bounds = array<i64: 128, 128>}, {pipeline_mode = #tpu.pipeline_mode<synchronous>, transform_indices = @transform_7, window_bounds = array<i64: 1, 128>}, {pipeline_mode = #tpu.pipeline_mode<synchronous>, transform_indices = @transform_8, window_bounds = array<i64: 128, 128>}, {pipeline_mode = #tpu.pipeline_mode<synchronous>, transform_indices = @transform_9, window_bounds = array<i64: 1, 128>}, {pipeline_mode = #tpu.pipeline_mode<synchronous>, transform_indices = @transform_10, window_bounds = array<i64: 1, 128>}, {transform_indices = @transform_11, window_bounds = array<i64: 2000, 128>}]} {
    %get3A = arith.constant 0 : index
    %get3A_0 = arith.constant 0 : index
    %get3A_1 = arith.constant 0 : index
    %get3A_2 = vector.load %arg1[%get3A, %get3A_0, %get3A_1] : memref<2x2000x128xf32, #tpu.memory_space<vmem>>, vector<1x2000x128xf32>
    %get3A_3 = vector.shape_cast %get3A_2 : vector<1x2000x128xf32> to vector<2000x128xf32>
    %get3A_4 = arith.constant 1 : index
    %get3A_5 = arith.constant 0 : index
    %get3A_6 = arith.constant 0 : index
    %get3A_7 = vector.load %arg1[%get3A_4, %get3A_5, %get3A_6] : memref<2x2000x128xf32, #tpu.memory_space<vmem>>, vector<1x2000x128xf32>
    %get3A_8 = vector.shape_cast %get3A_7 : vector<1x2000x128xf32> to vector<2000x128xf32>
    %add3A = arith.addf %get3A_3, %get3A_8 : vector<2000x128xf32>
    %get3A_9 = arith.constant 0 : index
    %get3A_10 = arith.constant 0 : index
    %get3A_11 = vector.load %arg11[%get3A_9, %get3A_10] : memref<1x128xf32, #tpu.memory_space<vmem>>, vector<1x128xf32>
    %add3A_12 = vector.broadcast %get3A_11 : vector<1x128xf32> to vector<2000x128xf32>
    %add3A_13 = arith.addf %add3A, %add3A_12 : vector<2000x128xf32>
    %get3A_14 = arith.constant 0 : index
    %get3A_15 = arith.constant 0 : index
    %get3A_16 = vector.load %arg3[%get3A_14, %get3A_15] : memref<128x128xf32, #tpu.memory_space<vmem>>, vector<128x128xf32>
    %dot_general3A = arith.constant dense<0.000000e+00> : vector<2000x128xf32>
    %dot_general3A_17 = tpu.matmul %add3A_13, %get3A_16, %dot_general3A {dimension_numbers = #tpu.dot_dimension_numbers<[1], [0], [0], [1], [0, 0, 1, 1], [], []>, transpose_lhs_hint = false} : vector<2000x128xf32>, vector<128x128xf32>, vector<2000x128xf32> -> vector<2000x128xf32>
    %add3A_18 = arith.addf %add3A_13, %dot_general3A_17 : vector<2000x128xf32>
    %get3A_19 = arith.constant 0 : index
    %get3A_20 = arith.constant 0 : index
    %get3A_21 = vector.load %arg4[%get3A_19, %get3A_20] : memref<1x128xf32, #tpu.memory_space<vmem>>, vector<1x128xf32>
    %add3A_22 = vector.broadcast %get3A_21 : vector<1x128xf32> to vector<2000x128xf32>
    %add3A_23 = arith.addf %add3A_18, %add3A_22 : vector<2000x128xf32>
    %get3A_24 = arith.constant 0 : index
    %get3A_25 = arith.constant 0 : index
    %get3A_26 = vector.load %arg2[%get3A_24, %get3A_25] : memref<2000x128xf32, #tpu.memory_space<vmem>>, vector<2000x128xf32>
    %get3A_27 = arith.constant 0 : index
    %get3A_28 = arith.constant 0 : index
    %get3A_29 = vector.load %arg5[%get3A_27, %get3A_28] : memref<128x128xf32, #tpu.memory_space<vmem>>, vector<128x128xf32>
    %dot_general3A_30 = arith.constant dense<0.000000e+00> : vector<2000x128xf32>
    %dot_general3A_31 = tpu.matmul %get3A_26, %get3A_29, %dot_general3A_30 {dimension_numbers = #tpu.dot_dimension_numbers<[1], [0], [0], [1], [0, 0, 1, 1], [], []>, transpose_lhs_hint = false} : vector<2000x128xf32>, vector<128x128xf32>, vector<2000x128xf32> -> vector<2000x128xf32>
    %get3A_32 = arith.constant 0 : index
    %get3A_33 = arith.constant 0 : index
    %get3A_34 = vector.load %arg6[%get3A_32, %get3A_33] : memref<1x128xf32, #tpu.memory_space<vmem>>, vector<1x128xf32>
    %add3A_35 = vector.broadcast %get3A_34 : vector<1x128xf32> to vector<2000x128xf32>
    %add3A_36 = arith.addf %dot_general3A_31, %add3A_35 : vector<2000x128xf32>
    %add3A_37 = arith.addf %add3A_23, %add3A_36 : vector<2000x128xf32>
    %get3A_38 = arith.constant 0 : index
    %get3A_39 = arith.constant 0 : index
    %get3A_40 = vector.load %arg7[%get3A_38, %get3A_39] : memref<128x128xf32, #tpu.memory_space<vmem>>, vector<128x128xf32>
    %dot_general3A_41 = arith.constant dense<0.000000e+00> : vector<2000x128xf32>
    %dot_general3A_42 = tpu.matmul %add3A_36, %get3A_40, %dot_general3A_41 {dimension_numbers = #tpu.dot_dimension_numbers<[1], [0], [0], [1], [0, 0, 1, 1], [], []>, transpose_lhs_hint = false} : vector<2000x128xf32>, vector<128x128xf32>, vector<2000x128xf32> -> vector<2000x128xf32>
    %add3A_43 = arith.addf %add3A_37, %dot_general3A_42 : vector<2000x128xf32>
    %get3A_44 = arith.constant 0 : index
    %get3A_45 = arith.constant 0 : index
    %get3A_46 = vector.load %arg8[%get3A_44, %get3A_45] : memref<1x128xf32, #tpu.memory_space<vmem>>, vector<1x128xf32>
    %add3A_47 = vector.broadcast %get3A_46 : vector<1x128xf32> to vector<2000x128xf32>
    %add3A_48 = arith.addf %add3A_43, %add3A_47 : vector<2000x128xf32>
    %max3A = arith.constant 0.000000e+00 : f32
    %max3A_49 = vector.broadcast %max3A : f32 to vector<2000x128xf32>
    %max3A_50 = arith.maximumf %add3A_48, %max3A_49 : vector<2000x128xf32>
    %get3A_51 = arith.constant 0 : index
    %get3A_52 = arith.constant 0 : index
    %get3A_53 = vector.load %arg9[%get3A_51, %get3A_52] : memref<128x128xf32, #tpu.memory_space<vmem>>, vector<128x128xf32>
    %dot_general3A_54 = arith.constant dense<0.000000e+00> : vector<2000x128xf32>
    %dot_general3A_55 = tpu.matmul %max3A_50, %get3A_53, %dot_general3A_54 {dimension_numbers = #tpu.dot_dimension_numbers<[1], [0], [0], [1], [0, 0, 1, 1], [], []>, transpose_lhs_hint = false} : vector<2000x128xf32>, vector<128x128xf32>, vector<2000x128xf32> -> vector<2000x128xf32>
    %get3A_56 = arith.constant 0 : index
    %get3A_57 = arith.constant 0 : index
    %get3A_58 = vector.load %arg10[%get3A_56, %get3A_57] : memref<1x128xf32, #tpu.memory_space<vmem>>, vector<1x128xf32>
    %add3A_59 = vector.broadcast %get3A_58 : vector<1x128xf32> to vector<2000x128xf32>
    %add3A_60 = arith.addf %dot_general3A_55, %add3A_59 : vector<2000x128xf32>
    %swap3A = arith.constant 0 : index
    %swap3A_61 = arith.constant 0 : index
    %swap3A_62 = vector.load %arg12[%swap3A, %swap3A_61] : memref<2000x128xf32, #tpu.memory_space<vmem>>, vector<2000x128xf32>
    tpu.vector_store %arg12[%swap3A, %swap3A_61], %add3A_60 {strides = array<i32>} : memref<2000x128xf32, #tpu.memory_space<vmem>>, vector<2000x128xf32>,
    return
  }
  func.func @transform_0(%arg0: i32) -> (i32, i32, i32) {
    %c0_i32 = arith.constant 0 : i32
    %c0_i32_0 = arith.constant 0 : i32
    %c0_i32_1 = arith.constant 0 : i32
    return %c0_i32, %arg0, %c0_i32_0 : i32, i32, i32
  }
  func.func @transform_1(%arg0: i32) -> (i32, i32) {
    %c0_i32 = arith.constant 0 : i32
    %c0_i32_0 = arith.constant 0 : i32
    return %arg0, %c0_i32 : i32, i32
  }
  func.func @transform_2(%arg0: i32) -> (i32, i32) {
    %c0_i32 = arith.constant 0 : i32
    %c0_i32_0 = arith.constant 0 : i32
    %c0_i32_1 = arith.constant 0 : i32
    return %c0_i32, %c0_i32_0 : i32, i32
  }
  func.func @transform_3(%arg0: i32) -> (i32, i32) {
    %c0_i32 = arith.constant 0 : i32
    %c0_i32_0 = arith.constant 0 : i32
    %c0_i32_1 = arith.constant 0 : i32
    return %c0_i32, %c0_i32_0 : i32, i32
  }
  func.func @transform_4(%arg0: i32) -> (i32, i32) {
    %c0_i32 = arith.constant 0 : i32
    %c0_i32_0 = arith.constant 0 : i32
    %c0_i32_1 = arith.constant 0 : i32
    return %c0_i32, %c0_i32_0 : i32, i32
  }
  func.func @transform_5(%arg0: i32) -> (i32, i32) {
    %c0_i32 = arith.constant 0 : i32
    %c0_i32_0 = arith.constant 0 : i32
    %c0_i32_1 = arith.constant 0 : i32
    return %c0_i32, %c0_i32_0 : i32, i32
  }
  func.func @transform_6(%arg0: i32) -> (i32, i32) {
    %c0_i32 = arith.constant 0 : i32
    %c0_i32_0 = arith.constant 0 : i32
    %c0_i32_1 = arith.constant 0 : i32
    return %c0_i32, %c0_i32_0 : i32, i32
  }
  func.func @transform_7(%arg0: i32) -> (i32, i32) {
    %c0_i32 = arith.constant 0 : i32
    %c0_i32_0 = arith.constant 0 : i32
    %c0_i32_1 = arith.constant 0 : i32
    return %c0_i32, %c0_i32_0 : i32, i32
  }
  func.func @transform_8(%arg0: i32) -> (i32, i32) {
    %c0_i32 = arith.constant 0 : i32
    %c0_i32_0 = arith.constant 0 : i32
    %c0_i32_1 = arith.constant 0 : i32
    return %c0_i32, %c0_i32_0 : i32, i32
  }
  func.func @transform_9(%arg0: i32) -> (i32, i32) {
    %c0_i32 = arith.constant 0 : i32
    %c0_i32_0 = arith.constant 0 : i32
    %c0_i32_1 = arith.constant 0 : i32
    return %c0_i32, %c0_i32_0 : i32, i32
  }
  func.func @transform_10(%arg0: i32) -> (i32, i32) {
    %c0_i32 = arith.constant 0 : i32
    %c0_i32_0 = arith.constant 0 : i32
    %c0_i32_1 = arith.constant 0 : i32
    return %c0_i32, %c0_i32_0 : i32, i32
  }
  func.func @transform_11(%arg0: i32) -> (i32, i32) {
    %c0_i32 = arith.constant 0 : i32
    %c0_i32_0 = arith.constant 0 : i32
    return %arg0, %c0_i32 : i32, i32
  }
}

</mosaic_0001>

<sc_bundles>
// kernel: kernel.4.cloned.1.call-start
scs
__scs_entry_jumppad:
0x0: {  	(pc) =	sbr.rel $0x88, $3  }
0x1: {  	(tag) =	ssettag $0x0;
	lr =	simm.s32 $0x1  }
0x2: {  	[smem:$0x3F95] =	sst lr;
	_ =	strace $0xD0000000  }
0x3: {  	_ = 	snop  }
0x4: {  	_ = 	snop  }
0x5: {  	_ = 	snop  }
0x6: {  	_ = 	snop  }
0x7: {  	_ = 	snop  }
__scs_overlays_trampoline_lowered:
0x8: {  	[smem:$0x3FA4] =	sst s0  }
0x9: {  	[smem:$0x3FA5] =	sst s1  }
0xa: {  	[smem:$0x3FA6] =	sst s2  }
0xb: {  	[smem:$0x3FA7] =	sst s3  }
0xc: {  	[smem:$0x3FA8] =	sst s4  }
0xd: {  	[smem:$0x3FA9] =	sst s5  }
0xe: {  	[smem:$0x3FAA] =	sst s6  }
0xf: {  	[smem:$0x3FAB] =	sst s7  }
0x10: {  	[smem:$0x3FAC] =	sst s8  }
0x11: {  	[smem:$0x3FAD] =	sst s9;
	s0 =	simm.s32 @!p0 $0x0  }
0x12: {  	s1 =	sld [smem:$0x3F93];
	s0 =	simm.s32 @p0 $0x1  }
0x13: {  	[smem:$0x3FAE] =	sst s0;
	s0 =	simm.s32 @!p1 $0x0  }
0x14: {  	s2 =	sld [smem:$0x3F92];
	s0 =	simm.s32 @p1 $0x1  }
0x15: {  	[smem:$0x3FAF] =	sst s0;
	s0 =	simm.s32 @!p2 $0x0  }
0x16: {  	s3 =	sld [smem:$0x3FDB];
	s0 =	simm.s32 @p2 $0x1  }
0x17: {  	s4 =	simm.s32 $0x1BF5;
	[smem:$0x3FB1] =	sst s0  }
0x18: {  	s0 =	sld [smem:$0x3F94];
	_ =	swait.ge [sflag:s4], $0x0  }
0x19: {  	s7 =	sld [smem:$0x3F95]  }
0x1a: {  	s8 =	sadd.s32 $0xFFFFE003, lr  }
0x1b: {  	s9 =	sadd.s32 $0xFFFFFEF7, lr;
	s5 =	simm.s32 $0xFFFFFFFF;
	p2 =	slt.u32 s8, $0xFFFFF086  }
0x1c: {  	p1 =	slt.u32 s9, $0xF7A;
	s5 =	simm.s32 @!p2 $0x0  }
0x1d: {  	s5 =	simm.s32 @p1 $0x1;
	p0 =	seq.s32 s7, s2  }
0x1e: {  	s7 =	smul.u32 @!p0 $0xF7A, s2;
	p2 =	seq.s32 @!p0 s5, $0x0  }
0x1f: {  	s9 =	smul.u32 $0xF7A, s1;
	s8 =	simm.s32 @!p0 $0x1BF5;
	p2 =	por !p2, p0  }
0x20: {  	[sflag:s8] =	ssyncset.s32 @!p0 $0xFFFFF086;
	s6 =	sadd.s32 @!p0 s3, s7;
	s7 =	simm.s32 @!p0 $0x108  }
0x21: {  	s3 =	sadd.s32 s3, s9;
	s6 =	sadd.s32 @!p0 $0x88, s6;
	s7 =	simm.s32 @p2 $0x1082  }
0x22: {  	[simem:s7], [sflag:s8] =	dma.local @!p0 [hbm:s6], $0xF7A  }
0x23: {  	s9 =	sor.u32 $0xD0000000, s2;
	s6 =	simm.s32 $0x108;
	_ =	swait.ge @!p0 [sflag:s8], $0x0  }
0x24: {  	s3 =	sadd.s32 $0x88, s3;
	s6 =	simm.s32 @!p1 $0x1082;
	[sflag:s4] =	ssyncset.s32 $0xFFFFF086  }
0x25: {  	[simem:s6], [sflag:s4] =	dma.local [hbm:s3], $0xF7A  }
0x26: {  	[smem:$0x3F95] =	sst s1;
	(tag) =	ssettag s2;
	_ =	strace s9  }
0x27: {  	s1 =	sld [smem:$0x3FA5]  }
0x28: {  	s2 =	sld [smem:$0x3FA6]  }
0x29: {  	s4 =	sld [smem:$0x3FA8]  }
0x2a: {  	p0 =	seq.s32 s5, $0x0;
	s5 =	sld [smem:$0x3FA9]  }
0x2b: {  	s6 =	sld [smem:$0x3FAA]  }
0x2c: {  	s7 =	sld [smem:$0x3FAB]  }
0x2d: {  	s3 =	simm.s32 $0x108;
	s8 =	sld [smem:$0x3FAC]  }
0x2e: {  	s3 =	simm.s32 @!p0 $0x1082;
	s9 =	sld [smem:$0x3FAD]  }
0x2f: {  	lr =	sadd.s32 s0, s3;
	s0 =	sld [smem:$0x3FA4]  }
0x30: {  	s3 =	sld [smem:$0x3FA7]  }
0x31: {  	[smem:$0x3FB0] =	sst s10  }
0x32: {  	s10 =	sld [smem:$0x3FAE];
	_ =	sdelay $0x3  }
0x33: {  	p0 =	seq.s32 s10, $0x1;
	s10 =	sld [smem:$0x3FB0];
	_ =	sdelay $0x3  }
0x34: {  	[smem:$0x3FB0] =	sst s10  }
0x35: {  	s10 =	sld [smem:$0x3FAF];
	_ =	sdelay $0x3  }
0x36: {  	p1 =	seq.s32 s10, $0x1;
	s10 =	sld [smem:$0x3FB0];
	_ =	sdelay $0x3  }
0x37: {  	[smem:$0x3FB0] =	sst s10  }
0x38: {  	s10 =	sld [smem:$0x3FB1]  }
0x39: {  	_ = 	snop;
	(pc) =	sbr.ind lr, $3  }
0x3a: {  	_ = 	snop  }
0x3b: {  	_ = 	snop  }
0x3c: {  	p2 =	seq.s32 s10, $0x1;
	s10 =	sld [smem:$0x3FB0]  }
0x3d: {  	_ =	shalt  }
0x3e: {  	_ =	shalt  }
0x3f: {  	_ =	shalt  }
0x40: {  	_ =	shalt  }
0x41: {  	_ =	shalt  }
0x42: {  	_ =	shalt  }
0x43: {  	_ =	shalt  }
0x44: {  	_ =	shalt  }
0x45: {  	_ =	shalt  }
0x46: {  	_ =	shalt  }
0x47: {  	_ =	shalt  }
0x48: {  	_ =	shalt  }
0x49: {  	_ =	shalt  }
0x4a: {  	_ =	shalt  }
0x4b: {  	_ =	shalt  }
0x4c: {  	_ =	shalt  }
0x4d: {  	_ =	shalt  }
0x4e: {  	_ =	shalt  }
0x4f: {  	_ =	shalt  }
0x50: {  	_ =	shalt  }
0x51: {  	_ =	shalt  }
0x52: {  	_ =	shalt  }
0x53: {  	_ =	shalt  }
0x54: {  	_ =	shalt  }
0x55: {  	_ =	shalt  }
0x56: {  	_ =	shalt  }
0x57: {  	_ =	shalt  }
0x58: {  	_ =	shalt  }
0x59: {  	_ =	shalt  }
0x5a: {  	_ =	shalt  }
0x5b: {  	_ =	shalt  }
0x5c: {  	_ =	shalt  }
0x5d: {  	_ =	shalt  }
0x5e: {  	_ =	shalt  }
0x5f: {  	_ =	shalt  }
0x60: {  	_ =	shalt  }
0x61: {  	_ =	shalt  }
0x62: {  	_ =	shalt  }
0x63: {  	_ =	shalt  }
0x64: {  	_ =	shalt  }
0x65: {  	_ =	shalt  }
0x66: {  	_ =	shalt  }
0x67: {  	_ =	shalt  }
0x68: {  	_ =	shalt  }
0x69: {  	_ =	shalt  }
0x6a: {  	_ =	shalt  }
0x6b: {  	_ =	shalt  }
0x6c: {  	_ =	shalt  }
0x6d: {  	_ =	shalt  }
0x6e: {  	_ =	shalt  }
0x6f: {  	_ =	shalt  }
0x70: {  	_ =	shalt  }
0x71: {  	_ =	shalt  }
0x72: {  	_ =	shalt  }
0x73: {  	_ =	shalt  }
0x74: {  	_ =	shalt  }
0x75: {  	_ =	shalt  }
0x76: {  	_ =	shalt  }
0x77: {  	_ =	shalt  }
0x78: {  	_ =	shalt  }
0x79: {  	_ =	shalt  }
0x7a: {  	_ =	shalt  }
0x7b: {  	_ =	shalt  }
0x7c: {  	_ =	shalt  }
0x7d: {  	_ =	shalt  }
0x7e: {  	_ =	shalt  }
0x7f: {  	_ =	shalt  }
0x80: {  	_ =	shalt  }
0x81: {  	_ =	shalt  }
0x82: {  	_ =	shalt  }
0x83: {  	_ =	shalt  }
0x84: {  	_ =	shalt  }
0x85: {  	_ =	shalt  }
0x86: {  	_ =	shalt  }
0x87: {  	_ =	shalt  }
.Lfunc_end0:
.L_simem_size_0:
called_computation_lowered:
.L_overlay_start_0:
0x88: {  	s2 =	sld [smem:$0x3FD9]  }
0x89: {  	s3 =	sld [smem:$0x3FFE];
	_ =	sdelay $0x1  }
0x8a: {  	s1 =	srdreg.scid  }
0x8b: {  	s0 =	sand.u32 $0x1, s1  }
0x8c: {  	s17 =	sshll.u32 s0, $0xA;
	s2 =	sadd.s32 s3, s2  }
0x8d: {  	s2 =	sadd.s32 s2, s17  }
0x8e: {  	[smem:$0x3FBC] =	sst s2  }
0x8f: {  	_ = 	snop  }
0x90: {  	s2 =	sld [smem:$0x3FC7]  }
0x91: {  	s18 =	sld [smem:$0x3FD0];
	(tm) =	ssettm $0x1  }
0x92: {  	s4 =	sld [smem:$0x3FFB];
	_ =	sdelay $0x3  }
0x93: {  	_ =	strace s4  }
0x94: {  	s4 =	sld [smem:$0x3FFC];
	_ =	sdelay $0x3  }
0x95: {  	_ =	strace s4  }
0x96: {  	s4 =	sld [smem:$0x3FFD];
	_ =	sdelay $0x3  }
0x97: {  	_ =	strace s4  }
0x98: {  	_ =	strace $0x8FFFFFFF  }
0x99: {  	s19 =	sld [smem:$0x3FDB];
	_ =	sdelay $0x1  }
0x9a: {  	s5 =	simm.s32 $_scs_section_size  }
0x9b: {  	s6 =	simm.s32 $_size__tile_overlayer_lowered;
	s7 =	simm.s32 $_tile_overlayer_lowered  }
0x9c: {  	s22 =	simm.s32 $0x1BFF;
	s21 =	sshll.u32 s7, $0x1;
	s4 =	sadd.s32 s5, s19  }
0x9d: {  	s8 =	simm.s32 $0x0;
	s20 =	sshll.u32 s6, $0x1;
	s6 =	sadd.s32 s21, s4  }
0x9e: {  	[timem:s8], [sflag:s22] =	dma.local [hbm:s6], s20  }
0x9f: {  	_ =	swait.ge [sflag:s22], s20  }
0xa0: {  	s5 =	ssub.s32 $0x0, s20;
	[sflag:s22] =	ssyncset.done $0x0  }
0xa1: {  	[sflag:s22] =	ssyncadd.s32 s5;
	_ =	sdelay $0x1  }
0xa2: {  	s23 =	simm.s32 $0x1B8B  }
0xa3: {  	_ =	swait.ge [sflag:s23], $0x1  }
0xa4: {  	[sflag:s23] =	ssyncset.done $0x0  }
0xa5: {  	s25 =	simm.s32 $0x1B8E;
	s24 =	sld [smem:$0x3FFE];
	[sflag:s23] =	ssyncadd.s32 $0xFFFFFFFF  }
0xa6: {  	s26 =	simm.s32 $execute0_lowered;
	[smem:$0x3FD2] =	sst s25  }
0xa7: {  	s6 =	sshll.u32 s26, $0x1;
	_ =	strace $0x80000046;
	[dreg:$0x1] =	wrdreg $0xFFFFFFFF  }
0xa8: {  	s28 =	simm.s32 $_size_execute0_lowered;
	s4 =	sadd.s32 s4, s6;
	[dreg:$0x0] =	wrdreg $0x0  }
0xa9: {  	s6 =	sshll.u32 s28, $0x1;
	[dreg:$0x2] =	wrdreg s4  }
0xaa: {  	[dreg:$0x3] =	wrdreg s6  }
0xab: {  	[dreg:$0x4] =	wrdreg $0xC0  }
0xac: {  	_ =	task [dreg:s8], $0x5FFFF  }
0xad: {  	[dreg:$0x1] =	wrdreg $0xFFFFFFFF  }
0xae: {  	[dreg:$0x0] =	wrdreg $0x60  }
0xaf: {  	[dreg:$0x2] =	wrdreg s2  }
0xb0: {  	[dreg:$0x3] =	wrdreg s24  }
0xb1: {  	[dreg:$0x4] =	wrdreg s18  }
0xb2: {  	[dreg:$0x5] =	wrdreg $0x7C000  }
0xb3: {  	[dreg:$0x6] =	wrdreg $0x9  }
0xb4: {  	_ =	task.clear_ibuf [dreg:s8], $0x7FFFF;
	_ =	strace $0x90000046  }
0xb5: {  	s29 =	simm.s32 $0x9;
	_ =	strace $0x80000048  }
0xb6: {  	_ =	swait.ge [sflag:s29], $0x1  }
0xb7: {  	[sflag:s29] =	ssyncadd.s32 $0xFFFFFFFF  }
0xb8: {  	_ =	strace $0x90000048  }
0xb9: {  	_ =	sfence  }
0xba: {  	s30 =	sld [smem:$0x0];
	_ =	sdelay $0x2  }
0xbb: {  	s31 =	sshll.u32 s1, $0xD;
	s1 =	sshrl.u32 s1, $0x2  }
0xbc: {  	s3 =	sand.u32 $0x4000, s31;
	s1 =	sadd.s32 s1, s30  }
0xbd: {  	s0 =	sor.u32 s3, s0;
	s1 =	sshll.u32 s1, $0x11  }
0xbe: {  	s0 =	sor.u32 s1, s0  }
0xbf: {  	s0 =	sadd.s32 $0x8F2B, s0  }
0xc0: {  	[sflag:s0] =	ssyncadd.remote.s32 $0x1  }
0xc1: {  	_ =	sfence.sel $0xFFFF  }
0xc2: {  	[dreg:$0x0] =	wrdreg $0xFFFFFFFF;
	(pc) =	sbr.abs _section_cstart, $3  }
0xc3: {  	[dreg:$0x1] =	wrdreg $0xFFFFFFFF  }
0xc4: {  	_ =	task.clear_ibuf [dreg:s8], $0x2FFFF;
	_ =	strace $0x9FFFFFFF  }
0xc5: {  	(tm) =	ssettm $0x7FFFFFFF  }
tec
execute0_lowered:
.L_overlay_start_1:
0x0: {  	(tag) =	ssettag $0x1  }
0x1: {  	s0 =	srdreg.scid;
	s6 =	stileid.u32  }
0x2: {  	s16 =	sand.u32 $0x1, s0;
	s11 =	smul.u32 $0x1400, s6  }
0x3: {  	s17 =	sor.u32 $0x10, s6;
	s18 =	smul.u32 $0x138800, s16  }
0x4: {  	s8 =	sor.u32 $0x20, s6;
	s12 =	smul.u32 $0x1400, s17  }
0x5: {  	s15 =	sor.u32 $0x30, s6;
	s13 =	smul.u32 $0x1400, s8  }
0x6: {  	s1 =	simm.s32 $0x0;
	s9 =	sor.u32 $0x40, s6;
	s14 =	smul.u32 $0x1400, s15  }
0x7: {  	[smem:$0x7FF] =	sst s1;
	s10 =	sor.u32 $0x50, s6;
	s19 =	smul.u32 $0x1400, s9  }
0x8: {  	s26 =	sor.u32 $0x60, s6;
	s5 =	sor.u32 $0x70, s6;
	s20 =	smul.u32 $0x1400, s10  }
0x9: {  	s4 =	sor.u32 $0x80, s6;
	[smem:$0x7EA] =	sst s26;
	s21 =	smul.u32 $0x1400, s26  }
0xa: {  	s3 =	sor.u32 $0x90, s6;
	[smem:$0x7EB] =	sst s5;
	s22 =	smul.u32 $0x1400, s5  }
0xb: {  	s7 =	sor.u32 $0xB0, s6;
	[smem:$0x7EC] =	sst s4;
	s25 =	smul.u32 $0x1400, s4  }
0xc: {  	s0 =	ssub.s32 $0x2, s16;
	[smem:$0x7ED] =	sst s3;
	s5 =	smul.u32 $0x1400, s3  }
0xd: {  	[smem:$0x7F1] =	sst s7;
	s30 =	smul.u32 $0x1400, s7;
	s2 =	sshrl.u32 s0, $0x1  }
0xe: {  	s0 =	ssub.s32 s0, s2;
	s23 =	sadd.s32 s11, s18;
	s24 =	sadd.s32 s18, s12  }
0xf: {  	s26 =	sadd.s32 s18, s13;
	s28 =	sadd.s32 s18, s14;
	s19 =	sadd.s32 s18, s19  }
0x10: {  	s20 =	sadd.s32 s18, s20;
	s21 =	sadd.s32 s18, s21;
	s11 =	sor.u32 $0xC0, s6  }
0x11: {  	s22 =	sadd.s32 s18, s22;
	s12 =	sor.u32 $0xD0, s6;
	s25 =	sadd.s32 s18, s25  }
0x12: {  	s13 =	sor.u32 $0xE0, s6;
	s4 =	sadd.s32 s18, s5;
	s31 =	smul.u32 $0x1400, s11  }
0x13: {  	s14 =	sor.u32 $0xF0, s6;
	s30 =	sadd.s32 s18, s30;
	s7 =	smul.u32 $0x1400, s12  }
0x14: {  	[smem:$0x7FB] =	sst s0;
	s0 =	sor.u32 $0xA0, s6;
	s5 =	smul.u32 $0x1400, s14  }
0x15: {  	s23 =	sshrl.u32 s23, $0x3;
	s24 =	sshrl.u32 s24, $0x3;
	s29 =	smul.u32 $0x1400, s0  }
0x16: {  	s4 =	sshrl.u32 s4, $0x3;
	[smem:$0x7F0] =	sst s0;
	s0 =	smul.u32 $0x1400, s13  }
0x17: {  	s31 =	sadd.s32 s18, s31;
	s3 =	sadd.s32 s18, s7;
	s5 =	sadd.s32 s18, s5  }
0x18: {  	s7 =	sshll.u32 s6, $0x1;
	s2 =	sadd.s32 s18, s0;
	s0 =	rddreg [dreg:$0x1]  }
0x19: {  	s29 =	sadd.s32 s18, s29;
	s18 =	sor.u32 s16, s7;
	s0 =	sadd.s32 $0xB600, s0  }
0x1a: {  	s3 =	sshrl.u32 s3, $0x3;
	s7 =	smul.u32 $0x2710, s18;
	s23 =	sadd.s32 s0, s23  }
0x1b: {  	s2 =	sshrl.u32 s2, $0x3;
	s18 =	sadd.s32 s0, s24;
	[dreg:$0x5] =	wrdreg s23  }
0x1c: {  	s24 =	sshrl.u32 s28, $0x3;
	s4 =	sadd.s32 s0, s4;
	[dreg:$0x6] =	wrdreg s18  }
0x1d: {  	s3 =	sadd.s32 s0, s3;
	s2 =	sadd.s32 s0, s2;
	[dreg:$0xe] =	wrdreg s4  }
0x1e: {  	s23 =	sshrl.u32 s26, $0x3;
	s26 =	sadd.s32 s0, s24;
	[dreg:$0x12] =	wrdreg s3  }
0x1f: {  	s24 =	sshrl.u32 s20, $0x3;
	s20 =	sshrl.u32 s22, $0x3;
	[dreg:$0x13] =	wrdreg s2  }
0x20: {  	s22 =	sshrl.u32 s29, $0x3;
	s18 =	sadd.s32 s0, s23;
	[dreg:$0x8] =	wrdreg s26  }
0x21: {  	s23 =	sshrl.u32 s19, $0x3;
	s4 =	sadd.s32 s0, s22;
	[dreg:$0x7] =	wrdreg s18  }
0x22: {  	s26 =	sshrl.u32 s21, $0x3;
	s18 =	sadd.s32 s0, s23;
	[dreg:$0xf] =	wrdreg s4  }
0x23: {  	s19 =	sadd.s32 s0, s26;
	s26 =	smul.u32 $0x2710, s16;
	s16 =	rddreg [dreg:$0x0]  }
0x24: {  	[dreg:$0x9] =	wrdreg s18  }
0x25: {  	[dreg:$0xb] =	wrdreg s19  }
0x26: {  	s23 =	sshrl.u32 s30, $0x3;
	s19 =	rddreg [dreg:$0x2]  }
0x27: {  	s18 =	sadd.s32 s0, s24;
	s4 =	sadd.s32 s0, s23;
	s23 =	rddreg [dreg:$0x1]  }
0x28: {  	p0 =	sgt.u32 s6, $0x9;
	s8 =	smul.u32 $0x5000, s8;
	[dreg:$0xa] =	wrdreg s18  }
0x29: {  	s24 =	sshrl.u32 s31, $0x3;
	s18 =	sadd.s32 s0, s20;
	[dreg:$0x10] =	wrdreg s4  }
0x2a: {  	s21 =	sshrl.u32 s25, $0x3;
	s25 =	sadd.s32 s0, s24;
	[dreg:$0xc] =	wrdreg s18  }
0x2b: {  	s5 =	sshrl.u32 s5, $0x3;
	s20 =	sshrl.u32 s7, $0x3;
	[dreg:$0x11] =	wrdreg s25  }
0x2c: {  	s22 =	sadd.s32 $0x1800, s23;
	s18 =	sadd.s32 s0, s21;
	s21 =	rddreg [dreg:$0x3]  }
0x2d: {  	s0 =	sadd.s32 s0, s5;
	s24 =	sadd.s32 $0xA, s20;
	[dreg:$0xd] =	wrdreg s18  }
0x2e: {  	s23 =	smul.u32 $0x5000, s9;
	[dreg:$0x14] =	wrdreg s0;
	s2 =	sadd.s32 s19, s24  }
0x2f: {  	s4 =	sadd.s32 s22, s20;
	_ =	strace $0x80000047;
	[dreg:$0x16] =	wrdreg s2  }
0x30: {  	s7 =	sadd.s32 s19, s20;
	s0 =	sadd.s32 $0x14, s20;
	[dreg:$0x17] =	wrdreg s4  }
0x31: {  	s25 =	smul.u32 $0x5000, s17;
	[dreg:$0x18] =	wrdreg s7;
	s20 =	sadd.s32 s22, s0  }
0x32: {  	s18 =	smul.u32 $0x4E20, s6;
	s0 =	sadd.s32 s19, s0;
	[dreg:$0x19] =	wrdreg s20  }
0x33: {  	s28 =	simm.s32 $0x280;
	s5 =	smul.u32 $0x5000, s6;
	[dreg:$0x1a] =	wrdreg s0  }
0x34: {  	s17 =	smul.u32 $0x5000, s15;
	s18 =	sadd.s32 s26, s18;
	s7 =	sld [smem:$0x7EA]  }
0x35: {  	s26 =	sadd.s32 s22, s24;
	s24 =	sshrl.u32 s25, $0x2;
	s9 =	sld [smem:$0x7EB]  }
0x36: {  	s25 =	sshrl.u32 s8, $0x2;
	s8 =	sshrl.u32 s17, $0x2;
	s17 =	sld [smem:$0x7ED]  }
0x37: {  	s2 =	sshrl.u32 s5, $0x2;
	s0 =	sshrl.u32 s23, $0x2;
	s23 =	sld [smem:$0x7F0]  }
0x38: {  	s29 =	simm.s32 $0x100;
	s20 =	sadd.s32 s2, s21;
	[dreg:$0x15] =	wrdreg s26  }
0x39: {  	s26 =	smul.u32 $0x5000, s10;
	s2 =	sadd.s32 s24, s21;
	s3 =	sadd.s32 s25, s21  }
0x3a: {  	[dreg:$0x1d] =	wrdreg s3;
	s3 =	sadd.s32 s8, s21;
	s8 =	smul.u32 $0x5000, s12  }
0x3b: {  	s30 =	simm.s32 $0xA;
	[dreg:$0x1c] =	wrdreg s2;
	s2 =	smul.u32 $0x5000, s7  }
0x3c: {  	s31 =	simm.s32 $0x1;
	s10 =	sld [smem:$0x7EC];
	s5 =	smul.u32 $0x5000, s9  }
0x3d: {  	s0 =	sadd.s32 s0, s21;
	s25 =	sld [smem:$0x7F1];
	s4 =	smul.u32 $0x5000, s17  }
0x3e: {  	[dreg:$0x1b] =	wrdreg s20;
	s15 =	sshrl.u32 s26, $0x2;
	s26 =	smul.u32 $0x5000, s11  }
0x3f: {  	s6 =	simm.s32 $0x3;
	[dreg:$0x1f] =	wrdreg s0;
	s9 =	smul.u32 $0x5000, s13  }
0x40: {  	[dreg:$0x1e] =	wrdreg s3;
	s11 =	smul.u32 $0x5000, s14;
	s17 =	sadd.s32 $0x190, s18  }
0x41: {  	s0 =	smul.u32 $0x5000, s10;
	s3 =	sadd.s32 s15, s21;
	s12 =	sshrl.u32 s8, $0x2  }
0x42: {  	s8 =	simm.s32 $0x5400;
	s2 =	sshrl.u32 s2, $0x2;
	[smem:$0x7EE] =	sst s3  }
0x43: {  	s24 =	sshrl.u32 s5, $0x2;
	s5 =	smul.u32 $0x5000, s25;
	s7 =	sshrl.u32 s4, $0x2  }
0x44: {  	s13 =	sshrl.u32 s9, $0x2;
	s14 =	sshrl.u32 s11, $0x2;
	s4 =	simm.s32 $0x2C00  }
0x45: {  	s9 =	simm.s32 $0x8;
	s2 =	sadd.s32 s2, s21;
	s0 =	sshrl.u32 s0, $0x2  }
0x46: {  	s3 =	sadd.s32 s24, s21;
	s15 =	sadd.s32 s14, s21;
	[smem:$0x7EF] =	sst s2  }
0x47: {  	s24 =	sadd.s32 $0x140, s18;
	s14 =	simm.s32 $0x300;
	[smem:$0x7F2] =	sst s3  }
0x48: {  	s2 =	smul.u32 $0x5000, s23;
	s0 =	sadd.s32 s0, s21;
	[smem:$0x7FA] =	sst s15  }
0x49: {  	s3 =	sadd.s32 s7, s21;
	s10 =	sshrl.u32 s5, $0x2;
	s23 =	sld [smem:$0x7FB]  }
0x4a: {  	s25 =	sshrl.u32 s24, $0x3;
	s24 =	simm.s32 $0x400;
	[smem:$0x7F3] =	sst s0  }
0x4b: {  	s5 =	simm.s32 $0x7;
	s7 =	simm.s32 $0x6;
	[smem:$0x7F4] =	sst s3  }
0x4c: {  	s0 =	sshrl.u32 s26, $0x2;
	s3 =	sadd.s32 s10, s21;
	s26 =	sadd.s32 $0xF0, s18  }
0x4d: {  	s18 =	simm.s32 $0x4;
	s10 =	simm.s32 $0x9;
	[smem:$0x7F6] =	sst s3  }
0x4e: {  	s2 =	sshrl.u32 s2, $0x2;
	s0 =	sadd.s32 s0, s21;
	[smem:$0x7FD] =	sst s26  }
0x4f: {  	s26 =	simm.s32 $0x80;
	s2 =	sadd.s32 s2, s21;
	[smem:$0x7F7] =	sst s0  }
0x50: {  	s3 =	simm.s32 $0x5;
	s0 =	sadd.s32 s12, s21;
	[smem:$0x7F5] =	sst s2  }
.Ltmp0:
0x51: {  	[smem:$0x7F8] =	sst s0;
	s0 =	sadd.s32 s13, s21;
	(pc) =	sbr.rel .LBB2_1-.Ltmp0, $4  }
0x52: {  	s2 =	smax.u32 s23, $0x1;
	s23 =	sadd.s32 s25, s22;
	[smem:$0x7F9] =	sst s0  }
0x53: {  	s13 =	simm.s32 $0x0;
	[smem:$0x7FC] =	sst s2;
	s0 =	sshrl.u32 s17, $0x3  }
0x54: {  	s2 =	simm.s32 $0x2;
	s15 =	sadd.s32 s0, s19;
	s17 =	sadd.s32 s0, s22  }
0x55: {  	v0 =	vimm.f32 $0.0e+00;
	s19 =	sadd.s32 s25, s19;
	s25 =	simm.s32 $0x200;
	s0 =	simm.s32 $0x50  }
.LBB2_6:
0x56: {  	_ =	swait.ge [sflag:s5], $0x2800  }
0x57: {  	[sflag:s5] =	ssyncset.done $0x0  }
0x58: {  	[sflag:s5] =	ssyncadd.s32 $0xFFFFD800  }
0x59: {  	[spmem:s21] =	stream.indirect.scatter.add.f32 [tilespmem:s24], [sflag:$0xA], $0x80, s25, s0, $0xb8;
	[tilespmem:$0x1B4C0] =	vst v63  }
0x5a: {  	_ =	swait.ge [sflag:s30], $0x2800  }
0x5b: {  	[sflag:s30] =	ssyncset.done $0x0  }
0x5c: {  	[sflag:s30] =	ssyncadd.s32 $0xFFFFD800  }
0x5d: {  	_ =	swait.ge [sflag:s9], $0x2800  }
0x5e: {  	[sflag:s9] =	ssyncset.done $0x0  }
0x5f: {  	[sflag:s9] =	ssyncadd.s32 $0xFFFFD800  }
0x60: {  	[spmem:s21] =	stream.indirect.scatter.add.f32 [tilespmem:s4], [sflag:$0xA], $0x80, s28, s0, $0xb8;
	[tilespmem:$0x1B4C0] =	vst v63  }
0x61: {  	_ =	swait.ge [sflag:s30], $0x2800  }
0x62: {  	[sflag:s30] =	ssyncset.done $0x0  }
0x63: {  	[sflag:s30] =	ssyncadd.s32 $0xFFFFD800  }
0x64: {  	s11 =	stileid.u32;
	[bflag:$0x0] =	sbarrier.arrive $0xFFFF  }
0x65: {  	s11 =	sshll.u32 s11, $0x6;
	s20 =	rddreg [dreg:$0x1b]  }
0x66: {  	s12 =	sor.u32 $0x1C0A, s11;
	s13 =	rddreg [dreg:$0x5];
	s11 =	sshrl.u32 s20, $0x3  }
0x67: {  	[hbm:s13], [sflag:s12] =	dma.local [spmem:s11], $0x280  }
0x68: {  	_ =	swait.ge [sflag:s30], $0x280  }
0x69: {  	[sflag:s30] =	ssyncset.done $0x0;
	s13 =	rddreg [dreg:$0x1c]  }
0x6a: {  	[sflag:s30] =	ssyncadd.s32 $0xFFFFFD80;
	s11 =	sshrl.u32 s13, $0x3;
	s13 =	rddreg [dreg:$0x6]  }
0x6b: {  	[hbm:s13], [sflag:s12] =	dma.local [spmem:s11], $0x280  }
0x6c: {  	_ =	swait.ge [sflag:s30], $0x280  }
0x6d: {  	[sflag:s30] =	ssyncset.done $0x0;
	s13 =	rddreg [dreg:$0x1d]  }
0x6e: {  	[sflag:s30] =	ssyncadd.s32 $0xFFFFFD80;
	s11 =	sshrl.u32 s13, $0x3;
	s13 =	rddreg [dreg:$0x7]  }
0x6f: {  	[hbm:s13], [sflag:s12] =	dma.local [spmem:s11], $0x280  }
0x70: {  	_ =	swait.ge [sflag:s30], $0x280  }
0x71: {  	[sflag:s30] =	ssyncset.done $0x0;
	s13 =	rddreg [dreg:$0x1e]  }
0x72: {  	[sflag:s30] =	ssyncadd.s32 $0xFFFFFD80;
	s11 =	sshrl.u32 s13, $0x3;
	s13 =	rddreg [dreg:$0x8]  }
0x73: {  	[hbm:s13], [sflag:s12] =	dma.local [spmem:s11], $0x280  }
0x74: {  	_ =	swait.ge [sflag:s30], $0x280  }
0x75: {  	[sflag:s30] =	ssyncset.done $0x0;
	s13 =	rddreg [dreg:$0x1f]  }
0x76: {  	[sflag:s30] =	ssyncadd.s32 $0xFFFFFD80;
	s11 =	sshrl.u32 s13, $0x3;
	s13 =	rddreg [dreg:$0x9]  }
0x77: {  	[hbm:s13], [sflag:s12] =	dma.local [spmem:s11], $0x280  }
0x78: {  	_ =	swait.ge [sflag:s30], $0x280  }
0x79: {  	s13 =	sld [smem:$0x7EE];
	_ =	sdelay $0x1  }
0x7a: {  	[sflag:s30] =	ssyncset.done $0x0  }
0x7b: {  	[sflag:s30] =	ssyncadd.s32 $0xFFFFFD80;
	s11 =	sshrl.u32 s13, $0x3;
	s13 =	rddreg [dreg:$0xa]  }
0x7c: {  	[hbm:s13], [sflag:s12] =	dma.local [spmem:s11], $0x280  }
0x7d: {  	_ =	swait.ge [sflag:s30], $0x280  }
0x7e: {  	s13 =	sld [smem:$0x7EF];
	_ =	sdelay $0x1  }
0x7f: {  	[sflag:s30] =	ssyncset.done $0x0  }
0x80: {  	[sflag:s30] =	ssyncadd.s32 $0xFFFFFD80;
	s11 =	sshrl.u32 s13, $0x3;
	s13 =	rddreg [dreg:$0xb]  }
0x81: {  	[hbm:s13], [sflag:s12] =	dma.local [spmem:s11], $0x280  }
0x82: {  	_ =	swait.ge [sflag:s30], $0x280  }
0x83: {  	s13 =	sld [smem:$0x7F2];
	_ =	sdelay $0x1  }
0x84: {  	[sflag:s30] =	ssyncset.done $0x0  }
0x85: {  	[sflag:s30] =	ssyncadd.s32 $0xFFFFFD80;
	s11 =	sshrl.u32 s13, $0x3;
	s13 =	rddreg [dreg:$0xc]  }
0x86: {  	[hbm:s13], [sflag:s12] =	dma.local [spmem:s11], $0x280  }
0x87: {  	_ =	swait.ge [sflag:s30], $0x280  }
0x88: {  	s13 =	sld [smem:$0x7F3];
	_ =	sdelay $0x1  }
0x89: {  	[sflag:s30] =	ssyncset.done $0x0  }
0x8a: {  	[sflag:s30] =	ssyncadd.s32 $0xFFFFFD80;
	s11 =	sshrl.u32 s13, $0x3;
	s13 =	rddreg [dreg:$0xd]  }
0x8b: {  	[hbm:s13], [sflag:s12] =	dma.local [spmem:s11], $0x280  }
0x8c: {  	_ =	swait.ge [sflag:s30], $0x280  }
0x8d: {  	s13 =	sld [smem:$0x7F4];
	_ =	sdelay $0x1  }
0x8e: {  	[sflag:s30] =	ssyncset.done $0x0  }
0x8f: {  	[sflag:s30] =	ssyncadd.s32 $0xFFFFFD80;
	s11 =	sshrl.u32 s13, $0x3;
	s13 =	rddreg [dreg:$0xe]  }
0x90: {  	[hbm:s13], [sflag:s12] =	dma.local [spmem:s11], $0x280  }
0x91: {  	_ =	swait.ge [sflag:s30], $0x280  }
0x92: {  	s13 =	sld [smem:$0x7F5];
	_ =	sdelay $0x1  }
0x93: {  	[sflag:s30] =	ssyncset.done $0x0  }
0x94: {  	[sflag:s30] =	ssyncadd.s32 $0xFFFFFD80;
	s11 =	sshrl.u32 s13, $0x3;
	s13 =	rddreg [dreg:$0xf]  }
0x95: {  	[hbm:s13], [sflag:s12] =	dma.local [spmem:s11], $0x280  }
0x96: {  	_ =	swait.ge [sflag:s30], $0x280  }
0x97: {  	s13 =	sld [smem:$0x7F6];
	_ =	sdelay $0x1  }
0x98: {  	[sflag:s30] =	ssyncset.done $0x0  }
0x99: {  	[sflag:s30] =	ssyncadd.s32 $0xFFFFFD80;
	s11 =	sshrl.u32 s13, $0x3;
	s13 =	rddreg [dreg:$0x10]  }
0x9a: {  	[hbm:s13], [sflag:s12] =	dma.local [spmem:s11], $0x280  }
0x9b: {  	_ =	swait.ge [sflag:s30], $0x280  }
0x9c: {  	s13 =	sld [smem:$0x7F7];
	_ =	sdelay $0x1  }
0x9d: {  	[sflag:s30] =	ssyncset.done $0x0  }
0x9e: {  	[sflag:s30] =	ssyncadd.s32 $0xFFFFFD80;
	s11 =	sshrl.u32 s13, $0x3;
	s13 =	rddreg [dreg:$0x11]  }
0x9f: {  	[hbm:s13], [sflag:s12] =	dma.local [spmem:s11], $0x280  }
0xa0: {  	_ =	swait.ge [sflag:s30], $0x280  }
0xa1: {  	s13 =	sld [smem:$0x7F8];
	_ =	sdelay $0x1  }
0xa2: {  	[sflag:s30] =	ssyncset.done $0x0  }
0xa3: {  	[sflag:s30] =	ssyncadd.s32 $0xFFFFFD80;
	s11 =	sshrl.u32 s13, $0x3;
	s13 =	rddreg [dreg:$0x12]  }
0xa4: {  	[hbm:s13], [sflag:s12] =	dma.local [spmem:s11], $0x280  }
0xa5: {  	_ =	swait.ge [sflag:s30], $0x280  }
0xa6: {  	s13 =	sld [smem:$0x7F9];
	_ =	sdelay $0x1  }
0xa7: {  	[sflag:s30] =	ssyncset.done $0x0  }
0xa8: {  	[sflag:s30] =	ssyncadd.s32 $0xFFFFFD80;
	s11 =	sshrl.u32 s13, $0x3;
	s13 =	rddreg [dreg:$0x13]  }
0xa9: {  	[hbm:s13], [sflag:s12] =	dma.local [spmem:s11], $0x280  }
0xaa: {  	_ =	swait.ge [sflag:s30], $0x280  }
0xab: {  	s11 =	sld [smem:$0x7FA];
	_ =	sdelay $0x1  }
0xac: {  	[sflag:s30] =	ssyncset.done $0x0  }
0xad: {  	s13 =	rddreg [dreg:$0x14];
	[sflag:s30] =	ssyncadd.s32 $0xFFFFFD80;
	s11 =	sshrl.u32 @!p0 s11, $0x3  }
0xae: {  	[hbm:s13], [sflag:s12] =	dma.local @!p0 [spmem:s11], $0x280  }
0xaf: {  	s11 =	simm.s32 @!p0 $0xA  }
0xb0: {  	_ =	swait.ge @!p0 [sflag:s11], $0x280  }
0xb1: {  	s12 =	sld [smem:$0x7E9];
	_ =	sdelay $0x2  }
0xb2: {  	s13 =	sadd.s32 $0x1, s12;
	s12 =	sld [smem:$0x7FC];
	_ =	sdelay $0x2  }
0xb3: {  	p1 =	sne.s32 s13, s12  }
.Ltmp1:
0xb4: {  	_ = 	snop;
	(pc) =	sbr.rel @!p1 .LBB2_7-.Ltmp1, $3  }
0xb5: {  	_ =	sdelay $0x1  }
0xb6: {  	[sflag:s11] =	ssyncset.done @!p0 $0x0  }
0xb7: {  	[sflag:s11] =	ssyncadd.s32 @!p0 $0xFFFFFD80  }
.LBB2_1:
0xb8: {  	[smem:$0x7E9] =	sst s13  }
0xb9: {  	s11 =	rddreg [dreg:$0x17]  }
0xba: {  	[tilespmem:s1], [sflag:$0x1] =	stream.linear.gather [hbm4b:s11+s1], $0x50, $0x38;
	[tilespmem:$0x1B4C0] =	vst v63  }
0xbb: {  	s13 =	rddreg [dreg:$0x18]  }
0xbc: {  	[tilespmem:s25], [sflag:$0x4] =	stream.linear.gather [hbm4b:s13+s1], $0x50, $0x38;
	[tilespmem:$0x1B4C0] =	vst v63  }
0xbd: {  	s12 =	rddreg [dreg:$0x15]  }
0xbe: {  	[tilespmem:s26], [sflag:$0x2] =	stream.linear.gather [hbm4b:s12+s1], $0x50, $0x38;
	[tilespmem:$0x1B4C0] =	vst v63  }
0xbf: {  	s13 =	rddreg [dreg:$0x16]  }
0xc0: {  	[tilespmem:s28], [sflag:$0x5] =	stream.linear.gather [hbm4b:s13+s1], $0x50, $0x38;
	[tilespmem:$0x1B4C0] =	vst v63  }
0xc1: {  	s12 =	rddreg [dreg:$0x19]  }
0xc2: {  	[tilespmem:s29], [sflag:$0x3] =	stream.linear.gather [hbm4b:s12+s1], $0x50, $0x38;
	[tilespmem:$0x1B4C0] =	vst v63  }
0xc3: {  	s13 =	rddreg [dreg:$0x1a]  }
0xc4: {  	[tilespmem:s14], [sflag:$0x6] =	stream.linear.gather [hbm4b:s13+s1], $0x50, $0x38;
	[tilespmem:$0x1B4C0] =	vst v63  }
0xc5: {  	s12 =	simm.s32 $0x0;
	s13 =	simm.s32 $0x200  }
.LBB2_2:
0xc6: {  	p1 =	sne.s32 s13, $0x4E00;
	[tilespmem:s12+$0x470] =	vst v0  }
0xc7: {  	[tilespmem:s12+$0x400] =	vst v0  }
0xc8: {  	[tilespmem:s12+$0x410] =	vst v0  }
.Ltmp2:
0xc9: {  	[tilespmem:s12+$0x420] =	vst v0;
	(pc) =	sbr.rel @p1 .LBB2_2-.Ltmp2, $4  }
0xca: {  	[tilespmem:s12+$0x430] =	vst v0  }
0xcb: {  	[tilespmem:s12+$0x440] =	vst v0  }
0xcc: {  	[tilespmem:s12+$0x450] =	vst v0  }
0xcd: {  	[tilespmem:s12+$0x460] =	vst v0;
	s12 =	sshra.s32 s13, $0x2;
	s13 =	sadd.s32 $0x200, s13  }
0xce: {  	[tilespmem:s12+$0x470] =	vst v0  }
0xcf: {  	[tilespmem:s12+$0x400] =	vst v0  }
0xd0: {  	[tilespmem:s12+$0x410] =	vst v0  }
0xd1: {  	[tilespmem:s12+$0x420] =	vst v0  }
0xd2: {  	[tilespmem:s12+$0x430] =	vst v0  }
0xd3: {  	[tilespmem:s12+$0x440] =	vst v0  }
0xd4: {  	[tilespmem:s12+$0x450] =	vst v0  }
0xd5: {  	[tilespmem:s12+$0x460] =	vst v0  }
0xd6: {  	[spmem:s20] =	stream.linear.scatter [tilespmem:s24], [sflag:$0xA], $0x1400, $0x38;
	[tilespmem:$0x1B4C0] =	vst v63  }
0xd7: {  	_ =	swait.ge [sflag:s30], $0x1400  }
0xd8: {  	[sflag:s30] =	ssyncset.done $0x0  }
0xd9: {  	s11 =	rddreg [dreg:$0x1c];
	[sflag:s30] =	ssyncadd.s32 $0xFFFFEC00  }
0xda: {  	[spmem:s11] =	stream.linear.scatter [tilespmem:s24], [sflag:$0xA], $0x1400, $0x38;
	[tilespmem:$0x1B4C0] =	vst v63  }
0xdb: {  	_ =	swait.ge [sflag:s30], $0x1400  }
0xdc: {  	[sflag:s30] =	ssyncset.done $0x0  }
0xdd: {  	s20 =	rddreg [dreg:$0x1d];
	[sflag:s30] =	ssyncadd.s32 $0xFFFFEC00  }
0xde: {  	[spmem:s20] =	stream.linear.scatter [tilespmem:s24], [sflag:$0xA], $0x1400, $0x38;
	[tilespmem:$0x1B4C0] =	vst v63  }
0xdf: {  	_ =	swait.ge [sflag:s30], $0x1400  }
0xe0: {  	[sflag:s30] =	ssyncset.done $0x0  }
0xe1: {  	s12 =	rddreg [dreg:$0x1e];
	[sflag:s30] =	ssyncadd.s32 $0xFFFFEC00  }
0xe2: {  	[spmem:s12] =	stream.linear.scatter [tilespmem:s24], [sflag:$0xA], $0x1400, $0x38;
	[tilespmem:$0x1B4C0] =	vst v63  }
0xe3: {  	_ =	swait.ge [sflag:s30], $0x1400  }
0xe4: {  	[sflag:s30] =	ssyncset.done $0x0  }
0xe5: {  	s13 =	rddreg [dreg:$0x1f];
	[sflag:s30] =	ssyncadd.s32 $0xFFFFEC00  }
0xe6: {  	[spmem:s13] =	stream.linear.scatter [tilespmem:s24], [sflag:$0xA], $0x1400, $0x38;
	[tilespmem:$0x1B4C0] =	vst v63  }
0xe7: {  	_ =	swait.ge [sflag:s30], $0x1400  }
0xe8: {  	s20 =	sld [smem:$0x7EE]  }
0xe9: {  	[sflag:s30] =	ssyncset.done $0x0  }
0xea: {  	[sflag:s30] =	ssyncadd.s32 $0xFFFFEC00  }
0xeb: {  	[spmem:s20] =	stream.linear.scatter [tilespmem:s24], [sflag:$0xA], $0x1400, $0x38;
	[tilespmem:$0x1B4C0] =	vst v63  }
0xec: {  	_ =	swait.ge [sflag:s30], $0x1400  }
0xed: {  	s12 =	sld [smem:$0x7EF]  }
0xee: {  	[sflag:s30] =	ssyncset.done $0x0  }
0xef: {  	[sflag:s30] =	ssyncadd.s32 $0xFFFFEC00  }
0xf0: {  	[spmem:s12] =	stream.linear.scatter [tilespmem:s24], [sflag:$0xA], $0x1400, $0x38;
	[tilespmem:$0x1B4C0] =	vst v63  }
0xf1: {  	_ =	swait.ge [sflag:s30], $0x1400  }
0xf2: {  	s13 =	sld [smem:$0x7F2]  }
0xf3: {  	[sflag:s30] =	ssyncset.done $0x0  }
0xf4: {  	[sflag:s30] =	ssyncadd.s32 $0xFFFFEC00  }
0xf5: {  	[spmem:s13] =	stream.linear.scatter [tilespmem:s24], [sflag:$0xA], $0x1400, $0x38;
	[tilespmem:$0x1B4C0] =	vst v63  }
0xf6: {  	_ =	swait.ge [sflag:s30], $0x1400  }
0xf7: {  	s20 =	sld [smem:$0x7F3]  }
0xf8: {  	[sflag:s30] =	ssyncset.done $0x0  }
0xf9: {  	[sflag:s30] =	ssyncadd.s32 $0xFFFFEC00  }
0xfa: {  	[spmem:s20] =	stream.linear.scatter [tilespmem:s24], [sflag:$0xA], $0x1400, $0x38;
	[tilespmem:$0x1B4C0] =	vst v63  }
0xfb: {  	_ =	swait.ge [sflag:s30], $0x1400  }
0xfc: {  	s12 =	sld [smem:$0x7F4]  }
0xfd: {  	[sflag:s30] =	ssyncset.done $0x0  }
0xfe: {  	[sflag:s30] =	ssyncadd.s32 $0xFFFFEC00  }
0xff: {  	[spmem:s12] =	stream.linear.scatter [tilespmem:s24], [sflag:$0xA], $0x1400, $0x38;
	[tilespmem:$0x1B4C0] =	vst v63  }
0x100: {  	_ =	swait.ge [sflag:s30], $0x1400  }
0x101: {  	s13 =	sld [smem:$0x7F5]  }
0x102: {  	[sflag:s30] =	ssyncset.done $0x0  }
0x103: {  	[sflag:s30] =	ssyncadd.s32 $0xFFFFEC00  }
0x104: {  	[spmem:s13] =	stream.linear.scatter [tilespmem:s24], [sflag:$0xA], $0x1400, $0x38;
	[tilespmem:$0x1B4C0] =	vst v63  }
0x105: {  	_ =	swait.ge [sflag:s30], $0x1400  }
0x106: {  	s20 =	sld [smem:$0x7F6]  }
0x107: {  	[sflag:s30] =	ssyncset.done $0x0  }
0x108: {  	[sflag:s30] =	ssyncadd.s32 $0xFFFFEC00  }
0x109: {  	[spmem:s20] =	stream.linear.scatter [tilespmem:s24], [sflag:$0xA], $0x1400, $0x38;
	[tilespmem:$0x1B4C0] =	vst v63  }
0x10a: {  	_ =	swait.ge [sflag:s30], $0x1400  }
0x10b: {  	s12 =	sld [smem:$0x7F7]  }
0x10c: {  	[sflag:s30] =	ssyncset.done $0x0  }
0x10d: {  	[sflag:s30] =	ssyncadd.s32 $0xFFFFEC00  }
0x10e: {  	[spmem:s12] =	stream.linear.scatter [tilespmem:s24], [sflag:$0xA], $0x1400, $0x38;
	[tilespmem:$0x1B4C0] =	vst v63  }
0x10f: {  	_ =	swait.ge [sflag:s30], $0x1400  }
0x110: {  	s13 =	sld [smem:$0x7F8]  }
0x111: {  	[sflag:s30] =	ssyncset.done $0x0  }
0x112: {  	[sflag:s30] =	ssyncadd.s32 $0xFFFFEC00  }
0x113: {  	[spmem:s13] =	stream.linear.scatter [tilespmem:s24], [sflag:$0xA], $0x1400, $0x38;
	[tilespmem:$0x1B4C0] =	vst v63  }
0x114: {  	_ =	swait.ge [sflag:s30], $0x1400  }
0x115: {  	s20 =	sld [smem:$0x7F9]  }
0x116: {  	[sflag:s30] =	ssyncset.done $0x0  }
0x117: {  	[sflag:s30] =	ssyncadd.s32 $0xFFFFEC00  }
0x118: {  	[spmem:s20] =	stream.linear.scatter [tilespmem:s24], [sflag:$0xA], $0x1400, $0x38;
	[tilespmem:$0x1B4C0] =	vst v63  }
0x119: {  	_ =	swait.ge [sflag:s30], $0x1400  }
0x11a: {  	s11 =	sld [smem:$0x7FA]  }
0x11b: {  	[sflag:s30] =	ssyncset.done $0x0  }
0x11c: {  	s12 =	simm.s32 @!p0 $0x400;
	[sflag:s30] =	ssyncadd.s32 $0xFFFFEC00  }
0x11d: {  	[spmem:s11] =	stream.linear.scatter @!p0 [tilespmem:s12], [sflag:$0xA], $0x1400, $0x38;
	[tilespmem:$0x1B4C0] =	vst v63  }
0x11e: {  	s12 =	simm.s32 @!p0 $0xA  }
0x11f: {  	_ =	swait.ge @!p0 [sflag:s12], $0x1400  }
0x120: {  	[sflag:s12] =	ssyncset.done @!p0 $0x0  }
0x121: {  	[sflag:s12] =	ssyncadd.s32 @!p0 $0xFFFFEC00  }
0x122: {  	_ =	swait.ge [sflag:s31], $0x50  }
0x123: {  	[sflag:s31] =	ssyncset.done $0x0  }
0x124: {  	[sflag:s31] =	ssyncadd.s32 $0xFFFFFFB0  }
0x125: {  	_ =	swait.ge [sflag:s18], $0x50  }
0x126: {  	[sflag:s18] =	ssyncset.done $0x0  }
0x127: {  	s12 =	simm.s32 $0x0;
	[sflag:s18] =	ssyncadd.s32 $0xFFFFFFB0  }
0x128: {  	[tilespmem:s24], [sflag:$0x7] =	stream.indirect.gather [hbm4b:s16+s0], $0x80, s12, s0, $0xb8;
	[tilespmem:$0x1B4C0] =	vst v63  }
0x129: {  	_ =	swait.ge [sflag:s2], $0x50  }
0x12a: {  	[sflag:s2] =	ssyncset.done $0x0  }
0x12b: {  	[sflag:s2] =	ssyncadd.s32 $0xFFFFFFB0  }
0x12c: {  	_ =	swait.ge [sflag:s3], $0x50  }
0x12d: {  	[sflag:s3] =	ssyncset.done $0x0  }
0x12e: {  	[sflag:s3] =	ssyncadd.s32 $0xFFFFFFB0  }
0x12f: {  	[tilespmem:s4], [sflag:$0x8] =	stream.indirect.gather [hbm4b:s16+s0], $0x80, s26, s0, $0xb8;
	[tilespmem:$0x1B4C0] =	vst v63  }
0x130: {  	[bflag:$0x0] =	sbarrier.arrive $0xFFFF  }
0x131: {  	s13 =	sld [smem:$0x7FD]  }
.LBB2_4:
0x132: {  	_ =	swait.ge [sflag:s5], $0x2800  }
0x133: {  	[sflag:s5] =	ssyncset.done $0x0  }
0x134: {  	[sflag:s5] =	ssyncadd.s32 $0xFFFFD800  }
0x135: {  	[spmem:s21] =	stream.indirect.scatter.add.f32 [tilespmem:s24], [sflag:$0xA], $0x80, s25, s0, $0xb8;
	[tilespmem:$0x1B4C0] =	vst v63  }
0x136: {  	_ =	swait.ge [sflag:s30], $0x2800  }
0x137: {  	[sflag:s30] =	ssyncset.done $0x0  }
0x138: {  	[sflag:s30] =	ssyncadd.s32 $0xFFFFD800  }
0x139: {  	_ =	swait.ge [sflag:s6], $0x50  }
0x13a: {  	[sflag:s6] =	ssyncset.done $0x0  }
0x13b: {  	[sflag:s6] =	ssyncadd.s32 $0xFFFFFFB0  }
0x13c: {  	_ =	swait.ge [sflag:s7], $0x50  }
0x13d: {  	[sflag:s7] =	ssyncset.done $0x0  }
0x13e: {  	s11 =	sshrl.u32 s13, $0x3;
	[sflag:s7] =	ssyncadd.s32 $0xFFFFFFB0  }
0x13f: {  	[tilespmem:s8], [sflag:$0x9] =	stream.indirect.gather [hbm4b:s16+s0], $0x80, s29, s0, $0xb8;
	[tilespmem:$0x1B4C0] =	vst v63  }
0x140: {  	s20 =	sadd.s32 s22, s11  }
0x141: {  	[tilespmem:s1], [sflag:$0x1] =	stream.linear.gather [hbm4b:s20+s1], $0x50, $0x38;
	[tilespmem:$0x1B4C0] =	vst v63  }
0x142: {  	s20 =	rddreg [dreg:$0x2]  }
0x143: {  	s11 =	sadd.s32 s20, s11  }
0x144: {  	[tilespmem:s25], [sflag:$0x4] =	stream.linear.gather [hbm4b:s11+s1], $0x50, $0x38;
	[tilespmem:$0x1B4C0] =	vst v63  }
0x145: {  	_ =	swait.ge [sflag:s9], $0x2800  }
0x146: {  	[sflag:s9] =	ssyncset.done $0x0  }
0x147: {  	[sflag:s9] =	ssyncadd.s32 $0xFFFFD800  }
0x148: {  	[spmem:s21] =	stream.indirect.scatter.add.f32 [tilespmem:s4], [sflag:$0xA], $0x80, s28, s0, $0xb8;
	[tilespmem:$0x1B4C0] =	vst v63  }
0x149: {  	_ =	swait.ge [sflag:s30], $0x2800  }
0x14a: {  	[sflag:s30] =	ssyncset.done $0x0  }
0x14b: {  	[sflag:s30] =	ssyncadd.s32 $0xFFFFD800  }
0x14c: {  	_ =	swait.ge [sflag:s31], $0x50  }
0x14d: {  	[sflag:s31] =	ssyncset.done $0x0  }
0x14e: {  	[sflag:s31] =	ssyncadd.s32 $0xFFFFFFB0  }
0x14f: {  	_ =	swait.ge [sflag:s18], $0x50  }
0x150: {  	[sflag:s18] =	ssyncset.done $0x0  }
0x151: {  	[sflag:s18] =	ssyncadd.s32 $0xFFFFFFB0  }
0x152: {  	[tilespmem:s24], [sflag:$0x7] =	stream.indirect.gather [hbm4b:s16+s0], $0x80, s1, s0, $0xb8;
	[tilespmem:$0x1B4C0] =	vst v63  }
0x153: {  	s20 =	sadd.s32 s12, s23  }
0x154: {  	[tilespmem:s26], [sflag:$0x2] =	stream.linear.gather [hbm4b:s20+s1], $0x50, $0x38;
	[tilespmem:$0x1B4C0] =	vst v63  }
0x155: {  	s20 =	sadd.s32 s12, s19  }
0x156: {  	[tilespmem:s28], [sflag:$0x5] =	stream.linear.gather [hbm4b:s20+s1], $0x50, $0x38;
	[tilespmem:$0x1B4C0] =	vst v63  }
0x157: {  	_ =	swait.ge [sflag:s10], $0x2800  }
0x158: {  	[sflag:s10] =	ssyncset.done $0x0  }
0x159: {  	[sflag:s10] =	ssyncadd.s32 $0xFFFFD800  }
0x15a: {  	[spmem:s21] =	stream.indirect.scatter.add.f32 [tilespmem:s8], [sflag:$0xA], $0x80, s14, s0, $0xb8;
	[tilespmem:$0x1B4C0] =	vst v63  }
0x15b: {  	_ =	swait.ge [sflag:s30], $0x2800  }
0x15c: {  	[sflag:s30] =	ssyncset.done $0x0  }
0x15d: {  	[sflag:s30] =	ssyncadd.s32 $0xFFFFD800  }
0x15e: {  	_ =	swait.ge [sflag:s2], $0x50  }
0x15f: {  	p1 =	seq.s32 s12, $0x4B0;
	[sflag:s2] =	ssyncset.done $0x0  }
.Ltmp3:
0x160: {  	[sflag:s2] =	ssyncadd.s32 $0xFFFFFFB0;
	(pc) =	sbr.rel @p1 .LBB2_6-.Ltmp3, $4  }
0x161: {  	_ =	swait.ge [sflag:s3], $0x50  }
0x162: {  	[sflag:s3] =	ssyncset.done $0x0  }
0x163: {  	[sflag:s3] =	ssyncadd.s32 $0xFFFFFFB0  }
0x164: {  	[tilespmem:s4], [sflag:$0x8] =	stream.indirect.gather [hbm4b:s16+s0], $0x80, s26, s0, $0xb8;
	[tilespmem:$0x1B4C0] =	vst v63  }
.Ltmp4:
0x165: {  	(pc) =	sbr.rel .LBB2_4-.Ltmp4, $4  }
0x166: {  	s11 =	sadd.s32 s12, s17  }
0x167: {  	[tilespmem:s29], [sflag:$0x3] =	stream.linear.gather [hbm4b:s11+s1], $0x50, $0x38;
	[tilespmem:$0x1B4C0] =	vst v63  }
0x168: {  	s20 =	sadd.s32 s12, s15;
	s12 =	sadd.s32 $0x1E, s12;
	s13 =	sadd.s32 $0xF0, s13  }
0x169: {  	[tilespmem:s14], [sflag:$0x6] =	stream.linear.gather [hbm4b:s20+s1], $0x50, $0x38;
	[tilespmem:$0x1B4C0] =	vst v63  }
.LBB2_7:
0x16a: {  	_ =	sfence.sel $0x180000  }
0x16b: {  	[bflag:$0x0] =	sbarrier.arrive $0xFFFF  }
0x16c: {  	_ =	strace $0x90000047  }
0x16d: {  	s0 =	stileid.u32;
	[bflag:$0x2] =	sbarrier.arrive $0xFFFF  }
0x16e: {  	p0 =	sne.s32 s0, $0x0;
	s0 =	rddreg [dreg:$0x4]  }
0x16f: {  	s0 =	sadd.s32 @!p0 $0x100000, s0  }
0x170: {  	[sflag:s0] =	ssyncadd.tile.s32 @!p0 $0x1;
	_ =	shalt  }
.Lfunc_end2:
_tile_overlayer_lowered:
.L_overlay_start_2:
0x171: {  	(tag) =	ssettag $0x2  }
0x172: {  	s0 =	rddreg [dreg:$0x0];
	s2 =	stileid.u32  }
0x173: {  	s1 =	rddreg [dreg:$0x1];
	p0 =	sne.s32 s2, $0x0  }
0x174: {  	s3 =	rddreg [dreg:$0x2];
	[bflag:$0x3] =	sbarrier.arrive $0xFFFF;
	s2 =	simm.s32 @!p0 $0x1C0A  }
0x175: {  	[timem:s3], [sflag:s2] =	dma.local @!p0 [hbm:s0], s1  }
0x176: {  	s0 =	simm.s32 @!p0 $0xA  }
0x177: {  	_ =	swait.ge @!p0 [sflag:s0], s1  }
0x178: {  	s1 =	ssub.s32 @!p0 $0x0, s1;
	[sflag:s0] =	ssyncset.done @!p0 $0x0  }
0x179: {  	[sflag:s0] =	ssyncadd.s32 @!p0 s1  }
0x17a: {  	[bflag:$0x3] =	sbarrier.arrive $0xFFFF  }
0x17b: {  	_ =	shalt  }

</sc_bundles>
